<compile_context>
chip_gen: v7x
topology: tpu7x:2x2x1
jax: 0.10.2.dev20260603
libtpu: 0.0.44.dev20260713+nightly
codegen_flags: <defaults>
</compile_context>

<pallas_src>
import functools

import jax
import jax.numpy as jnp
from jax import lax
from jax.experimental import pallas as pl
from jax.experimental.pallas import tpu as pltpu
from jax.experimental.pallas import tpu_sc as plsc

_NC = 2
_NS = 16
_L = 16
_NW = _NC * _NS

_STREAM = 128


def _matvec(table, w_row):
    vocab, emb = table.shape
    blk = 8192
    nb = 4
    steps = (vocab // blk) // nb
    obk = blk // 128

    def body(hbm_ref, w_ref, o_ref, b0, b1, b2, b3, s0, s1, s2, s3):
        bufs = (b0, b1, b2, b3)
        sems = (s0, s1, s2, s3)
        i = pl.program_id(0)

        def copy_in(block_idx, k):
            return pltpu.make_async_copy(
                hbm_ref.at[pl.ds(block_idx * blk, blk), :], bufs[k], sems[k])

        @pl.when(i == 0)
        def _():
            for k in range(nb):
                copy_in(k, k).start()

        for k in range(nb):
            copy_in(i * nb + k, k).wait()
            s = jnp.sum(bufs[k][...] * w_ref[0:1, :], axis=1)
            o_ref[pl.ds(k * obk, obk), :] = s.reshape(obk, 128)

            @pl.when(i + 1 < steps)
            def _():
                copy_in((i + 1) * nb + k, k).start()

    outs = pl.pallas_call(
        body,
        grid=(steps,),
        in_specs=[
            pl.BlockSpec(memory_space=pl.ANY),
            pl.BlockSpec((8, emb), lambda i: (0, 0)),
        ],
        out_specs=pl.BlockSpec((nb * obk, 128), lambda i: (i, 0)),
        out_shape=jax.ShapeDtypeStruct((steps * nb * obk, 128), jnp.float32),
        scratch_shapes=[pltpu.VMEM((blk, emb), jnp.float32)] * nb
        + [pltpu.SemaphoreType.DMA] * nb,
    )(table, w_row)
    outs = [outs]

    done = nb * steps * blk
    tail_rows = vocab - done
    tail_grid = pl.cdiv(tail_rows, blk)

    def tail_body(tbl_ref, w_ref, o_ref):
        s = jnp.sum(tbl_ref[...] * w_ref[0:1, :], axis=1)
        o_ref[...] = s.reshape(blk // 128, 128)

    tail = pl.pallas_call(
        tail_body,
        grid=(tail_grid,),
        in_specs=[
            pl.BlockSpec((blk, emb), lambda i: (i, 0)),
            pl.BlockSpec((8, emb), lambda i: (0, 0)),
        ],
        out_specs=pl.BlockSpec((blk // 128, 128), lambda i: (i, 0)),
        out_shape=jax.ShapeDtypeStruct((tail_grid * blk // 128, 128), jnp.float32),
    )(lax.slice_in_dim(table, done, vocab), w_row)

    return jnp.concatenate(outs + [tail], axis=0)


def _make_sc_gather(batch, hist, vocab):
    rpw = batch // _NW
    groups = rpw // _L
    chunk = hist * _L
    nstr = chunk // _STREAM

    mesh = plsc.VectorSubcoreMesh(core_axis_name="c", subcore_axis_name="s")

    unroll = 8

    @functools.partial(
        pl.kernel,
        out_type=jax.ShapeDtypeStruct((batch,), jnp.float32),
        mesh=mesh,
        scratch_types=[
            pltpu.VMEM((groups * nstr, _STREAM), jnp.int32),
            pltpu.VMEM((chunk,), jnp.float32),
            pltpu.VMEM((chunk,), jnp.float32),
            pltpu.VMEM((rpw,), jnp.float32),
            pltpu.VMEM((_L,), jnp.float32),
            pltpu.SemaphoreType.DMA,
            pltpu.SemaphoreType.DMA,
        ],
    )
    def sc_kernel(t_hbm, xt_hbm, b_hbm, out_hbm,
                  idx_v, vals_a, vals_b, res_v, b_v, sem_a, sem_b):
        wid = lax.axis_index("s") * _NC + lax.axis_index("c")
        pltpu.sync_copy(b_hbm, b_v)
        pltpu.sync_copy(xt_hbm.at[wid], idx_v)
        bvec = b_v[...]

        def fire(g, buf, sem):
            for j in range(nstr):
                pltpu.async_copy(
                    t_hbm.at[idx_v.at[g * nstr + j]],
                    buf.at[pl.ds(j * _STREAM, _STREAM)],
                    sem)

        def drain(buf, sem):
            d = pltpu.make_async_copy(
                t_hbm.at[idx_v.at[0]], buf.at[pl.ds(0, _STREAM)], sem)
            for _ in range(nstr):
                d.wait()

        def accumulate(buf, g):
            def acc_body(k, acc):
                base = k * (unroll * _L)
                for u in range(unroll):
                    acc = acc + buf[pl.ds(base + u * _L, _L)]
                return acc
            s = lax.fori_loop(0, chunk // (unroll * _L), acc_body,
                              jnp.zeros((_L,), jnp.float32))
            z = s * (1.0 / hist) + bvec
            e = jnp.exp(z + z)
            res_v[pl.ds(g * _L, _L)] = 1.0 - 2.0 / (e + 1.0)

        fire(0, vals_a, sem_a)

        def pair(i, carry):
            g_even = 2 * i
            g_odd = g_even + 1
            fire(g_odd, vals_b, sem_b)
            drain(vals_a, sem_a)
            accumulate(vals_a, g_even)

            @pl.when(g_odd + 1 < groups)
            def _():
                fire(g_odd + 1, vals_a, sem_a)
            drain(vals_b, sem_b)
            accumulate(vals_b, g_odd)
            return carry

        lax.fori_loop(0, groups // 2, pair, 0)
        pltpu.sync_copy(res_v, out_hbm.at[pl.ds(wid * rpw, rpw)])

    return sc_kernel


def kernel(x, table, W, b):
    batch, hist = x.shape
    vocab, emb = table.shape

    w_row = jnp.broadcast_to(W.reshape(1, emb), (8, emb)).astype(jnp.float32)
    t2d = _matvec(table, w_row)
    t = t2d.reshape(t2d.shape[0] * 128)

    rpw = batch // _NW
    groups = rpw // _L
    xt = x.astype(jnp.int32).reshape(_NW, groups, _L, hist)
    xt = xt.transpose(0, 1, 3, 2).reshape(_NW, groups * hist * _L // _STREAM, _STREAM)

    b16 = jnp.broadcast_to(b.astype(jnp.float32), (_L,))

    out = _make_sc_gather(batch, hist, vocab)(t, xt, b16)
    return out.reshape(batch, 1)

# --- scband reference (transcript-rebuilt; emitter-appended) ---
"""Pipeline reference for scband-emotion-predictor-180388626458 (READ-ONLY COPY).

The authoritative reference and input builder live on the scoring server;
editing this copy changes nothing except your own understanding.
"""

import jax, jax.numpy as jnp
import numpy as np

VOCAB = 1000000
EMB = 64
BATCH = 16384
HIST = 200

def setup_inputs(seed: int = 0) -> dict:
    key = jax.random.key(seed)
    k1, k2, k3, k4 = jax.random.split(key, 4)
    x = jax.random.randint(k1, (BATCH, HIST), 0, VOCAB, dtype=jnp.int64 if jax.config.jax_enable_x64 else jnp.int32)
    table = jax.random.normal(k2, (VOCAB, EMB), dtype=jnp.float32)
    W = jax.random.normal(k3, (EMB, 1), dtype=jnp.float32) * (1.0 / np.sqrt(EMB))
    b = jax.random.normal(k4, (1,), dtype=jnp.float32) * 0.01
    return {"x": x, "table": table, "W": W, "b": b}

def reference(x, table, W, b):
    # embedding lookup (gather)
    embeddings = jnp.take(table, x, axis=0)            # [B, L, EMB]
    averaged = jnp.mean(embeddings, axis=1)             # [B, EMB]
    projected = averaged @ W + b                        # [B, 1]
    return jnp.tanh(projected)

if __name__ == "__main__":
    import jax
    _d = setup_inputs()
    print(jax.jit(kernel)(*tuple(_d.values())))

</pallas_src>

<mosaic_0001>
#map = affine_map<(d0, d1) -> (0)>
#map1 = affine_map<(d0, d1) -> (0, 0, 0)>
module attributes {stable_mosaic.version = 14 : i64} {
  func.func @sc_kernel(%arg0: i32, %arg1: i32, %arg2: memref<1007616xf32, #tpu.memory_space<hbm>>, %arg3: memref<32x800x128xi32, #tpu.memory_space<hbm>>, %arg4: memref<16xf32, #tpu.memory_space<hbm>>, %arg5: memref<16384xf32, #tpu.memory_space<hbm>>, %arg6: memref<800x128xi32, #tpu.memory_space<vmem>>, %arg7: memref<3200xf32, #tpu.memory_space<vmem>>, %arg8: memref<3200xf32, #tpu.memory_space<vmem>>, %arg9: memref<512xf32, #tpu.memory_space<vmem>>, %arg10: memref<16xf32, #tpu.memory_space<vmem>>, %arg11: memref<!tpu.dma_semaphore, #tpu.memory_space<semaphore_mem>>, %arg12: memref<!tpu.dma_semaphore, #tpu.memory_space<semaphore_mem>>) attributes {dimension_semantics = [#tpu.dimension_semantics<core_parallel>, #tpu.dimension_semantics<subcore_parallel>], iteration_bounds = array<i64: 2, 16>, scalar_prefetch = 0 : i64, scratch_operands = 7 : i64, tpu.core_type = #tpu.core_type<sc_vector_subcore>, window_params = [{transform_indices = #map}, {transform_indices = #map1}, {transform_indices = #map}, {transform_indices = #map}]} {
    %mul3A = arith.constant 2 : i32
    %mul3A_0 = arith.muli %arg1, %mul3A : i32
    %add3A = arith.addi %mul3A_0, %arg0 : i32
    "tpu.region"() ({
      %run_scoped3A = tpu.sem_alloc : memref<!tpu.dma_semaphore, #tpu.memory_space<semaphore_mem>>
      tpu.enqueue_dma source(%arg4 : memref<16xf32, #tpu.memory_space<hbm>>) target(%arg10 : memref<16xf32, #tpu.memory_space<vmem>>) target_semaphore(%run_scoped3A : memref<!tpu.dma_semaphore, #tpu.memory_space<semaphore_mem>>)
      tpu.wait_dma2 semaphore(%run_scoped3A : memref<!tpu.dma_semaphore, #tpu.memory_space<semaphore_mem>>) src(%arg4 : memref<16xf32, #tpu.memory_space<hbm>>) dst(%arg10 : memref<16xf32, #tpu.memory_space<vmem>>)
      tpu.yield
    }) : () -> ()
    "tpu.region"() ({
      %run_scoped3A = tpu.sem_alloc : memref<!tpu.dma_semaphore, #tpu.memory_space<semaphore_mem>>
      %dma_start3A_209 = arith.constant 0 : i32
      %dma_start3A_210 = arith.constant 0 : i32
      %dma_start3A_211 = tpu.memref_slice %arg3[%add3A, %dma_start3A_209, %dma_start3A_210] : memref<32x800x128xi32, #tpu.memory_space<hbm>> -> memref<1x800x128xi32, #tpu.memory_space<hbm>>
      %dma_start3A_212 = tpu.memref_squeeze %dma_start3A_211 : memref<1x800x128xi32, #tpu.memory_space<hbm>> -> memref<800x128xi32, #tpu.memory_space<hbm>>
      %dma_start3A_213 = arith.constant 0 : i32
      %dma_start3A_214 = arith.constant 0 : i32
      %dma_start3A_215 = tpu.memref_slice %arg3[%add3A, %dma_start3A_213, %dma_start3A_214] : memref<32x800x128xi32, #tpu.memory_space<hbm>> -> memref<1x800x128xi32, #tpu.memory_space<hbm>>
      %dma_start3A_216 = tpu.memref_squeeze %dma_start3A_215 : memref<1x800x128xi32, #tpu.memory_space<hbm>> -> memref<800x128xi32, #tpu.memory_space<hbm>>
      tpu.enqueue_dma source(%dma_start3A_216 : memref<800x128xi32, #tpu.memory_space<hbm>>) target(%arg6 : memref<800x128xi32, #tpu.memory_space<vmem>>) target_semaphore(%run_scoped3A : memref<!tpu.dma_semaphore, #tpu.memory_space<semaphore_mem>>)
      %dma_wait3A = arith.constant 0 : i32
      %dma_wait3A_217 = arith.constant 0 : i32
      %dma_wait3A_218 = tpu.memref_slice %arg3[%add3A, %dma_wait3A, %dma_wait3A_217] : memref<32x800x128xi32, #tpu.memory_space<hbm>> -> memref<1x800x128xi32, #tpu.memory_space<hbm>>
      %dma_wait3A_219 = tpu.memref_squeeze %dma_wait3A_218 : memref<1x800x128xi32, #tpu.memory_space<hbm>> -> memref<800x128xi32, #tpu.memory_space<hbm>>
      %dma_wait3A_220 = arith.constant 0 : i32
      %dma_wait3A_221 = arith.constant 0 : i32
      %dma_wait3A_222 = tpu.memref_slice %arg3[%add3A, %dma_wait3A_220, %dma_wait3A_221] : memref<32x800x128xi32, #tpu.memory_space<hbm>> -> memref<1x800x128xi32, #tpu.memory_space<hbm>>
      %dma_wait3A_223 = tpu.memref_squeeze %dma_wait3A_222 : memref<1x800x128xi32, #tpu.memory_space<hbm>> -> memref<800x128xi32, #tpu.memory_space<hbm>>
      tpu.wait_dma2 semaphore(%run_scoped3A : memref<!tpu.dma_semaphore, #tpu.memory_space<semaphore_mem>>) src(%dma_wait3A_223 : memref<800x128xi32, #tpu.memory_space<hbm>>) dst(%arg6 : memref<800x128xi32, #tpu.memory_space<vmem>>)
      tpu.yield
    }) : () -> ()
    %get3A = arith.constant 0 : index
    %get3A_1 = tpu.vector_load %arg10[%get3A] {strides = array<i32>} : memref<16xf32, #tpu.memory_space<vmem>>, vector<16xf32>,
    %get3A_2 = vector.shape_cast %get3A_1 : vector<16xf32> to vector<16xf32>
    %dma_start3A = arith.constant 0 : i32
    %dma_start3A_3 = arith.constant 0 : i32
    %dma_start3A_4 = tpu.memref_slice %arg7[%dma_start3A_3] : memref<3200xf32, #tpu.memory_space<vmem>> -> memref<128xf32, #tpu.memory_space<vmem>>
    %dma_start3A_5 = arith.constant 0 : i32
    %dma_start3A_6 = tpu.memref_slice %arg6[%dma_start3A, %dma_start3A_5] : memref<800x128xi32, #tpu.memory_space<vmem>> -> memref<1x128xi32, #tpu.memory_space<vmem>>
    %dma_start3A_7 = tpu.memref_squeeze %dma_start3A_6 : memref<1x128xi32, #tpu.memory_space<vmem>> -> memref<128xi32, #tpu.memory_space<vmem>>
    %dma_start3A_8 = arith.constant 0 : i32
    %dma_start3A_9 = tpu.memref_slice %arg2[%dma_start3A_8] : memref<1007616xf32, #tpu.memory_space<hbm>> -> memref<1007616xf32, #tpu.memory_space<hbm>>
    tpu.enqueue_indirect_dma source(%dma_start3A_9 : memref<1007616xf32, #tpu.memory_space<hbm>>) target(%dma_start3A_4 : memref<128xf32, #tpu.memory_space<vmem>>) offsets(%dma_start3A_7 : memref<128xi32, #tpu.memory_space<vmem>>) semaphore(%arg11 : memref<!tpu.dma_semaphore, #tpu.memory_space<semaphore_mem>>)
    %dma_start3A_10 = arith.constant 1 : i32
    %dma_start3A_11 = arith.constant 128 : i32
    %dma_start3A_12 = tpu.memref_slice %arg7[%dma_start3A_11] : memref<3200xf32, #tpu.memory_space<vmem>> -> memref<128xf32, #tpu.memory_space<vmem>>
    %dma_start3A_13 = arith.constant 0 : i32
    %dma_start3A_14 = tpu.memref_slice %arg6[%dma_start3A_10, %dma_start3A_13] : memref<800x128xi32, #tpu.memory_space<vmem>> -> memref<1x128xi32, #tpu.memory_space<vmem>>
    %dma_start3A_15 = tpu.memref_squeeze %dma_start3A_14 : memref<1x128xi32, #tpu.memory_space<vmem>> -> memref<128xi32, #tpu.memory_space<vmem>>
    %dma_start3A_16 = arith.constant 0 : i32
    %dma_start3A_17 = tpu.memref_slice %arg2[%dma_start3A_16] : memref<1007616xf32, #tpu.memory_space<hbm>> -> memref<1007616xf32, #tpu.memory_space<hbm>>
    tpu.enqueue_indirect_dma source(%dma_start3A_17 : memref<1007616xf32, #tpu.memory_space<hbm>>) target(%dma_start3A_12 : memref<128xf32, #tpu.memory_space<vmem>>) offsets(%dma_start3A_15 : memref<128xi32, #tpu.memory_space<vmem>>) semaphore(%arg11 : memref<!tpu.dma_semaphore, #tpu.memory_space<semaphore_mem>>)
    %dma_start3A_18 = arith.constant 2 : i32
    %dma_start3A_19 = arith.constant 256 : i32
    %dma_start3A_20 = tpu.memref_slice %arg7[%dma_start3A_19] : memref<3200xf32, #tpu.memory_space<vmem>> -> memref<128xf32, #tpu.memory_space<vmem>>
    %dma_start3A_21 = arith.constant 0 : i32
    %dma_start3A_22 = tpu.memref_slice %arg6[%dma_start3A_18, %dma_start3A_21] : memref<800x128xi32, #tpu.memory_space<vmem>> -> memref<1x128xi32, #tpu.memory_space<vmem>>
    %dma_start3A_23 = tpu.memref_squeeze %dma_start3A_22 : memref<1x128xi32, #tpu.memory_space<vmem>> -> memref<128xi32, #tpu.memory_space<vmem>>
    %dma_start3A_24 = arith.constant 0 : i32
    %dma_start3A_25 = tpu.memref_slice %arg2[%dma_start3A_24] : memref<1007616xf32, #tpu.memory_space<hbm>> -> memref<1007616xf32, #tpu.memory_space<hbm>>
    tpu.enqueue_indirect_dma source(%dma_start3A_25 : memref<1007616xf32, #tpu.memory_space<hbm>>) target(%dma_start3A_20 : memref<128xf32, #tpu.memory_space<vmem>>) offsets(%dma_start3A_23 : memref<128xi32, #tpu.memory_space<vmem>>) semaphore(%arg11 : memref<!tpu.dma_semaphore, #tpu.memory_space<semaphore_mem>>)
    %dma_start3A_26 = arith.constant 3 : i32
    %dma_start3A_27 = arith.constant 384 : i32
    %dma_start3A_28 = tpu.memref_slice %arg7[%dma_start3A_27] : memref<3200xf32, #tpu.memory_space<vmem>> -> memref<128xf32, #tpu.memory_space<vmem>>
    %dma_start3A_29 = arith.constant 0 : i32
    %dma_start3A_30 = tpu.memref_slice %arg6[%dma_start3A_26, %dma_start3A_29] : memref<800x128xi32, #tpu.memory_space<vmem>> -> memref<1x128xi32, #tpu.memory_space<vmem>>
    %dma_start3A_31 = tpu.memref_squeeze %dma_start3A_30 : memref<1x128xi32, #tpu.memory_space<vmem>> -> memref<128xi32, #tpu.memory_space<vmem>>
    %dma_start3A_32 = arith.constant 0 : i32
    %dma_start3A_33 = tpu.memref_slice %arg2[%dma_start3A_32] : memref<1007616xf32, #tpu.memory_space<hbm>> -> memref<1007616xf32, #tpu.memory_space<hbm>>
    tpu.enqueue_indirect_dma source(%dma_start3A_33 : memref<1007616xf32, #tpu.memory_space<hbm>>) target(%dma_start3A_28 : memref<128xf32, #tpu.memory_space<vmem>>) offsets(%dma_start3A_31 : memref<128xi32, #tpu.memory_space<vmem>>) semaphore(%arg11 : memref<!tpu.dma_semaphore, #tpu.memory_space<semaphore_mem>>)
    %dma_start3A_34 = arith.constant 4 : i32
    %dma_start3A_35 = arith.constant 512 : i32
    %dma_start3A_36 = tpu.memref_slice %arg7[%dma_start3A_35] : memref<3200xf32, #tpu.memory_space<vmem>> -> memref<128xf32, #tpu.memory_space<vmem>>
    %dma_start3A_37 = arith.constant 0 : i32
    %dma_start3A_38 = tpu.memref_slice %arg6[%dma_start3A_34, %dma_start3A_37] : memref<800x128xi32, #tpu.memory_space<vmem>> -> memref<1x128xi32, #tpu.memory_space<vmem>>
    %dma_start3A_39 = tpu.memref_squeeze %dma_start3A_38 : memref<1x128xi32, #tpu.memory_space<vmem>> -> memref<128xi32, #tpu.memory_space<vmem>>
    %dma_start3A_40 = arith.constant 0 : i32
    %dma_start3A_41 = tpu.memref_slice %arg2[%dma_start3A_40] : memref<1007616xf32, #tpu.memory_space<hbm>> -> memref<1007616xf32, #tpu.memory_space<hbm>>
    tpu.enqueue_indirect_dma source(%dma_start3A_41 : memref<1007616xf32, #tpu.memory_space<hbm>>) target(%dma_start3A_36 : memref<128xf32, #tpu.memory_space<vmem>>) offsets(%dma_start3A_39 : memref<128xi32, #tpu.memory_space<vmem>>) semaphore(%arg11 : memref<!tpu.dma_semaphore, #tpu.memory_space<semaphore_mem>>)
    %dma_start3A_42 = arith.constant 5 : i32
    %dma_start3A_43 = arith.constant 640 : i32
    %dma_start3A_44 = tpu.memref_slice %arg7[%dma_start3A_43] : memref<3200xf32, #tpu.memory_space<vmem>> -> memref<128xf32, #tpu.memory_space<vmem>>
    %dma_start3A_45 = arith.constant 0 : i32
    %dma_start3A_46 = tpu.memref_slice %arg6[%dma_start3A_42, %dma_start3A_45] : memref<800x128xi32, #tpu.memory_space<vmem>> -> memref<1x128xi32, #tpu.memory_space<vmem>>
    %dma_start3A_47 = tpu.memref_squeeze %dma_start3A_46 : memref<1x128xi32, #tpu.memory_space<vmem>> -> memref<128xi32, #tpu.memory_space<vmem>>
    %dma_start3A_48 = arith.constant 0 : i32
    %dma_start3A_49 = tpu.memref_slice %arg2[%dma_start3A_48] : memref<1007616xf32, #tpu.memory_space<hbm>> -> memref<1007616xf32, #tpu.memory_space<hbm>>
    tpu.enqueue_indirect_dma source(%dma_start3A_49 : memref<1007616xf32, #tpu.memory_space<hbm>>) target(%dma_start3A_44 : memref<128xf32, #tpu.memory_space<vmem>>) offsets(%dma_start3A_47 : memref<128xi32, #tpu.memory_space<vmem>>) semaphore(%arg11 : memref<!tpu.dma_semaphore, #tpu.memory_space<semaphore_mem>>)
    %dma_start3A_50 = arith.constant 6 : i32
    %dma_start3A_51 = arith.constant 768 : i32
    %dma_start3A_52 = tpu.memref_slice %arg7[%dma_start3A_51] : memref<3200xf32, #tpu.memory_space<vmem>> -> memref<128xf32, #tpu.memory_space<vmem>>
    %dma_start3A_53 = arith.constant 0 : i32
    %dma_start3A_54 = tpu.memref_slice %arg6[%dma_start3A_50, %dma_start3A_53] : memref<800x128xi32, #tpu.memory_space<vmem>> -> memref<1x128xi32, #tpu.memory_space<vmem>>
    %dma_start3A_55 = tpu.memref_squeeze %dma_start3A_54 : memref<1x128xi32, #tpu.memory_space<vmem>> -> memref<128xi32, #tpu.memory_space<vmem>>
    %dma_start3A_56 = arith.constant 0 : i32
    %dma_start3A_57 = tpu.memref_slice %arg2[%dma_start3A_56] : memref<1007616xf32, #tpu.memory_space<hbm>> -> memref<1007616xf32, #tpu.memory_space<hbm>>
    tpu.enqueue_indirect_dma source(%dma_start3A_57 : memref<1007616xf32, #tpu.memory_space<hbm>>) target(%dma_start3A_52 : memref<128xf32, #tpu.memory_space<vmem>>) offsets(%dma_start3A_55 : memref<128xi32, #tpu.memory_space<vmem>>) semaphore(%arg11 : memref<!tpu.dma_semaphore, #tpu.memory_space<semaphore_mem>>)
    %dma_start3A_58 = arith.constant 7 : i32
    %dma_start3A_59 = arith.constant 896 : i32
    %dma_start3A_60 = tpu.memref_slice %arg7[%dma_start3A_59] : memref<3200xf32, #tpu.memory_space<vmem>> -> memref<128xf32, #tpu.memory_space<vmem>>
    %dma_start3A_61 = arith.constant 0 : i32
    %dma_start3A_62 = tpu.memref_slice %arg6[%dma_start3A_58, %dma_start3A_61] : memref<800x128xi32, #tpu.memory_space<vmem>> -> memref<1x128xi32, #tpu.memory_space<vmem>>
    %dma_start3A_63 = tpu.memref_squeeze %dma_start3A_62 : memref<1x128xi32, #tpu.memory_space<vmem>> -> memref<128xi32, #tpu.memory_space<vmem>>
    %dma_start3A_64 = arith.constant 0 : i32
    %dma_start3A_65 = tpu.memref_slice %arg2[%dma_start3A_64] : memref<1007616xf32, #tpu.memory_space<hbm>> -> memref<1007616xf32, #tpu.memory_space<hbm>>
    tpu.enqueue_indirect_dma source(%dma_start3A_65 : memref<1007616xf32, #tpu.memory_space<hbm>>) target(%dma_start3A_60 : memref<128xf32, #tpu.memory_space<vmem>>) offsets(%dma_start3A_63 : memref<128xi32, #tpu.memory_space<vmem>>) semaphore(%arg11 : memref<!tpu.dma_semaphore, #tpu.memory_space<semaphore_mem>>)
    %dma_start3A_66 = arith.constant 8 : i32
    %dma_start3A_67 = arith.constant 1024 : i32
    %dma_start3A_68 = tpu.memref_slice %arg7[%dma_start3A_67] : memref<3200xf32, #tpu.memory_space<vmem>> -> memref<128xf32, #tpu.memory_space<vmem>>
    %dma_start3A_69 = arith.constant 0 : i32
    %dma_start3A_70 = tpu.memref_slice %arg6[%dma_start3A_66, %dma_start3A_69] : memref<800x128xi32, #tpu.memory_space<vmem>> -> memref<1x128xi32, #tpu.memory_space<vmem>>
    %dma_start3A_71 = tpu.memref_squeeze %dma_start3A_70 : memref<1x128xi32, #tpu.memory_space<vmem>> -> memref<128xi32, #tpu.memory_space<vmem>>
    %dma_start3A_72 = arith.constant 0 : i32
    %dma_start3A_73 = tpu.memref_slice %arg2[%dma_start3A_72] : memref<1007616xf32, #tpu.memory_space<hbm>> -> memref<1007616xf32, #tpu.memory_space<hbm>>
    tpu.enqueue_indirect_dma source(%dma_start3A_73 : memref<1007616xf32, #tpu.memory_space<hbm>>) target(%dma_start3A_68 : memref<128xf32, #tpu.memory_space<vmem>>) offsets(%dma_start3A_71 : memref<128xi32, #tpu.memory_space<vmem>>) semaphore(%arg11 : memref<!tpu.dma_semaphore, #tpu.memory_space<semaphore_mem>>)
    %dma_start3A_74 = arith.constant 9 : i32
    %dma_start3A_75 = arith.constant 1152 : i32
    %dma_start3A_76 = tpu.memref_slice %arg7[%dma_start3A_75] : memref<3200xf32, #tpu.memory_space<vmem>> -> memref<128xf32, #tpu.memory_space<vmem>>
    %dma_start3A_77 = arith.constant 0 : i32
    %dma_start3A_78 = tpu.memref_slice %arg6[%dma_start3A_74, %dma_start3A_77] : memref<800x128xi32, #tpu.memory_space<vmem>> -> memref<1x128xi32, #tpu.memory_space<vmem>>
    %dma_start3A_79 = tpu.memref_squeeze %dma_start3A_78 : memref<1x128xi32, #tpu.memory_space<vmem>> -> memref<128xi32, #tpu.memory_space<vmem>>
    %dma_start3A_80 = arith.constant 0 : i32
    %dma_start3A_81 = tpu.memref_slice %arg2[%dma_start3A_80] : memref<1007616xf32, #tpu.memory_space<hbm>> -> memref<1007616xf32, #tpu.memory_space<hbm>>
    tpu.enqueue_indirect_dma source(%dma_start3A_81 : memref<1007616xf32, #tpu.memory_space<hbm>>) target(%dma_start3A_76 : memref<128xf32, #tpu.memory_space<vmem>>) offsets(%dma_start3A_79 : memref<128xi32, #tpu.memory_space<vmem>>) semaphore(%arg11 : memref<!tpu.dma_semaphore, #tpu.memory_space<semaphore_mem>>)
    %dma_start3A_82 = arith.constant 10 : i32
    %dma_start3A_83 = arith.constant 1280 : i32
    %dma_start3A_84 = tpu.memref_slice %arg7[%dma_start3A_83] : memref<3200xf32, #tpu.memory_space<vmem>> -> memref<128xf32, #tpu.memory_space<vmem>>
    %dma_start3A_85 = arith.constant 0 : i32
    %dma_start3A_86 = tpu.memref_slice %arg6[%dma_start3A_82, %dma_start3A_85] : memref<800x128xi32, #tpu.memory_space<vmem>> -> memref<1x128xi32, #tpu.memory_space<vmem>>
    %dma_start3A_87 = tpu.memref_squeeze %dma_start3A_86 : memref<1x128xi32, #tpu.memory_space<vmem>> -> memref<128xi32, #tpu.memory_space<vmem>>
    %dma_start3A_88 = arith.constant 0 : i32
    %dma_start3A_89 = tpu.memref_slice %arg2[%dma_start3A_88] : memref<1007616xf32, #tpu.memory_space<hbm>> -> memref<1007616xf32, #tpu.memory_space<hbm>>
    tpu.enqueue_indirect_dma source(%dma_start3A_89 : memref<1007616xf32, #tpu.memory_space<hbm>>) target(%dma_start3A_84 : memref<128xf32, #tpu.memory_space<vmem>>) offsets(%dma_start3A_87 : memref<128xi32, #tpu.memory_space<vmem>>) semaphore(%arg11 : memref<!tpu.dma_semaphore, #tpu.memory_space<semaphore_mem>>)
    %dma_start3A_90 = arith.constant 11 : i32
    %dma_start3A_91 = arith.constant 1408 : i32
    %dma_start3A_92 = tpu.memref_slice %arg7[%dma_start3A_91] : memref<3200xf32, #tpu.memory_space<vmem>> -> memref<128xf32, #tpu.memory_space<vmem>>
    %dma_start3A_93 = arith.constant 0 : i32
    %dma_start3A_94 = tpu.memref_slice %arg6[%dma_start3A_90, %dma_start3A_93] : memref<800x128xi32, #tpu.memory_space<vmem>> -> memref<1x128xi32, #tpu.memory_space<vmem>>
    %dma_start3A_95 = tpu.memref_squeeze %dma_start3A_94 : memref<1x128xi32, #tpu.memory_space<vmem>> -> memref<128xi32, #tpu.memory_space<vmem>>
    %dma_start3A_96 = arith.constant 0 : i32
    %dma_start3A_97 = tpu.memref_slice %arg2[%dma_start3A_96] : memref<1007616xf32, #tpu.memory_space<hbm>> -> memref<1007616xf32, #tpu.memory_space<hbm>>
    tpu.enqueue_indirect_dma source(%dma_start3A_97 : memref<1007616xf32, #tpu.memory_space<hbm>>) target(%dma_start3A_92 : memref<128xf32, #tpu.memory_space<vmem>>) offsets(%dma_start3A_95 : memref<128xi32, #tpu.memory_space<vmem>>) semaphore(%arg11 : memref<!tpu.dma_semaphore, #tpu.memory_space<semaphore_mem>>)
    %dma_start3A_98 = arith.constant 12 : i32
    %dma_start3A_99 = arith.constant 1536 : i32
    %dma_start3A_100 = tpu.memref_slice %arg7[%dma_start3A_99] : memref<3200xf32, #tpu.memory_space<vmem>> -> memref<128xf32, #tpu.memory_space<vmem>>
    %dma_start3A_101 = arith.constant 0 : i32
    %dma_start3A_102 = tpu.memref_slice %arg6[%dma_start3A_98, %dma_start3A_101] : memref<800x128xi32, #tpu.memory_space<vmem>> -> memref<1x128xi32, #tpu.memory_space<vmem>>
    %dma_start3A_103 = tpu.memref_squeeze %dma_start3A_102 : memref<1x128xi32, #tpu.memory_space<vmem>> -> memref<128xi32, #tpu.memory_space<vmem>>
    %dma_start3A_104 = arith.constant 0 : i32
    %dma_start3A_105 = tpu.memref_slice %arg2[%dma_start3A_104] : memref<1007616xf32, #tpu.memory_space<hbm>> -> memref<1007616xf32, #tpu.memory_space<hbm>>
    tpu.enqueue_indirect_dma source(%dma_start3A_105 : memref<1007616xf32, #tpu.memory_space<hbm>>) target(%dma_start3A_100 : memref<128xf32, #tpu.memory_space<vmem>>) offsets(%dma_start3A_103 : memref<128xi32, #tpu.memory_space<vmem>>) semaphore(%arg11 : memref<!tpu.dma_semaphore, #tpu.memory_space<semaphore_mem>>)
    %dma_start3A_106 = arith.constant 13 : i32
    %dma_start3A_107 = arith.constant 1664 : i32
    %dma_start3A_108 = tpu.memref_slice %arg7[%dma_start3A_107] : memref<3200xf32, #tpu.memory_space<vmem>> -> memref<128xf32, #tpu.memory_space<vmem>>
    %dma_start3A_109 = arith.constant 0 : i32
    %dma_start3A_110 = tpu.memref_slice %arg6[%dma_start3A_106, %dma_start3A_109] : memref<800x128xi32, #tpu.memory_space<vmem>> -> memref<1x128xi32, #tpu.memory_space<vmem>>
    %dma_start3A_111 = tpu.memref_squeeze %dma_start3A_110 : memref<1x128xi32, #tpu.memory_space<vmem>> -> memref<128xi32, #tpu.memory_space<vmem>>
    %dma_start3A_112 = arith.constant 0 : i32
    %dma_start3A_113 = tpu.memref_slice %arg2[%dma_start3A_112] : memref<1007616xf32, #tpu.memory_space<hbm>> -> memref<1007616xf32, #tpu.memory_space<hbm>>
    tpu.enqueue_indirect_dma source(%dma_start3A_113 : memref<1007616xf32, #tpu.memory_space<hbm>>) target(%dma_start3A_108 : memref<128xf32, #tpu.memory_space<vmem>>) offsets(%dma_start3A_111 : memref<128xi32, #tpu.memory_space<vmem>>) semaphore(%arg11 : memref<!tpu.dma_semaphore, #tpu.memory_space<semaphore_mem>>)
    %dma_start3A_114 = arith.constant 14 : i32
    %dma_start3A_115 = arith.constant 1792 : i32
    %dma_start3A_116 = tpu.memref_slice %arg7[%dma_start3A_115] : memref<3200xf32, #tpu.memory_space<vmem>> -> memref<128xf32, #tpu.memory_space<vmem>>
    %dma_start3A_117 = arith.constant 0 : i32
    %dma_start3A_118 = tpu.memref_slice %arg6[%dma_start3A_114, %dma_start3A_117] : memref<800x128xi32, #tpu.memory_space<vmem>> -> memref<1x128xi32, #tpu.memory_space<vmem>>
    %dma_start3A_119 = tpu.memref_squeeze %dma_start3A_118 : memref<1x128xi32, #tpu.memory_space<vmem>> -> memref<128xi32, #tpu.memory_space<vmem>>
    %dma_start3A_120 = arith.constant 0 : i32
    %dma_start3A_121 = tpu.memref_slice %arg2[%dma_start3A_120] : memref<1007616xf32, #tpu.memory_space<hbm>> -> memref<1007616xf32, #tpu.memory_space<hbm>>
    tpu.enqueue_indirect_dma source(%dma_start3A_121 : memref<1007616xf32, #tpu.memory_space<hbm>>) target(%dma_start3A_116 : memref<128xf32, #tpu.memory_space<vmem>>) offsets(%dma_start3A_119 : memref<128xi32, #tpu.memory_space<vmem>>) semaphore(%arg11 : memref<!tpu.dma_semaphore, #tpu.memory_space<semaphore_mem>>)
    %dma_start3A_122 = arith.constant 15 : i32
    %dma_start3A_123 = arith.constant 1920 : i32
    %dma_start3A_124 = tpu.memref_slice %arg7[%dma_start3A_123] : memref<3200xf32, #tpu.memory_space<vmem>> -> memref<128xf32, #tpu.memory_space<vmem>>
    %dma_start3A_125 = arith.constant 0 : i32
    %dma_start3A_126 = tpu.memref_slice %arg6[%dma_start3A_122, %dma_start3A_125] : memref<800x128xi32, #tpu.memory_space<vmem>> -> memref<1x128xi32, #tpu.memory_space<vmem>>
    %dma_start3A_127 = tpu.memref_squeeze %dma_start3A_126 : memref<1x128xi32, #tpu.memory_space<vmem>> -> memref<128xi32, #tpu.memory_space<vmem>>
    %dma_start3A_128 = arith.constant 0 : i32
    %dma_start3A_129 = tpu.memref_slice %arg2[%dma_start3A_128] : memref<1007616xf32, #tpu.memory_space<hbm>> -> memref<1007616xf32, #tpu.memory_space<hbm>>
    tpu.enqueue_indirect_dma source(%dma_start3A_129 : memref<1007616xf32, #tpu.memory_space<hbm>>) target(%dma_start3A_124 : memref<128xf32, #tpu.memory_space<vmem>>) offsets(%dma_start3A_127 : memref<128xi32, #tpu.memory_space<vmem>>) semaphore(%arg11 : memref<!tpu.dma_semaphore, #tpu.memory_space<semaphore_mem>>)
    %dma_start3A_130 = arith.constant 16 : i32
    %dma_start3A_131 = arith.constant 2048 : i32
    %dma_start3A_132 = tpu.memref_slice %arg7[%dma_start3A_131] : memref<3200xf32, #tpu.memory_space<vmem>> -> memref<128xf32, #tpu.memory_space<vmem>>
    %dma_start3A_133 = arith.constant 0 : i32
    %dma_start3A_134 = tpu.memref_slice %arg6[%dma_start3A_130, %dma_start3A_133] : memref<800x128xi32, #tpu.memory_space<vmem>> -> memref<1x128xi32, #tpu.memory_space<vmem>>
    %dma_start3A_135 = tpu.memref_squeeze %dma_start3A_134 : memref<1x128xi32, #tpu.memory_space<vmem>> -> memref<128xi32, #tpu.memory_space<vmem>>
    %dma_start3A_136 = arith.constant 0 : i32
    %dma_start3A_137 = tpu.memref_slice %arg2[%dma_start3A_136] : memref<1007616xf32, #tpu.memory_space<hbm>> -> memref<1007616xf32, #tpu.memory_space<hbm>>
    tpu.enqueue_indirect_dma source(%dma_start3A_137 : memref<1007616xf32, #tpu.memory_space<hbm>>) target(%dma_start3A_132 : memref<128xf32, #tpu.memory_space<vmem>>) offsets(%dma_start3A_135 : memref<128xi32, #tpu.memory_space<vmem>>) semaphore(%arg11 : memref<!tpu.dma_semaphore, #tpu.memory_space<semaphore_mem>>)
    %dma_start3A_138 = arith.constant 17 : i32
    %dma_start3A_139 = arith.constant 2176 : i32
    %dma_start3A_140 = tpu.memref_slice %arg7[%dma_start3A_139] : memref<3200xf32, #tpu.memory_space<vmem>> -> memref<128xf32, #tpu.memory_space<vmem>>
    %dma_start3A_141 = arith.constant 0 : i32
    %dma_start3A_142 = tpu.memref_slice %arg6[%dma_start3A_138, %dma_start3A_141] : memref<800x128xi32, #tpu.memory_space<vmem>> -> memref<1x128xi32, #tpu.memory_space<vmem>>
    %dma_start3A_143 = tpu.memref_squeeze %dma_start3A_142 : memref<1x128xi32, #tpu.memory_space<vmem>> -> memref<128xi32, #tpu.memory_space<vmem>>
    %dma_start3A_144 = arith.constant 0 : i32
    %dma_start3A_145 = tpu.memref_slice %arg2[%dma_start3A_144] : memref<1007616xf32, #tpu.memory_space<hbm>> -> memref<1007616xf32, #tpu.memory_space<hbm>>
    tpu.enqueue_indirect_dma source(%dma_start3A_145 : memref<1007616xf32, #tpu.memory_space<hbm>>) target(%dma_start3A_140 : memref<128xf32, #tpu.memory_space<vmem>>) offsets(%dma_start3A_143 : memref<128xi32, #tpu.memory_space<vmem>>) semaphore(%arg11 : memref<!tpu.dma_semaphore, #tpu.memory_space<semaphore_mem>>)
    %dma_start3A_146 = arith.constant 18 : i32
    %dma_start3A_147 = arith.constant 2304 : i32
    %dma_start3A_148 = tpu.memref_slice %arg7[%dma_start3A_147] : memref<3200xf32, #tpu.memory_space<vmem>> -> memref<128xf32, #tpu.memory_space<vmem>>
    %dma_start3A_149 = arith.constant 0 : i32
    %dma_start3A_150 = tpu.memref_slice %arg6[%dma_start3A_146, %dma_start3A_149] : memref<800x128xi32, #tpu.memory_space<vmem>> -> memref<1x128xi32, #tpu.memory_space<vmem>>
    %dma_start3A_151 = tpu.memref_squeeze %dma_start3A_150 : memref<1x128xi32, #tpu.memory_space<vmem>> -> memref<128xi32, #tpu.memory_space<vmem>>
    %dma_start3A_152 = arith.constant 0 : i32
    %dma_start3A_153 = tpu.memref_slice %arg2[%dma_start3A_152] : memref<1007616xf32, #tpu.memory_space<hbm>> -> memref<1007616xf32, #tpu.memory_space<hbm>>
    tpu.enqueue_indirect_dma source(%dma_start3A_153 : memref<1007616xf32, #tpu.memory_space<hbm>>) target(%dma_start3A_148 : memref<128xf32, #tpu.memory_space<vmem>>) offsets(%dma_start3A_151 : memref<128xi32, #tpu.memory_space<vmem>>) semaphore(%arg11 : memref<!tpu.dma_semaphore, #tpu.memory_space<semaphore_mem>>)
    %dma_start3A_154 = arith.constant 19 : i32
    %dma_start3A_155 = arith.constant 2432 : i32
    %dma_start3A_156 = tpu.memref_slice %arg7[%dma_start3A_155] : memref<3200xf32, #tpu.memory_space<vmem>> -> memref<128xf32, #tpu.memory_space<vmem>>
    %dma_start3A_157 = arith.constant 0 : i32
    %dma_start3A_158 = tpu.memref_slice %arg6[%dma_start3A_154, %dma_start3A_157] : memref<800x128xi32, #tpu.memory_space<vmem>> -> memref<1x128xi32, #tpu.memory_space<vmem>>
    %dma_start3A_159 = tpu.memref_squeeze %dma_start3A_158 : memref<1x128xi32, #tpu.memory_space<vmem>> -> memref<128xi32, #tpu.memory_space<vmem>>
    %dma_start3A_160 = arith.constant 0 : i32
    %dma_start3A_161 = tpu.memref_slice %arg2[%dma_start3A_160] : memref<1007616xf32, #tpu.memory_space<hbm>> -> memref<1007616xf32, #tpu.memory_space<hbm>>
    tpu.enqueue_indirect_dma source(%dma_start3A_161 : memref<1007616xf32, #tpu.memory_space<hbm>>) target(%dma_start3A_156 : memref<128xf32, #tpu.memory_space<vmem>>) offsets(%dma_start3A_159 : memref<128xi32, #tpu.memory_space<vmem>>) semaphore(%arg11 : memref<!tpu.dma_semaphore, #tpu.memory_space<semaphore_mem>>)
    %dma_start3A_162 = arith.constant 20 : i32
    %dma_start3A_163 = arith.constant 2560 : i32
    %dma_start3A_164 = tpu.memref_slice %arg7[%dma_start3A_163] : memref<3200xf32, #tpu.memory_space<vmem>> -> memref<128xf32, #tpu.memory_space<vmem>>
    %dma_start3A_165 = arith.constant 0 : i32
    %dma_start3A_166 = tpu.memref_slice %arg6[%dma_start3A_162, %dma_start3A_165] : memref<800x128xi32, #tpu.memory_space<vmem>> -> memref<1x128xi32, #tpu.memory_space<vmem>>
    %dma_start3A_167 = tpu.memref_squeeze %dma_start3A_166 : memref<1x128xi32, #tpu.memory_space<vmem>> -> memref<128xi32, #tpu.memory_space<vmem>>
    %dma_start3A_168 = arith.constant 0 : i32
    %dma_start3A_169 = tpu.memref_slice %arg2[%dma_start3A_168] : memref<1007616xf32, #tpu.memory_space<hbm>> -> memref<1007616xf32, #tpu.memory_space<hbm>>
    tpu.enqueue_indirect_dma source(%dma_start3A_169 : memref<1007616xf32, #tpu.memory_space<hbm>>) target(%dma_start3A_164 : memref<128xf32, #tpu.memory_space<vmem>>) offsets(%dma_start3A_167 : memref<128xi32, #tpu.memory_space<vmem>>) semaphore(%arg11 : memref<!tpu.dma_semaphore, #tpu.memory_space<semaphore_mem>>)
    %dma_start3A_170 = arith.constant 21 : i32
    %dma_start3A_171 = arith.constant 2688 : i32
    %dma_start3A_172 = tpu.memref_slice %arg7[%dma_start3A_171] : memref<3200xf32, #tpu.memory_space<vmem>> -> memref<128xf32, #tpu.memory_space<vmem>>
    %dma_start3A_173 = arith.constant 0 : i32
    %dma_start3A_174 = tpu.memref_slice %arg6[%dma_start3A_170, %dma_start3A_173] : memref<800x128xi32, #tpu.memory_space<vmem>> -> memref<1x128xi32, #tpu.memory_space<vmem>>
    %dma_start3A_175 = tpu.memref_squeeze %dma_start3A_174 : memref<1x128xi32, #tpu.memory_space<vmem>> -> memref<128xi32, #tpu.memory_space<vmem>>
    %dma_start3A_176 = arith.constant 0 : i32
    %dma_start3A_177 = tpu.memref_slice %arg2[%dma_start3A_176] : memref<1007616xf32, #tpu.memory_space<hbm>> -> memref<1007616xf32, #tpu.memory_space<hbm>>
    tpu.enqueue_indirect_dma source(%dma_start3A_177 : memref<1007616xf32, #tpu.memory_space<hbm>>) target(%dma_start3A_172 : memref<128xf32, #tpu.memory_space<vmem>>) offsets(%dma_start3A_175 : memref<128xi32, #tpu.memory_space<vmem>>) semaphore(%arg11 : memref<!tpu.dma_semaphore, #tpu.memory_space<semaphore_mem>>)
    %dma_start3A_178 = arith.constant 22 : i32
    %dma_start3A_179 = arith.constant 2816 : i32
    %dma_start3A_180 = tpu.memref_slice %arg7[%dma_start3A_179] : memref<3200xf32, #tpu.memory_space<vmem>> -> memref<128xf32, #tpu.memory_space<vmem>>
    %dma_start3A_181 = arith.constant 0 : i32
    %dma_start3A_182 = tpu.memref_slice %arg6[%dma_start3A_178, %dma_start3A_181] : memref<800x128xi32, #tpu.memory_space<vmem>> -> memref<1x128xi32, #tpu.memory_space<vmem>>
    %dma_start3A_183 = tpu.memref_squeeze %dma_start3A_182 : memref<1x128xi32, #tpu.memory_space<vmem>> -> memref<128xi32, #tpu.memory_space<vmem>>
    %dma_start3A_184 = arith.constant 0 : i32
    %dma_start3A_185 = tpu.memref_slice %arg2[%dma_start3A_184] : memref<1007616xf32, #tpu.memory_space<hbm>> -> memref<1007616xf32, #tpu.memory_space<hbm>>
    tpu.enqueue_indirect_dma source(%dma_start3A_185 : memref<1007616xf32, #tpu.memory_space<hbm>>) target(%dma_start3A_180 : memref<128xf32, #tpu.memory_space<vmem>>) offsets(%dma_start3A_183 : memref<128xi32, #tpu.memory_space<vmem>>) semaphore(%arg11 : memref<!tpu.dma_semaphore, #tpu.memory_space<semaphore_mem>>)
    %dma_start3A_186 = arith.constant 23 : i32
    %dma_start3A_187 = arith.constant 2944 : i32
    %dma_start3A_188 = tpu.memref_slice %arg7[%dma_start3A_187] : memref<3200xf32, #tpu.memory_space<vmem>> -> memref<128xf32, #tpu.memory_space<vmem>>
    %dma_start3A_189 = arith.constant 0 : i32
    %dma_start3A_190 = tpu.memref_slice %arg6[%dma_start3A_186, %dma_start3A_189] : memref<800x128xi32, #tpu.memory_space<vmem>> -> memref<1x128xi32, #tpu.memory_space<vmem>>
    %dma_start3A_191 = tpu.memref_squeeze %dma_start3A_190 : memref<1x128xi32, #tpu.memory_space<vmem>> -> memref<128xi32, #tpu.memory_space<vmem>>
    %dma_start3A_192 = arith.constant 0 : i32
    %dma_start3A_193 = tpu.memref_slice %arg2[%dma_start3A_192] : memref<1007616xf32, #tpu.memory_space<hbm>> -> memref<1007616xf32, #tpu.memory_space<hbm>>
    tpu.enqueue_indirect_dma source(%dma_start3A_193 : memref<1007616xf32, #tpu.memory_space<hbm>>) target(%dma_start3A_188 : memref<128xf32, #tpu.memory_space<vmem>>) offsets(%dma_start3A_191 : memref<128xi32, #tpu.memory_space<vmem>>) semaphore(%arg11 : memref<!tpu.dma_semaphore, #tpu.memory_space<semaphore_mem>>)
    %dma_start3A_194 = arith.constant 24 : i32
    %dma_start3A_195 = arith.constant 3072 : i32
    %dma_start3A_196 = tpu.memref_slice %arg7[%dma_start3A_195] : memref<3200xf32, #tpu.memory_space<vmem>> -> memref<128xf32, #tpu.memory_space<vmem>>
    %dma_start3A_197 = arith.constant 0 : i32
    %dma_start3A_198 = tpu.memref_slice %arg6[%dma_start3A_194, %dma_start3A_197] : memref<800x128xi32, #tpu.memory_space<vmem>> -> memref<1x128xi32, #tpu.memory_space<vmem>>
    %dma_start3A_199 = tpu.memref_squeeze %dma_start3A_198 : memref<1x128xi32, #tpu.memory_space<vmem>> -> memref<128xi32, #tpu.memory_space<vmem>>
    %dma_start3A_200 = arith.constant 0 : i32
    %dma_start3A_201 = tpu.memref_slice %arg2[%dma_start3A_200] : memref<1007616xf32, #tpu.memory_space<hbm>> -> memref<1007616xf32, #tpu.memory_space<hbm>>
    tpu.enqueue_indirect_dma source(%dma_start3A_201 : memref<1007616xf32, #tpu.memory_space<hbm>>) target(%dma_start3A_196 : memref<128xf32, #tpu.memory_space<vmem>>) offsets(%dma_start3A_199 : memref<128xi32, #tpu.memory_space<vmem>>) semaphore(%arg11 : memref<!tpu.dma_semaphore, #tpu.memory_space<semaphore_mem>>)
    %scan3A = arith.constant 0 : i32
    %scan3A_202 = arith.constant 0 : i32
    %scan3A_203 = arith.constant 16 : i32
    %scan3A_204 = arith.addi %scan3A_202, %scan3A_203 : i32
    %scan3A_205 = arith.constant 1 : i32
    scf.for %scan3A_209 = %scan3A_202 to %scan3A_204 step %scan3A_205  : i32 {
      %mul3A_210 = arith.constant 2 : i32
      %mul3A_211 = arith.muli %mul3A_210, %scan3A_209 : i32
      %add3A_212 = arith.constant 1 : i32
      %add3A_213 = arith.addi %mul3A_211, %add3A_212 : i32
      %mul3A_214 = arith.constant 25 : i32
      %mul3A_215 = arith.muli %add3A_213, %mul3A_214 : i32
      %add3A_216 = arith.constant 0 : i32
      %add3A_217 = arith.addi %mul3A_215, %add3A_216 : i32
      %dma_start3A_218 = arith.constant 0 : i32
      %dma_start3A_219 = tpu.memref_slice %arg8[%dma_start3A_218] : memref<3200xf32, #tpu.memory_space<vmem>> -> memref<128xf32, #tpu.memory_space<vmem>>
      %dma_start3A_220 = arith.constant 0 : i32
      %dma_start3A_221 = tpu.memref_slice %arg6[%add3A_217, %dma_start3A_220] : memref<800x128xi32, #tpu.memory_space<vmem>> -> memref<1x128xi32, #tpu.memory_space<vmem>>
      %dma_start3A_222 = tpu.memref_squeeze %dma_start3A_221 : memref<1x128xi32, #tpu.memory_space<vmem>> -> memref<128xi32, #tpu.memory_space<vmem>>
      %dma_start3A_223 = arith.constant 0 : i32
      %dma_start3A_224 = tpu.memref_slice %arg2[%dma_start3A_223] : memref<1007616xf32, #tpu.memory_space<hbm>> -> memref<1007616xf32, #tpu.memory_space<hbm>>
      tpu.enqueue_indirect_dma source(%dma_start3A_224 : memref<1007616xf32, #tpu.memory_space<hbm>>) target(%dma_start3A_219 : memref<128xf32, #tpu.memory_space<vmem>>) offsets(%dma_start3A_222 : memref<128xi32, #tpu.memory_space<vmem>>) semaphore(%arg12 : memref<!tpu.dma_semaphore, #tpu.memory_space<semaphore_mem>>)
      %mul3A_225 = arith.constant 25 : i32
      %mul3A_226 = arith.muli %add3A_213, %mul3A_225 : i32
      %add3A_227 = arith.constant 1 : i32
      %add3A_228 = arith.addi %mul3A_226, %add3A_227 : i32
      %dma_start3A_229 = arith.constant 128 : i32
      %dma_start3A_230 = tpu.memref_slice %arg8[%dma_start3A_229] : memref<3200xf32, #tpu.memory_space<vmem>> -> memref<128xf32, #tpu.memory_space<vmem>>
      %dma_start3A_231 = arith.constant 0 : i32
      %dma_start3A_232 = tpu.memref_slice %arg6[%add3A_228, %dma_start3A_231] : memref<800x128xi32, #tpu.memory_space<vmem>> -> memref<1x128xi32, #tpu.memory_space<vmem>>
      %dma_start3A_233 = tpu.memref_squeeze %dma_start3A_232 : memref<1x128xi32, #tpu.memory_space<vmem>> -> memref<128xi32, #tpu.memory_space<vmem>>
      %dma_start3A_234 = arith.constant 0 : i32
      %dma_start3A_235 = tpu.memref_slice %arg2[%dma_start3A_234] : memref<1007616xf32, #tpu.memory_space<hbm>> -> memref<1007616xf32, #tpu.memory_space<hbm>>
      tpu.enqueue_indirect_dma source(%dma_start3A_235 : memref<1007616xf32, #tpu.memory_space<hbm>>) target(%dma_start3A_230 : memref<128xf32, #tpu.memory_space<vmem>>) offsets(%dma_start3A_233 : memref<128xi32, #tpu.memory_space<vmem>>) semaphore(%arg12 : memref<!tpu.dma_semaphore, #tpu.memory_space<semaphore_mem>>)
      %mul3A_236 = arith.constant 25 : i32
      %mul3A_237 = arith.muli %add3A_213, %mul3A_236 : i32
      %add3A_238 = arith.constant 2 : i32
      %add3A_239 = arith.addi %mul3A_237, %add3A_238 : i32
      %dma_start3A_240 = arith.constant 256 : i32
      %dma_start3A_241 = tpu.memref_slice %arg8[%dma_start3A_240] : memref<3200xf32, #tpu.memory_space<vmem>> -> memref<128xf32, #tpu.memory_space<vmem>>
      %dma_start3A_242 = arith.constant 0 : i32
      %dma_start3A_243 = tpu.memref_slice %arg6[%add3A_239, %dma_start3A_242] : memref<800x128xi32, #tpu.memory_space<vmem>> -> memref<1x128xi32, #tpu.memory_space<vmem>>
      %dma_start3A_244 = tpu.memref_squeeze %dma_start3A_243 : memref<1x128xi32, #tpu.memory_space<vmem>> -> memref<128xi32, #tpu.memory_space<vmem>>
      %dma_start3A_245 = arith.constant 0 : i32
      %dma_start3A_246 = tpu.memref_slice %arg2[%dma_start3A_245] : memref<1007616xf32, #tpu.memory_space<hbm>> -> memref<1007616xf32, #tpu.memory_space<hbm>>
      tpu.enqueue_indirect_dma source(%dma_start3A_246 : memref<1007616xf32, #tpu.memory_space<hbm>>) target(%dma_start3A_241 : memref<128xf32, #tpu.memory_space<vmem>>) offsets(%dma_start3A_244 : memref<128xi32, #tpu.memory_space<vmem>>) semaphore(%arg12 : memref<!tpu.dma_semaphore, #tpu.memory_space<semaphore_mem>>)
      %mul3A_247 = arith.constant 25 : i32
      %mul3A_248 = arith.muli %add3A_213, %mul3A_247 : i32
      %add3A_249 = arith.constant 3 : i32
      %add3A_250 = arith.addi %mul3A_248, %add3A_249 : i32
      %dma_start3A_251 = arith.constant 384 : i32
      %dma_start3A_252 = tpu.memref_slice %arg8[%dma_start3A_251] : memref<3200xf32, #tpu.memory_space<vmem>> -> memref<128xf32, #tpu.memory_space<vmem>>
      %dma_start3A_253 = arith.constant 0 : i32
      %dma_start3A_254 = tpu.memref_slice %arg6[%add3A_250, %dma_start3A_253] : memref<800x128xi32, #tpu.memory_space<vmem>> -> memref<1x128xi32, #tpu.memory_space<vmem>>
      %dma_start3A_255 = tpu.memref_squeeze %dma_start3A_254 : memref<1x128xi32, #tpu.memory_space<vmem>> -> memref<128xi32, #tpu.memory_space<vmem>>
      %dma_start3A_256 = arith.constant 0 : i32
      %dma_start3A_257 = tpu.memref_slice %arg2[%dma_start3A_256] : memref<1007616xf32, #tpu.memory_space<hbm>> -> memref<1007616xf32, #tpu.memory_space<hbm>>
      tpu.enqueue_indirect_dma source(%dma_start3A_257 : memref<1007616xf32, #tpu.memory_space<hbm>>) target(%dma_start3A_252 : memref<128xf32, #tpu.memory_space<vmem>>) offsets(%dma_start3A_255 : memref<128xi32, #tpu.memory_space<vmem>>) semaphore(%arg12 : memref<!tpu.dma_semaphore, #tpu.memory_space<semaphore_mem>>)
      %mul3A_258 = arith.constant 25 : i32
      %mul3A_259 = arith.muli %add3A_213, %mul3A_258 : i32
      %add3A_260 = arith.constant 4 : i32
      %add3A_261 = arith.addi %mul3A_259, %add3A_260 : i32
      %dma_start3A_262 = arith.constant 512 : i32
      %dma_start3A_263 = tpu.memref_slice %arg8[%dma_start3A_262] : memref<3200xf32, #tpu.memory_space<vmem>> -> memref<128xf32, #tpu.memory_space<vmem>>
      %dma_start3A_264 = arith.constant 0 : i32
      %dma_start3A_265 = tpu.memref_slice %arg6[%add3A_261, %dma_start3A_264] : memref<800x128xi32, #tpu.memory_space<vmem>> -> memref<1x128xi32, #tpu.memory_space<vmem>>
      %dma_start3A_266 = tpu.memref_squeeze %dma_start3A_265 : memref<1x128xi32, #tpu.memory_space<vmem>> -> memref<128xi32, #tpu.memory_space<vmem>>
      %dma_start3A_267 = arith.constant 0 : i32
      %dma_start3A_268 = tpu.memref_slice %arg2[%dma_start3A_267] : memref<1007616xf32, #tpu.memory_space<hbm>> -> memref<1007616xf32, #tpu.memory_space<hbm>>
      tpu.enqueue_indirect_dma source(%dma_start3A_268 : memref<1007616xf32, #tpu.memory_space<hbm>>) target(%dma_start3A_263 : memref<128xf32, #tpu.memory_space<vmem>>) offsets(%dma_start3A_266 : memref<128xi32, #tpu.memory_space<vmem>>) semaphore(%arg12 : memref<!tpu.dma_semaphore, #tpu.memory_space<semaphore_mem>>)
      %mul3A_269 = arith.constant 25 : i32
      %mul3A_270 = arith.muli %add3A_213, %mul3A_269 : i32
      %add3A_271 = arith.constant 5 : i32
      %add3A_272 = arith.addi %mul3A_270, %add3A_271 : i32
      %dma_start3A_273 = arith.constant 640 : i32
      %dma_start3A_274 = tpu.memref_slice %arg8[%dma_start3A_273] : memref<3200xf32, #tpu.memory_space<vmem>> -> memref<128xf32, #tpu.memory_space<vmem>>
      %dma_start3A_275 = arith.constant 0 : i32
      %dma_start3A_276 = tpu.memref_slice %arg6[%add3A_272, %dma_start3A_275] : memref<800x128xi32, #tpu.memory_space<vmem>> -> memref<1x128xi32, #tpu.memory_space<vmem>>
      %dma_start3A_277 = tpu.memref_squeeze %dma_start3A_276 : memref<1x128xi32, #tpu.memory_space<vmem>> -> memref<128xi32, #tpu.memory_space<vmem>>
      %dma_start3A_278 = arith.constant 0 : i32
      %dma_start3A_279 = tpu.memref_slice %arg2[%dma_start3A_278] : memref<1007616xf32, #tpu.memory_space<hbm>> -> memref<1007616xf32, #tpu.memory_space<hbm>>
      tpu.enqueue_indirect_dma source(%dma_start3A_279 : memref<1007616xf32, #tpu.memory_space<hbm>>) target(%dma_start3A_274 : memref<128xf32, #tpu.memory_space<vmem>>) offsets(%dma_start3A_277 : memref<128xi32, #tpu.memory_space<vmem>>) semaphore(%arg12 : memref<!tpu.dma_semaphore, #tpu.memory_space<semaphore_mem>>)
      %mul3A_280 = arith.constant 25 : i32
      %mul3A_281 = arith.muli %add3A_213, %mul3A_280 : i32
      %add3A_282 = arith.constant 6 : i32
      %add3A_283 = arith.addi %mul3A_281, %add3A_282 : i32
      %dma_start3A_284 = arith.constant 768 : i32
      %dma_start3A_285 = tpu.memref_slice %arg8[%dma_start3A_284] : memref<3200xf32, #tpu.memory_space<vmem>> -> memref<128xf32, #tpu.memory_space<vmem>>
      %dma_start3A_286 = arith.constant 0 : i32
      %dma_start3A_287 = tpu.memref_slice %arg6[%add3A_283, %dma_start3A_286] : memref<800x128xi32, #tpu.memory_space<vmem>> -> memref<1x128xi32, #tpu.memory_space<vmem>>
      %dma_start3A_288 = tpu.memref_squeeze %dma_start3A_287 : memref<1x128xi32, #tpu.memory_space<vmem>> -> memref<128xi32, #tpu.memory_space<vmem>>
      %dma_start3A_289 = arith.constant 0 : i32
      %dma_start3A_290 = tpu.memref_slice %arg2[%dma_start3A_289] : memref<1007616xf32, #tpu.memory_space<hbm>> -> memref<1007616xf32, #tpu.memory_space<hbm>>
      tpu.enqueue_indirect_dma source(%dma_start3A_290 : memref<1007616xf32, #tpu.memory_space<hbm>>) target(%dma_start3A_285 : memref<128xf32, #tpu.memory_space<vmem>>) offsets(%dma_start3A_288 : memref<128xi32, #tpu.memory_space<vmem>>) semaphore(%arg12 : memref<!tpu.dma_semaphore, #tpu.memory_space<semaphore_mem>>)
      %mul3A_291 = arith.constant 25 : i32
      %mul3A_292 = arith.muli %add3A_213, %mul3A_291 : i32
      %add3A_293 = arith.constant 7 : i32
      %add3A_294 = arith.addi %mul3A_292, %add3A_293 : i32
      %dma_start3A_295 = arith.constant 896 : i32
      %dma_start3A_296 = tpu.memref_slice %arg8[%dma_start3A_295] : memref<3200xf32, #tpu.memory_space<vmem>> -> memref<128xf32, #tpu.memory_space<vmem>>
      %dma_start3A_297 = arith.constant 0 : i32
      %dma_start3A_298 = tpu.memref_slice %arg6[%add3A_294, %dma_start3A_297] : memref<800x128xi32, #tpu.memory_space<vmem>> -> memref<1x128xi32, #tpu.memory_space<vmem>>
      %dma_start3A_299 = tpu.memref_squeeze %dma_start3A_298 : memref<1x128xi32, #tpu.memory_space<vmem>> -> memref<128xi32, #tpu.memory_space<vmem>>
      %dma_start3A_300 = arith.constant 0 : i32
      %dma_start3A_301 = tpu.memref_slice %arg2[%dma_start3A_300] : memref<1007616xf32, #tpu.memory_space<hbm>> -> memref<1007616xf32, #tpu.memory_space<hbm>>
      tpu.enqueue_indirect_dma source(%dma_start3A_301 : memref<1007616xf32, #tpu.memory_space<hbm>>) target(%dma_start3A_296 : memref<128xf32, #tpu.memory_space<vmem>>) offsets(%dma_start3A_299 : memref<128xi32, #tpu.memory_space<vmem>>) semaphore(%arg12 : memref<!tpu.dma_semaphore, #tpu.memory_space<semaphore_mem>>)
      %mul3A_302 = arith.constant 25 : i32
      %mul3A_303 = arith.muli %add3A_213, %mul3A_302 : i32
      %add3A_304 = arith.constant 8 : i32
      %add3A_305 = arith.addi %mul3A_303, %add3A_304 : i32
      %dma_start3A_306 = arith.constant 1024 : i32
      %dma_start3A_307 = tpu.memref_slice %arg8[%dma_start3A_306] : memref<3200xf32, #tpu.memory_space<vmem>> -> memref<128xf32, #tpu.memory_space<vmem>>
      %dma_start3A_308 = arith.constant 0 : i32
      %dma_start3A_309 = tpu.memref_slice %arg6[%add3A_305, %dma_start3A_308] : memref<800x128xi32, #tpu.memory_space<vmem>> -> memref<1x128xi32, #tpu.memory_space<vmem>>
      %dma_start3A_310 = tpu.memref_squeeze %dma_start3A_309 : memref<1x128xi32, #tpu.memory_space<vmem>> -> memref<128xi32, #tpu.memory_space<vmem>>
      %dma_start3A_311 = arith.constant 0 : i32
      %dma_start3A_312 = tpu.memref_slice %arg2[%dma_start3A_311] : memref<1007616xf32, #tpu.memory_space<hbm>> -> memref<1007616xf32, #tpu.memory_space<hbm>>
      tpu.enqueue_indirect_dma source(%dma_start3A_312 : memref<1007616xf32, #tpu.memory_space<hbm>>) target(%dma_start3A_307 : memref<128xf32, #tpu.memory_space<vmem>>) offsets(%dma_start3A_310 : memref<128xi32, #tpu.memory_space<vmem>>) semaphore(%arg12 : memref<!tpu.dma_semaphore, #tpu.memory_space<semaphore_mem>>)
      %mul3A_313 = arith.constant 25 : i32
      %mul3A_314 = arith.muli %add3A_213, %mul3A_313 : i32
      %add3A_315 = arith.constant 9 : i32
      %add3A_316 = arith.addi %mul3A_314, %add3A_315 : i32
      %dma_start3A_317 = arith.constant 1152 : i32
      %dma_start3A_318 = tpu.memref_slice %arg8[%dma_start3A_317] : memref<3200xf32, #tpu.memory_space<vmem>> -> memref<128xf32, #tpu.memory_space<vmem>>
      %dma_start3A_319 = arith.constant 0 : i32
      %dma_start3A_320 = tpu.memref_slice %arg6[%add3A_316, %dma_start3A_319] : memref<800x128xi32, #tpu.memory_space<vmem>> -> memref<1x128xi32, #tpu.memory_space<vmem>>
      %dma_start3A_321 = tpu.memref_squeeze %dma_start3A_320 : memref<1x128xi32, #tpu.memory_space<vmem>> -> memref<128xi32, #tpu.memory_space<vmem>>
      %dma_start3A_322 = arith.constant 0 : i32
      %dma_start3A_323 = tpu.memref_slice %arg2[%dma_start3A_322] : memref<1007616xf32, #tpu.memory_space<hbm>> -> memref<1007616xf32, #tpu.memory_space<hbm>>
      tpu.enqueue_indirect_dma source(%dma_start3A_323 : memref<1007616xf32, #tpu.memory_space<hbm>>) target(%dma_start3A_318 : memref<128xf32, #tpu.memory_space<vmem>>) offsets(%dma_start3A_321 : memref<128xi32, #tpu.memory_space<vmem>>) semaphore(%arg12 : memref<!tpu.dma_semaphore, #tpu.memory_space<semaphore_mem>>)
      %mul3A_324 = arith.constant 25 : i32
      %mul3A_325 = arith.muli %add3A_213, %mul3A_324 : i32
      %add3A_326 = arith.constant 10 : i32
      %add3A_327 = arith.addi %mul3A_325, %add3A_326 : i32
      %dma_start3A_328 = arith.constant 1280 : i32
      %dma_start3A_329 = tpu.memref_slice %arg8[%dma_start3A_328] : memref<3200xf32, #tpu.memory_space<vmem>> -> memref<128xf32, #tpu.memory_space<vmem>>
      %dma_start3A_330 = arith.constant 0 : i32
      %dma_start3A_331 = tpu.memref_slice %arg6[%add3A_327, %dma_start3A_330] : memref<800x128xi32, #tpu.memory_space<vmem>> -> memref<1x128xi32, #tpu.memory_space<vmem>>
      %dma_start3A_332 = tpu.memref_squeeze %dma_start3A_331 : memref<1x128xi32, #tpu.memory_space<vmem>> -> memref<128xi32, #tpu.memory_space<vmem>>
      %dma_start3A_333 = arith.constant 0 : i32
      %dma_start3A_334 = tpu.memref_slice %arg2[%dma_start3A_333] : memref<1007616xf32, #tpu.memory_space<hbm>> -> memref<1007616xf32, #tpu.memory_space<hbm>>
      tpu.enqueue_indirect_dma source(%dma_start3A_334 : memref<1007616xf32, #tpu.memory_space<hbm>>) target(%dma_start3A_329 : memref<128xf32, #tpu.memory_space<vmem>>) offsets(%dma_start3A_332 : memref<128xi32, #tpu.memory_space<vmem>>) semaphore(%arg12 : memref<!tpu.dma_semaphore, #tpu.memory_space<semaphore_mem>>)
      %mul3A_335 = arith.constant 25 : i32
      %mul3A_336 = arith.muli %add3A_213, %mul3A_335 : i32
      %add3A_337 = arith.constant 11 : i32
      %add3A_338 = arith.addi %mul3A_336, %add3A_337 : i32
      %dma_start3A_339 = arith.constant 1408 : i32
      %dma_start3A_340 = tpu.memref_slice %arg8[%dma_start3A_339] : memref<3200xf32, #tpu.memory_space<vmem>> -> memref<128xf32, #tpu.memory_space<vmem>>
      %dma_start3A_341 = arith.constant 0 : i32
      %dma_start3A_342 = tpu.memref_slice %arg6[%add3A_338, %dma_start3A_341] : memref<800x128xi32, #tpu.memory_space<vmem>> -> memref<1x128xi32, #tpu.memory_space<vmem>>
      %dma_start3A_343 = tpu.memref_squeeze %dma_start3A_342 : memref<1x128xi32, #tpu.memory_space<vmem>> -> memref<128xi32, #tpu.memory_space<vmem>>
      %dma_start3A_344 = arith.constant 0 : i32
      %dma_start3A_345 = tpu.memref_slice %arg2[%dma_start3A_344] : memref<1007616xf32, #tpu.memory_space<hbm>> -> memref<1007616xf32, #tpu.memory_space<hbm>>
      tpu.enqueue_indirect_dma source(%dma_start3A_345 : memref<1007616xf32, #tpu.memory_space<hbm>>) target(%dma_start3A_340 : memref<128xf32, #tpu.memory_space<vmem>>) offsets(%dma_start3A_343 : memref<128xi32, #tpu.memory_space<vmem>>) semaphore(%arg12 : memref<!tpu.dma_semaphore, #tpu.memory_space<semaphore_mem>>)
      %mul3A_346 = arith.constant 25 : i32
      %mul3A_347 = arith.muli %add3A_213, %mul3A_346 : i32
      %add3A_348 = arith.constant 12 : i32
      %add3A_349 = arith.addi %mul3A_347, %add3A_348 : i32
      %dma_start3A_350 = arith.constant 1536 : i32
      %dma_start3A_351 = tpu.memref_slice %arg8[%dma_start3A_350] : memref<3200xf32, #tpu.memory_space<vmem>> -> memref<128xf32, #tpu.memory_space<vmem>>
      %dma_start3A_352 = arith.constant 0 : i32
      %dma_start3A_353 = tpu.memref_slice %arg6[%add3A_349, %dma_start3A_352] : memref<800x128xi32, #tpu.memory_space<vmem>> -> memref<1x128xi32, #tpu.memory_space<vmem>>
      %dma_start3A_354 = tpu.memref_squeeze %dma_start3A_353 : memref<1x128xi32, #tpu.memory_space<vmem>> -> memref<128xi32, #tpu.memory_space<vmem>>
      %dma_start3A_355 = arith.constant 0 : i32
      %dma_start3A_356 = tpu.memref_slice %arg2[%dma_start3A_355] : memref<1007616xf32, #tpu.memory_space<hbm>> -> memref<1007616xf32, #tpu.memory_space<hbm>>
      tpu.enqueue_indirect_dma source(%dma_start3A_356 : memref<1007616xf32, #tpu.memory_space<hbm>>) target(%dma_start3A_351 : memref<128xf32, #tpu.memory_space<vmem>>) offsets(%dma_start3A_354 : memref<128xi32, #tpu.memory_space<vmem>>) semaphore(%arg12 : memref<!tpu.dma_semaphore, #tpu.memory_space<semaphore_mem>>)
      %mul3A_357 = arith.constant 25 : i32
      %mul3A_358 = arith.muli %add3A_213, %mul3A_357 : i32
      %add3A_359 = arith.constant 13 : i32
      %add3A_360 = arith.addi %mul3A_358, %add3A_359 : i32
      %dma_start3A_361 = arith.constant 1664 : i32
      %dma_start3A_362 = tpu.memref_slice %arg8[%dma_start3A_361] : memref<3200xf32, #tpu.memory_space<vmem>> -> memref<128xf32, #tpu.memory_space<vmem>>
      %dma_start3A_363 = arith.constant 0 : i32
      %dma_start3A_364 = tpu.memref_slice %arg6[%add3A_360, %dma_start3A_363] : memref<800x128xi32, #tpu.memory_space<vmem>> -> memref<1x128xi32, #tpu.memory_space<vmem>>
      %dma_start3A_365 = tpu.memref_squeeze %dma_start3A_364 : memref<1x128xi32, #tpu.memory_space<vmem>> -> memref<128xi32, #tpu.memory_space<vmem>>
      %dma_start3A_366 = arith.constant 0 : i32
      %dma_start3A_367 = tpu.memref_slice %arg2[%dma_start3A_366] : memref<1007616xf32, #tpu.memory_space<hbm>> -> memref<1007616xf32, #tpu.memory_space<hbm>>
      tpu.enqueue_indirect_dma source(%dma_start3A_367 : memref<1007616xf32, #tpu.memory_space<hbm>>) target(%dma_start3A_362 : memref<128xf32, #tpu.memory_space<vmem>>) offsets(%dma_start3A_365 : memref<128xi32, #tpu.memory_space<vmem>>) semaphore(%arg12 : memref<!tpu.dma_semaphore, #tpu.memory_space<semaphore_mem>>)
      %mul3A_368 = arith.constant 25 : i32
      %mul3A_369 = arith.muli %add3A_213, %mul3A_368 : i32
      %add3A_370 = arith.constant 14 : i32
      %add3A_371 = arith.addi %mul3A_369, %add3A_370 : i32
      %dma_start3A_372 = arith.constant 1792 : i32
      %dma_start3A_373 = tpu.memref_slice %arg8[%dma_start3A_372] : memref<3200xf32, #tpu.memory_space<vmem>> -> memref<128xf32, #tpu.memory_space<vmem>>
      %dma_start3A_374 = arith.constant 0 : i32
      %dma_start3A_375 = tpu.memref_slice %arg6[%add3A_371, %dma_start3A_374] : memref<800x128xi32, #tpu.memory_space<vmem>> -> memref<1x128xi32, #tpu.memory_space<vmem>>
      %dma_start3A_376 = tpu.memref_squeeze %dma_start3A_375 : memref<1x128xi32, #tpu.memory_space<vmem>> -> memref<128xi32, #tpu.memory_space<vmem>>
      %dma_start3A_377 = arith.constant 0 : i32
      %dma_start3A_378 = tpu.memref_slice %arg2[%dma_start3A_377] : memref<1007616xf32, #tpu.memory_space<hbm>> -> memref<1007616xf32, #tpu.memory_space<hbm>>
      tpu.enqueue_indirect_dma source(%dma_start3A_378 : memref<1007616xf32, #tpu.memory_space<hbm>>) target(%dma_start3A_373 : memref<128xf32, #tpu.memory_space<vmem>>) offsets(%dma_start3A_376 : memref<128xi32, #tpu.memory_space<vmem>>) semaphore(%arg12 : memref<!tpu.dma_semaphore, #tpu.memory_space<semaphore_mem>>)
      %mul3A_379 = arith.constant 25 : i32
      %mul3A_380 = arith.muli %add3A_213, %mul3A_379 : i32
      %add3A_381 = arith.constant 15 : i32
      %add3A_382 = arith.addi %mul3A_380, %add3A_381 : i32
      %dma_start3A_383 = arith.constant 1920 : i32
      %dma_start3A_384 = tpu.memref_slice %arg8[%dma_start3A_383] : memref<3200xf32, #tpu.memory_space<vmem>> -> memref<128xf32, #tpu.memory_space<vmem>>
      %dma_start3A_385 = arith.constant 0 : i32
      %dma_start3A_386 = tpu.memref_slice %arg6[%add3A_382, %dma_start3A_385] : memref<800x128xi32, #tpu.memory_space<vmem>> -> memref<1x128xi32, #tpu.memory_space<vmem>>
      %dma_start3A_387 = tpu.memref_squeeze %dma_start3A_386 : memref<1x128xi32, #tpu.memory_space<vmem>> -> memref<128xi32, #tpu.memory_space<vmem>>
      %dma_start3A_388 = arith.constant 0 : i32
      %dma_start3A_389 = tpu.memref_slice %arg2[%dma_start3A_388] : memref<1007616xf32, #tpu.memory_space<hbm>> -> memref<1007616xf32, #tpu.memory_space<hbm>>
      tpu.enqueue_indirect_dma source(%dma_start3A_389 : memref<1007616xf32, #tpu.memory_space<hbm>>) target(%dma_start3A_384 : memref<128xf32, #tpu.memory_space<vmem>>) offsets(%dma_start3A_387 : memref<128xi32, #tpu.memory_space<vmem>>) semaphore(%arg12 : memref<!tpu.dma_semaphore, #tpu.memory_space<semaphore_mem>>)
      %mul3A_390 = arith.constant 25 : i32
      %mul3A_391 = arith.muli %add3A_213, %mul3A_390 : i32
      %add3A_392 = arith.constant 16 : i32
      %add3A_393 = arith.addi %mul3A_391, %add3A_392 : i32
      %dma_start3A_394 = arith.constant 2048 : i32
      %dma_start3A_395 = tpu.memref_slice %arg8[%dma_start3A_394] : memref<3200xf32, #tpu.memory_space<vmem>> -> memref<128xf32, #tpu.memory_space<vmem>>
      %dma_start3A_396 = arith.constant 0 : i32
      %dma_start3A_397 = tpu.memref_slice %arg6[%add3A_393, %dma_start3A_396] : memref<800x128xi32, #tpu.memory_space<vmem>> -> memref<1x128xi32, #tpu.memory_space<vmem>>
      %dma_start3A_398 = tpu.memref_squeeze %dma_start3A_397 : memref<1x128xi32, #tpu.memory_space<vmem>> -> memref<128xi32, #tpu.memory_space<vmem>>
      %dma_start3A_399 = arith.constant 0 : i32
      %dma_start3A_400 = tpu.memref_slice %arg2[%dma_start3A_399] : memref<1007616xf32, #tpu.memory_space<hbm>> -> memref<1007616xf32, #tpu.memory_space<hbm>>
      tpu.enqueue_indirect_dma source(%dma_start3A_400 : memref<1007616xf32, #tpu.memory_space<hbm>>) target(%dma_start3A_395 : memref<128xf32, #tpu.memory_space<vmem>>) offsets(%dma_start3A_398 : memref<128xi32, #tpu.memory_space<vmem>>) semaphore(%arg12 : memref<!tpu.dma_semaphore, #tpu.memory_space<semaphore_mem>>)
      %mul3A_401 = arith.constant 25 : i32
      %mul3A_402 = arith.muli %add3A_213, %mul3A_401 : i32
      %add3A_403 = arith.constant 17 : i32
      %add3A_404 = arith.addi %mul3A_402, %add3A_403 : i32
      %dma_start3A_405 = arith.constant 2176 : i32
      %dma_start3A_406 = tpu.memref_slice %arg8[%dma_start3A_405] : memref<3200xf32, #tpu.memory_space<vmem>> -> memref<128xf32, #tpu.memory_space<vmem>>
      %dma_start3A_407 = arith.constant 0 : i32
      %dma_start3A_408 = tpu.memref_slice %arg6[%add3A_404, %dma_start3A_407] : memref<800x128xi32, #tpu.memory_space<vmem>> -> memref<1x128xi32, #tpu.memory_space<vmem>>
      %dma_start3A_409 = tpu.memref_squeeze %dma_start3A_408 : memref<1x128xi32, #tpu.memory_space<vmem>> -> memref<128xi32, #tpu.memory_space<vmem>>
      %dma_start3A_410 = arith.constant 0 : i32
      %dma_start3A_411 = tpu.memref_slice %arg2[%dma_start3A_410] : memref<1007616xf32, #tpu.memory_space<hbm>> -> memref<1007616xf32, #tpu.memory_space<hbm>>
      tpu.enqueue_indirect_dma source(%dma_start3A_411 : memref<1007616xf32, #tpu.memory_space<hbm>>) target(%dma_start3A_406 : memref<128xf32, #tpu.memory_space<vmem>>) offsets(%dma_start3A_409 : memref<128xi32, #tpu.memory_space<vmem>>) semaphore(%arg12 : memref<!tpu.dma_semaphore, #tpu.memory_space<semaphore_mem>>)
      %mul3A_412 = arith.constant 25 : i32
      %mul3A_413 = arith.muli %add3A_213, %mul3A_412 : i32
      %add3A_414 = arith.constant 18 : i32
      %add3A_415 = arith.addi %mul3A_413, %add3A_414 : i32
      %dma_start3A_416 = arith.constant 2304 : i32
      %dma_start3A_417 = tpu.memref_slice %arg8[%dma_start3A_416] : memref<3200xf32, #tpu.memory_space<vmem>> -> memref<128xf32, #tpu.memory_space<vmem>>
      %dma_start3A_418 = arith.constant 0 : i32
      %dma_start3A_419 = tpu.memref_slice %arg6[%add3A_415, %dma_start3A_418] : memref<800x128xi32, #tpu.memory_space<vmem>> -> memref<1x128xi32, #tpu.memory_space<vmem>>
      %dma_start3A_420 = tpu.memref_squeeze %dma_start3A_419 : memref<1x128xi32, #tpu.memory_space<vmem>> -> memref<128xi32, #tpu.memory_space<vmem>>
      %dma_start3A_421 = arith.constant 0 : i32
      %dma_start3A_422 = tpu.memref_slice %arg2[%dma_start3A_421] : memref<1007616xf32, #tpu.memory_space<hbm>> -> memref<1007616xf32, #tpu.memory_space<hbm>>
      tpu.enqueue_indirect_dma source(%dma_start3A_422 : memref<1007616xf32, #tpu.memory_space<hbm>>) target(%dma_start3A_417 : memref<128xf32, #tpu.memory_space<vmem>>) offsets(%dma_start3A_420 : memref<128xi32, #tpu.memory_space<vmem>>) semaphore(%arg12 : memref<!tpu.dma_semaphore, #tpu.memory_space<semaphore_mem>>)
      %mul3A_423 = arith.constant 25 : i32
      %mul3A_424 = arith.muli %add3A_213, %mul3A_423 : i32
      %add3A_425 = arith.constant 19 : i32
      %add3A_426 = arith.addi %mul3A_424, %add3A_425 : i32
      %dma_start3A_427 = arith.constant 2432 : i32
      %dma_start3A_428 = tpu.memref_slice %arg8[%dma_start3A_427] : memref<3200xf32, #tpu.memory_space<vmem>> -> memref<128xf32, #tpu.memory_space<vmem>>
      %dma_start3A_429 = arith.constant 0 : i32
      %dma_start3A_430 = tpu.memref_slice %arg6[%add3A_426, %dma_start3A_429] : memref<800x128xi32, #tpu.memory_space<vmem>> -> memref<1x128xi32, #tpu.memory_space<vmem>>
      %dma_start3A_431 = tpu.memref_squeeze %dma_start3A_430 : memref<1x128xi32, #tpu.memory_space<vmem>> -> memref<128xi32, #tpu.memory_space<vmem>>
      %dma_start3A_432 = arith.constant 0 : i32
      %dma_start3A_433 = tpu.memref_slice %arg2[%dma_start3A_432] : memref<1007616xf32, #tpu.memory_space<hbm>> -> memref<1007616xf32, #tpu.memory_space<hbm>>
      tpu.enqueue_indirect_dma source(%dma_start3A_433 : memref<1007616xf32, #tpu.memory_space<hbm>>) target(%dma_start3A_428 : memref<128xf32, #tpu.memory_space<vmem>>) offsets(%dma_start3A_431 : memref<128xi32, #tpu.memory_space<vmem>>) semaphore(%arg12 : memref<!tpu.dma_semaphore, #tpu.memory_space<semaphore_mem>>)
      %mul3A_434 = arith.constant 25 : i32
      %mul3A_435 = arith.muli %add3A_213, %mul3A_434 : i32
      %add3A_436 = arith.constant 20 : i32
      %add3A_437 = arith.addi %mul3A_435, %add3A_436 : i32
      %dma_start3A_438 = arith.constant 2560 : i32
      %dma_start3A_439 = tpu.memref_slice %arg8[%dma_start3A_438] : memref<3200xf32, #tpu.memory_space<vmem>> -> memref<128xf32, #tpu.memory_space<vmem>>
      %dma_start3A_440 = arith.constant 0 : i32
      %dma_start3A_441 = tpu.memref_slice %arg6[%add3A_437, %dma_start3A_440] : memref<800x128xi32, #tpu.memory_space<vmem>> -> memref<1x128xi32, #tpu.memory_space<vmem>>
      %dma_start3A_442 = tpu.memref_squeeze %dma_start3A_441 : memref<1x128xi32, #tpu.memory_space<vmem>> -> memref<128xi32, #tpu.memory_space<vmem>>
      %dma_start3A_443 = arith.constant 0 : i32
      %dma_start3A_444 = tpu.memref_slice %arg2[%dma_start3A_443] : memref<1007616xf32, #tpu.memory_space<hbm>> -> memref<1007616xf32, #tpu.memory_space<hbm>>
      tpu.enqueue_indirect_dma source(%dma_start3A_444 : memref<1007616xf32, #tpu.memory_space<hbm>>) target(%dma_start3A_439 : memref<128xf32, #tpu.memory_space<vmem>>) offsets(%dma_start3A_442 : memref<128xi32, #tpu.memory_space<vmem>>) semaphore(%arg12 : memref<!tpu.dma_semaphore, #tpu.memory_space<semaphore_mem>>)
      %mul3A_445 = arith.constant 25 : i32
      %mul3A_446 = arith.muli %add3A_213, %mul3A_445 : i32
      %add3A_447 = arith.constant 21 : i32
      %add3A_448 = arith.addi %mul3A_446, %add3A_447 : i32
      %dma_start3A_449 = arith.constant 2688 : i32
      %dma_start3A_450 = tpu.memref_slice %arg8[%dma_start3A_449] : memref<3200xf32, #tpu.memory_space<vmem>> -> memref<128xf32, #tpu.memory_space<vmem>>
      %dma_start3A_451 = arith.constant 0 : i32
      %dma_start3A_452 = tpu.memref_slice %arg6[%add3A_448, %dma_start3A_451] : memref<800x128xi32, #tpu.memory_space<vmem>> -> memref<1x128xi32, #tpu.memory_space<vmem>>
      %dma_start3A_453 = tpu.memref_squeeze %dma_start3A_452 : memref<1x128xi32, #tpu.memory_space<vmem>> -> memref<128xi32, #tpu.memory_space<vmem>>
      %dma_start3A_454 = arith.constant 0 : i32
      %dma_start3A_455 = tpu.memref_slice %arg2[%dma_start3A_454] : memref<1007616xf32, #tpu.memory_space<hbm>> -> memref<1007616xf32, #tpu.memory_space<hbm>>
      tpu.enqueue_indirect_dma source(%dma_start3A_455 : memref<1007616xf32, #tpu.memory_space<hbm>>) target(%dma_start3A_450 : memref<128xf32, #tpu.memory_space<vmem>>) offsets(%dma_start3A_453 : memref<128xi32, #tpu.memory_space<vmem>>) semaphore(%arg12 : memref<!tpu.dma_semaphore, #tpu.memory_space<semaphore_mem>>)
      %mul3A_456 = arith.constant 25 : i32
      %mul3A_457 = arith.muli %add3A_213, %mul3A_456 : i32
      %add3A_458 = arith.constant 22 : i32
      %add3A_459 = arith.addi %mul3A_457, %add3A_458 : i32
      %dma_start3A_460 = arith.constant 2816 : i32
      %dma_start3A_461 = tpu.memref_slice %arg8[%dma_start3A_460] : memref<3200xf32, #tpu.memory_space<vmem>> -> memref<128xf32, #tpu.memory_space<vmem>>
      %dma_start3A_462 = arith.constant 0 : i32
      %dma_start3A_463 = tpu.memref_slice %arg6[%add3A_459, %dma_start3A_462] : memref<800x128xi32, #tpu.memory_space<vmem>> -> memref<1x128xi32, #tpu.memory_space<vmem>>
      %dma_start3A_464 = tpu.memref_squeeze %dma_start3A_463 : memref<1x128xi32, #tpu.memory_space<vmem>> -> memref<128xi32, #tpu.memory_space<vmem>>
      %dma_start3A_465 = arith.constant 0 : i32
      %dma_start3A_466 = tpu.memref_slice %arg2[%dma_start3A_465] : memref<1007616xf32, #tpu.memory_space<hbm>> -> memref<1007616xf32, #tpu.memory_space<hbm>>
      tpu.enqueue_indirect_dma source(%dma_start3A_466 : memref<1007616xf32, #tpu.memory_space<hbm>>) target(%dma_start3A_461 : memref<128xf32, #tpu.memory_space<vmem>>) offsets(%dma_start3A_464 : memref<128xi32, #tpu.memory_space<vmem>>) semaphore(%arg12 : memref<!tpu.dma_semaphore, #tpu.memory_space<semaphore_mem>>)
      %mul3A_467 = arith.constant 25 : i32
      %mul3A_468 = arith.muli %add3A_213, %mul3A_467 : i32
      %add3A_469 = arith.constant 23 : i32
      %add3A_470 = arith.addi %mul3A_468, %add3A_469 : i32
      %dma_start3A_471 = arith.constant 2944 : i32
      %dma_start3A_472 = tpu.memref_slice %arg8[%dma_start3A_471] : memref<3200xf32, #tpu.memory_space<vmem>> -> memref<128xf32, #tpu.memory_space<vmem>>
      %dma_start3A_473 = arith.constant 0 : i32
      %dma_start3A_474 = tpu.memref_slice %arg6[%add3A_470, %dma_start3A_473] : memref<800x128xi32, #tpu.memory_space<vmem>> -> memref<1x128xi32, #tpu.memory_space<vmem>>
      %dma_start3A_475 = tpu.memref_squeeze %dma_start3A_474 : memref<1x128xi32, #tpu.memory_space<vmem>> -> memref<128xi32, #tpu.memory_space<vmem>>
      %dma_start3A_476 = arith.constant 0 : i32
      %dma_start3A_477 = tpu.memref_slice %arg2[%dma_start3A_476] : memref<1007616xf32, #tpu.memory_space<hbm>> -> memref<1007616xf32, #tpu.memory_space<hbm>>
      tpu.enqueue_indirect_dma source(%dma_start3A_477 : memref<1007616xf32, #tpu.memory_space<hbm>>) target(%dma_start3A_472 : memref<128xf32, #tpu.memory_space<vmem>>) offsets(%dma_start3A_475 : memref<128xi32, #tpu.memory_space<vmem>>) semaphore(%arg12 : memref<!tpu.dma_semaphore, #tpu.memory_space<semaphore_mem>>)
      %mul3A_478 = arith.constant 25 : i32
      %mul3A_479 = arith.muli %add3A_213, %mul3A_478 : i32
      %add3A_480 = arith.constant 24 : i32
      %add3A_481 = arith.addi %mul3A_479, %add3A_480 : i32
      %dma_start3A_482 = arith.constant 3072 : i32
      %dma_start3A_483 = tpu.memref_slice %arg8[%dma_start3A_482] : memref<3200xf32, #tpu.memory_space<vmem>> -> memref<128xf32, #tpu.memory_space<vmem>>
      %dma_start3A_484 = arith.constant 0 : i32
      %dma_start3A_485 = tpu.memref_slice %arg6[%add3A_481, %dma_start3A_484] : memref<800x128xi32, #tpu.memory_space<vmem>> -> memref<1x128xi32, #tpu.memory_space<vmem>>
      %dma_start3A_486 = tpu.memref_squeeze %dma_start3A_485 : memref<1x128xi32, #tpu.memory_space<vmem>> -> memref<128xi32, #tpu.memory_space<vmem>>
      %dma_start3A_487 = arith.constant 0 : i32
      %dma_start3A_488 = tpu.memref_slice %arg2[%dma_start3A_487] : memref<1007616xf32, #tpu.memory_space<hbm>> -> memref<1007616xf32, #tpu.memory_space<hbm>>
      tpu.enqueue_indirect_dma source(%dma_start3A_488 : memref<1007616xf32, #tpu.memory_space<hbm>>) target(%dma_start3A_483 : memref<128xf32, #tpu.memory_space<vmem>>) offsets(%dma_start3A_486 : memref<128xi32, #tpu.memory_space<vmem>>) semaphore(%arg12 : memref<!tpu.dma_semaphore, #tpu.memory_space<semaphore_mem>>)
      %dma_wait3A = arith.constant 0 : i32
      %dma_wait3A_489 = arith.constant 0 : i32
      %dma_wait3A_490 = tpu.memref_slice %arg7[%dma_wait3A_489] : memref<3200xf32, #tpu.memory_space<vmem>> -> memref<128xf32, #tpu.memory_space<vmem>>
      %dma_wait3A_491 = arith.constant 0 : i32
      %dma_wait3A_492 = tpu.memref_slice %arg6[%dma_wait3A, %dma_wait3A_491] : memref<800x128xi32, #tpu.memory_space<vmem>> -> memref<1x128xi32, #tpu.memory_space<vmem>>
      %dma_wait3A_493 = tpu.memref_squeeze %dma_wait3A_492 : memref<1x128xi32, #tpu.memory_space<vmem>> -> memref<128xi32, #tpu.memory_space<vmem>>
      %dma_wait3A_494 = arith.constant 0 : i32
      %dma_wait3A_495 = tpu.memref_slice %arg2[%dma_wait3A_494] : memref<1007616xf32, #tpu.memory_space<hbm>> -> memref<1007616xf32, #tpu.memory_space<hbm>>
      tpu.wait_indirect_dma semaphore(%arg11 : memref<!tpu.dma_semaphore, #tpu.memory_space<semaphore_mem>>) src(%dma_wait3A_495 : memref<1007616xf32, #tpu.memory_space<hbm>>) dst(%dma_wait3A_490 : memref<128xf32, #tpu.memory_space<vmem>>)
      %dma_wait3A_496 = arith.constant 0 : i32
      %dma_wait3A_497 = arith.constant 0 : i32
      %dma_wait3A_498 = tpu.memref_slice %arg7[%dma_wait3A_497] : memref<3200xf32, #tpu.memory_space<vmem>> -> memref<128xf32, #tpu.memory_space<vmem>>
      %dma_wait3A_499 = arith.constant 0 : i32
      %dma_wait3A_500 = tpu.memref_slice %arg6[%dma_wait3A_496, %dma_wait3A_499] : memref<800x128xi32, #tpu.memory_space<vmem>> -> memref<1x128xi32, #tpu.memory_space<vmem>>
      %dma_wait3A_501 = tpu.memref_squeeze %dma_wait3A_500 : memref<1x128xi32, #tpu.memory_space<vmem>> -> memref<128xi32, #tpu.memory_space<vmem>>
      %dma_wait3A_502 = arith.constant 0 : i32
      %dma_wait3A_503 = tpu.memref_slice %arg2[%dma_wait3A_502] : memref<1007616xf32, #tpu.memory_space<hbm>> -> memref<1007616xf32, #tpu.memory_space<hbm>>
      tpu.wait_indirect_dma semaphore(%arg11 : memref<!tpu.dma_semaphore, #tpu.memory_space<semaphore_mem>>) src(%dma_wait3A_503 : memref<1007616xf32, #tpu.memory_space<hbm>>) dst(%dma_wait3A_498 : memref<128xf32, #tpu.memory_space<vmem>>)
      %dma_wait3A_504 = arith.constant 0 : i32
      %dma_wait3A_505 = arith.constant 0 : i32
      %dma_wait3A_506 = tpu.memref_slice %arg7[%dma_wait3A_505] : memref<3200xf32, #tpu.memory_space<vmem>> -> memref<128xf32, #tpu.memory_space<vmem>>
      %dma_wait3A_507 = arith.constant 0 : i32
      %dma_wait3A_508 = tpu.memref_slice %arg6[%dma_wait3A_504, %dma_wait3A_507] : memref<800x128xi32, #tpu.memory_space<vmem>> -> memref<1x128xi32, #tpu.memory_space<vmem>>
      %dma_wait3A_509 = tpu.memref_squeeze %dma_wait3A_508 : memref<1x128xi32, #tpu.memory_space<vmem>> -> memref<128xi32, #tpu.memory_space<vmem>>
      %dma_wait3A_510 = arith.constant 0 : i32
      %dma_wait3A_511 = tpu.memref_slice %arg2[%dma_wait3A_510] : memref<1007616xf32, #tpu.memory_space<hbm>> -> memref<1007616xf32, #tpu.memory_space<hbm>>
      tpu.wait_indirect_dma semaphore(%arg11 : memref<!tpu.dma_semaphore, #tpu.memory_space<semaphore_mem>>) src(%dma_wait3A_511 : memref<1007616xf32, #tpu.memory_space<hbm>>) dst(%dma_wait3A_506 : memref<128xf32, #tpu.memory_space<vmem>>)
      %dma_wait3A_512 = arith.constant 0 : i32
      %dma_wait3A_513 = arith.constant 0 : i32
      %dma_wait3A_514 = tpu.memref_slice %arg7[%dma_wait3A_513] : memref<3200xf32, #tpu.memory_space<vmem>> -> memref<128xf32, #tpu.memory_space<vmem>>
      %dma_wait3A_515 = arith.constant 0 : i32
      %dma_wait3A_516 = tpu.memref_slice %arg6[%dma_wait3A_512, %dma_wait3A_515] : memref<800x128xi32, #tpu.memory_space<vmem>> -> memref<1x128xi32, #tpu.memory_space<vmem>>
      %dma_wait3A_517 = tpu.memref_squeeze %dma_wait3A_516 : memref<1x128xi32, #tpu.memory_space<vmem>> -> memref<128xi32, #tpu.memory_space<vmem>>
      %dma_wait3A_518 = arith.constant 0 : i32
      %dma_wait3A_519 = tpu.memref_slice %arg2[%dma_wait3A_518] : memref<1007616xf32, #tpu.memory_space<hbm>> -> memref<1007616xf32, #tpu.memory_space<hbm>>
      tpu.wait_indirect_dma semaphore(%arg11 : memref<!tpu.dma_semaphore, #tpu.memory_space<semaphore_mem>>) src(%dma_wait3A_519 : memref<1007616xf32, #tpu.memory_space<hbm>>) dst(%dma_wait3A_514 : memref<128xf32, #tpu.memory_space<vmem>>)
      %dma_wait3A_520 = arith.constant 0 : i32
      %dma_wait3A_521 = arith.constant 0 : i32
      %dma_wait3A_522 = tpu.memref_slice %arg7[%dma_wait3A_521] : memref<3200xf32, #tpu.memory_space<vmem>> -> memref<128xf32, #tpu.memory_space<vmem>>
      %dma_wait3A_523 = arith.constant 0 : i32
      %dma_wait3A_524 = tpu.memref_slice %arg6[%dma_wait3A_520, %dma_wait3A_523] : memref<800x128xi32, #tpu.memory_space<vmem>> -> memref<1x128xi32, #tpu.memory_space<vmem>>
      %dma_wait3A_525 = tpu.memref_squeeze %dma_wait3A_524 : memref<1x128xi32, #tpu.memory_space<vmem>> -> memref<128xi32, #tpu.memory_space<vmem>>
      %dma_wait3A_526 = arith.constant 0 : i32
      %dma_wait3A_527 = tpu.memref_slice %arg2[%dma_wait3A_526] : memref<1007616xf32, #tpu.memory_space<hbm>> -> memref<1007616xf32, #tpu.memory_space<hbm>>
      tpu.wait_indirect_dma semaphore(%arg11 : memref<!tpu.dma_semaphore, #tpu.memory_space<semaphore_mem>>) src(%dma_wait3A_527 : memref<1007616xf32, #tpu.memory_space<hbm>>) dst(%dma_wait3A_522 : memref<128xf32, #tpu.memory_space<vmem>>)
      %dma_wait3A_528 = arith.constant 0 : i32
      %dma_wait3A_529 = arith.constant 0 : i32
      %dma_wait3A_530 = tpu.memref_slice %arg7[%dma_wait3A_529] : memref<3200xf32, #tpu.memory_space<vmem>> -> memref<128xf32, #tpu.memory_space<vmem>>
      %dma_wait3A_531 = arith.constant 0 : i32
      %dma_wait3A_532 = tpu.memref_slice %arg6[%dma_wait3A_528, %dma_wait3A_531] : memref<800x128xi32, #tpu.memory_space<vmem>> -> memref<1x128xi32, #tpu.memory_space<vmem>>
      %dma_wait3A_533 = tpu.memref_squeeze %dma_wait3A_532 : memref<1x128xi32, #tpu.memory_space<vmem>> -> memref<128xi32, #tpu.memory_space<vmem>>
      %dma_wait3A_534 = arith.constant 0 : i32
      %dma_wait3A_535 = tpu.memref_slice %arg2[%dma_wait3A_534] : memref<1007616xf32, #tpu.memory_space<hbm>> -> memref<1007616xf32, #tpu.memory_space<hbm>>
      tpu.wait_indirect_dma semaphore(%arg11 : memref<!tpu.dma_semaphore, #tpu.memory_space<semaphore_mem>>) src(%dma_wait3A_535 : memref<1007616xf32, #tpu.memory_space<hbm>>) dst(%dma_wait3A_530 : memref<128xf32, #tpu.memory_space<vmem>>)
      %dma_wait3A_536 = arith.constant 0 : i32
      %dma_wait3A_537 = arith.constant 0 : i32
      %dma_wait3A_538 = tpu.memref_slice %arg7[%dma_wait3A_537] : memref<3200xf32, #tpu.memory_space<vmem>> -> memref<128xf32, #tpu.memory_space<vmem>>
      %dma_wait3A_539 = arith.constant 0 : i32
      %dma_wait3A_540 = tpu.memref_slice %arg6[%dma_wait3A_536, %dma_wait3A_539] : memref<800x128xi32, #tpu.memory_space<vmem>> -> memref<1x128xi32, #tpu.memory_space<vmem>>
      %dma_wait3A_541 = tpu.memref_squeeze %dma_wait3A_540 : memref<1x128xi32, #tpu.memory_space<vmem>> -> memref<128xi32, #tpu.memory_space<vmem>>
      %dma_wait3A_542 = arith.constant 0 : i32
      %dma_wait3A_543 = tpu.memref_slice %arg2[%dma_wait3A_542] : memref<1007616xf32, #tpu.memory_space<hbm>> -> memref<1007616xf32, #tpu.memory_space<hbm>>
      tpu.wait_indirect_dma semaphore(%arg11 : memref<!tpu.dma_semaphore, #tpu.memory_space<semaphore_mem>>) src(%dma_wait3A_543 : memref<1007616xf32, #tpu.memory_space<hbm>>) dst(%dma_wait3A_538 : memref<128xf32, #tpu.memory_space<vmem>>)
      %dma_wait3A_544 = arith.constant 0 : i32
      %dma_wait3A_545 = arith.constant 0 : i32
      %dma_wait3A_546 = tpu.memref_slice %arg7[%dma_wait3A_545] : memref<3200xf32, #tpu.memory_space<vmem>> -> memref<128xf32, #tpu.memory_space<vmem>>
      %dma_wait3A_547 = arith.constant 0 : i32
      %dma_wait3A_548 = tpu.memref_slice %arg6[%dma_wait3A_544, %dma_wait3A_547] : memref<800x128xi32, #tpu.memory_space<vmem>> -> memref<1x128xi32, #tpu.memory_space<vmem>>
      %dma_wait3A_549 = tpu.memref_squeeze %dma_wait3A_548 : memref<1x128xi32, #tpu.memory_space<vmem>> -> memref<128xi32, #tpu.memory_space<vmem>>
      %dma_wait3A_550 = arith.constant 0 : i32
      %dma_wait3A_551 = tpu.memref_slice %arg2[%dma_wait3A_550] : memref<1007616xf32, #tpu.memory_space<hbm>> -> memref<1007616xf32, #tpu.memory_space<hbm>>
      tpu.wait_indirect_dma semaphore(%arg11 : memref<!tpu.dma_semaphore, #tpu.memory_space<semaphore_mem>>) src(%dma_wait3A_551 : memref<1007616xf32, #tpu.memory_space<hbm>>) dst(%dma_wait3A_546 : memref<128xf32, #tpu.memory_space<vmem>>)
      %dma_wait3A_552 = arith.constant 0 : i32
      %dma_wait3A_553 = arith.constant 0 : i32
      %dma_wait3A_554 = tpu.memref_slice %arg7[%dma_wait3A_553] : memref<3200xf32, #tpu.memory_space<vmem>> -> memref<128xf32, #tpu.memory_space<vmem>>
      %dma_wait3A_555 = arith.constant 0 : i32
      %dma_wait3A_556 = tpu.memref_slice %arg6[%dma_wait3A_552, %dma_wait3A_555] : memref<800x128xi32, #tpu.memory_space<vmem>> -> memref<1x128xi32, #tpu.memory_space<vmem>>
      %dma_wait3A_557 = tpu.memref_squeeze %dma_wait3A_556 : memref<1x128xi32, #tpu.memory_space<vmem>> -> memref<128xi32, #tpu.memory_space<vmem>>
      %dma_wait3A_558 = arith.constant 0 : i32
      %dma_wait3A_559 = tpu.memref_slice %arg2[%dma_wait3A_558] : memref<1007616xf32, #tpu.memory_space<hbm>> -> memref<1007616xf32, #tpu.memory_space<hbm>>
      tpu.wait_indirect_dma semaphore(%arg11 : memref<!tpu.dma_semaphore, #tpu.memory_space<semaphore_mem>>) src(%dma_wait3A_559 : memref<1007616xf32, #tpu.memory_space<hbm>>) dst(%dma_wait3A_554 : memref<128xf32, #tpu.memory_space<vmem>>)
      %dma_wait3A_560 = arith.constant 0 : i32
      %dma_wait3A_561 = arith.constant 0 : i32
      %dma_wait3A_562 = tpu.memref_slice %arg7[%dma_wait3A_561] : memref<3200xf32, #tpu.memory_space<vmem>> -> memref<128xf32, #tpu.memory_space<vmem>>
      %dma_wait3A_563 = arith.constant 0 : i32
      %dma_wait3A_564 = tpu.memref_slice %arg6[%dma_wait3A_560, %dma_wait3A_563] : memref<800x128xi32, #tpu.memory_space<vmem>> -> memref<1x128xi32, #tpu.memory_space<vmem>>
      %dma_wait3A_565 = tpu.memref_squeeze %dma_wait3A_564 : memref<1x128xi32, #tpu.memory_space<vmem>> -> memref<128xi32, #tpu.memory_space<vmem>>
      %dma_wait3A_566 = arith.constant 0 : i32
      %dma_wait3A_567 = tpu.memref_slice %arg2[%dma_wait3A_566] : memref<1007616xf32, #tpu.memory_space<hbm>> -> memref<1007616xf32, #tpu.memory_space<hbm>>
      tpu.wait_indirect_dma semaphore(%arg11 : memref<!tpu.dma_semaphore, #tpu.memory_space<semaphore_mem>>) src(%dma_wait3A_567 : memref<1007616xf32, #tpu.memory_space<hbm>>) dst(%dma_wait3A_562 : memref<128xf32, #tpu.memory_space<vmem>>)
      %dma_wait3A_568 = arith.constant 0 : i32
      %dma_wait3A_569 = arith.constant 0 : i32
      %dma_wait3A_570 = tpu.memref_slice %arg7[%dma_wait3A_569] : memref<3200xf32, #tpu.memory_space<vmem>> -> memref<128xf32, #tpu.memory_space<vmem>>
      %dma_wait3A_571 = arith.constant 0 : i32
      %dma_wait3A_572 = tpu.memref_slice %arg6[%dma_wait3A_568, %dma_wait3A_571] : memref<800x128xi32, #tpu.memory_space<vmem>> -> memref<1x128xi32, #tpu.memory_space<vmem>>
      %dma_wait3A_573 = tpu.memref_squeeze %dma_wait3A_572 : memref<1x128xi32, #tpu.memory_space<vmem>> -> memref<128xi32, #tpu.memory_space<vmem>>
      %dma_wait3A_574 = arith.constant 0 : i32
      %dma_wait3A_575 = tpu.memref_slice %arg2[%dma_wait3A_574] : memref<1007616xf32, #tpu.memory_space<hbm>> -> memref<1007616xf32, #tpu.memory_space<hbm>>
      tpu.wait_indirect_dma semaphore(%arg11 : memref<!tpu.dma_semaphore, #tpu.memory_space<semaphore_mem>>) src(%dma_wait3A_575 : memref<1007616xf32, #tpu.memory_space<hbm>>) dst(%dma_wait3A_570 : memref<128xf32, #tpu.memory_space<vmem>>)
      %dma_wait3A_576 = arith.constant 0 : i32
      %dma_wait3A_577 = arith.constant 0 : i32
      %dma_wait3A_578 = tpu.memref_slice %arg7[%dma_wait3A_577] : memref<3200xf32, #tpu.memory_space<vmem>> -> memref<128xf32, #tpu.memory_space<vmem>>
      %dma_wait3A_579 = arith.constant 0 : i32
      %dma_wait3A_580 = tpu.memref_slice %arg6[%dma_wait3A_576, %dma_wait3A_579] : memref<800x128xi32, #tpu.memory_space<vmem>> -> memref<1x128xi32, #tpu.memory_space<vmem>>
      %dma_wait3A_581 = tpu.memref_squeeze %dma_wait3A_580 : memref<1x128xi32, #tpu.memory_space<vmem>> -> memref<128xi32, #tpu.memory_space<vmem>>
      %dma_wait3A_582 = arith.constant 0 : i32
      %dma_wait3A_583 = tpu.memref_slice %arg2[%dma_wait3A_582] : memref<1007616xf32, #tpu.memory_space<hbm>> -> memref<1007616xf32, #tpu.memory_space<hbm>>
      tpu.wait_indirect_dma semaphore(%arg11 : memref<!tpu.dma_semaphore, #tpu.memory_space<semaphore_mem>>) src(%dma_wait3A_583 : memref<1007616xf32, #tpu.memory_space<hbm>>) dst(%dma_wait3A_578 : memref<128xf32, #tpu.memory_space<vmem>>)
      %dma_wait3A_584 = arith.constant 0 : i32
      %dma_wait3A_585 = arith.constant 0 : i32
      %dma_wait3A_586 = tpu.memref_slice %arg7[%dma_wait3A_585] : memref<3200xf32, #tpu.memory_space<vmem>> -> memref<128xf32, #tpu.memory_space<vmem>>
      %dma_wait3A_587 = arith.constant 0 : i32
      %dma_wait3A_588 = tpu.memref_slice %arg6[%dma_wait3A_584, %dma_wait3A_587] : memref<800x128xi32, #tpu.memory_space<vmem>> -> memref<1x128xi32, #tpu.memory_space<vmem>>
      %dma_wait3A_589 = tpu.memref_squeeze %dma_wait3A_588 : memref<1x128xi32, #tpu.memory_space<vmem>> -> memref<128xi32, #tpu.memory_space<vmem>>
      %dma_wait3A_590 = arith.constant 0 : i32
      %dma_wait3A_591 = tpu.memref_slice %arg2[%dma_wait3A_590] : memref<1007616xf32, #tpu.memory_space<hbm>> -> memref<1007616xf32, #tpu.memory_space<hbm>>
      tpu.wait_indirect_dma semaphore(%arg11 : memref<!tpu.dma_semaphore, #tpu.memory_space<semaphore_mem>>) src(%dma_wait3A_591 : memref<1007616xf32, #tpu.memory_space<hbm>>) dst(%dma_wait3A_586 : memref<128xf32, #tpu.memory_space<vmem>>)
      %dma_wait3A_592 = arith.constant 0 : i32
      %dma_wait3A_593 = arith.constant 0 : i32
      %dma_wait3A_594 = tpu.memref_slice %arg7[%dma_wait3A_593] : memref<3200xf32, #tpu.memory_space<vmem>> -> memref<128xf32, #tpu.memory_space<vmem>>
      %dma_wait3A_595 = arith.constant 0 : i32
      %dma_wait3A_596 = tpu.memref_slice %arg6[%dma_wait3A_592, %dma_wait3A_595] : memref<800x128xi32, #tpu.memory_space<vmem>> -> memref<1x128xi32, #tpu.memory_space<vmem>>
      %dma_wait3A_597 = tpu.memref_squeeze %dma_wait3A_596 : memref<1x128xi32, #tpu.memory_space<vmem>> -> memref<128xi32, #tpu.memory_space<vmem>>
      %dma_wait3A_598 = arith.constant 0 : i32
      %dma_wait3A_599 = tpu.memref_slice %arg2[%dma_wait3A_598] : memref<1007616xf32, #tpu.memory_space<hbm>> -> memref<1007616xf32, #tpu.memory_space<hbm>>
      tpu.wait_indirect_dma semaphore(%arg11 : memref<!tpu.dma_semaphore, #tpu.memory_space<semaphore_mem>>) src(%dma_wait3A_599 : memref<1007616xf32, #tpu.memory_space<hbm>>) dst(%dma_wait3A_594 : memref<128xf32, #tpu.memory_space<vmem>>)
      %dma_wait3A_600 = arith.constant 0 : i32
      %dma_wait3A_601 = arith.constant 0 : i32
      %dma_wait3A_602 = tpu.memref_slice %arg7[%dma_wait3A_601] : memref<3200xf32, #tpu.memory_space<vmem>> -> memref<128xf32, #tpu.memory_space<vmem>>
      %dma_wait3A_603 = arith.constant 0 : i32
      %dma_wait3A_604 = tpu.memref_slice %arg6[%dma_wait3A_600, %dma_wait3A_603] : memref<800x128xi32, #tpu.memory_space<vmem>> -> memref<1x128xi32, #tpu.memory_space<vmem>>
      %dma_wait3A_605 = tpu.memref_squeeze %dma_wait3A_604 : memref<1x128xi32, #tpu.memory_space<vmem>> -> memref<128xi32, #tpu.memory_space<vmem>>
      %dma_wait3A_606 = arith.constant 0 : i32
      %dma_wait3A_607 = tpu.memref_slice %arg2[%dma_wait3A_606] : memref<1007616xf32, #tpu.memory_space<hbm>> -> memref<1007616xf32, #tpu.memory_space<hbm>>
      tpu.wait_indirect_dma semaphore(%arg11 : memref<!tpu.dma_semaphore, #tpu.memory_space<semaphore_mem>>) src(%dma_wait3A_607 : memref<1007616xf32, #tpu.memory_space<hbm>>) dst(%dma_wait3A_602 : memref<128xf32, #tpu.memory_space<vmem>>)
      %dma_wait3A_608 = arith.constant 0 : i32
      %dma_wait3A_609 = arith.constant 0 : i32
      %dma_wait3A_610 = tpu.memref_slice %arg7[%dma_wait3A_609] : memref<3200xf32, #tpu.memory_space<vmem>> -> memref<128xf32, #tpu.memory_space<vmem>>
      %dma_wait3A_611 = arith.constant 0 : i32
      %dma_wait3A_612 = tpu.memref_slice %arg6[%dma_wait3A_608, %dma_wait3A_611] : memref<800x128xi32, #tpu.memory_space<vmem>> -> memref<1x128xi32, #tpu.memory_space<vmem>>
      %dma_wait3A_613 = tpu.memref_squeeze %dma_wait3A_612 : memref<1x128xi32, #tpu.memory_space<vmem>> -> memref<128xi32, #tpu.memory_space<vmem>>
      %dma_wait3A_614 = arith.constant 0 : i32
      %dma_wait3A_615 = tpu.memref_slice %arg2[%dma_wait3A_614] : memref<1007616xf32, #tpu.memory_space<hbm>> -> memref<1007616xf32, #tpu.memory_space<hbm>>
      tpu.wait_indirect_dma semaphore(%arg11 : memref<!tpu.dma_semaphore, #tpu.memory_space<semaphore_mem>>) src(%dma_wait3A_615 : memref<1007616xf32, #tpu.memory_space<hbm>>) dst(%dma_wait3A_610 : memref<128xf32, #tpu.memory_space<vmem>>)
      %dma_wait3A_616 = arith.constant 0 : i32
      %dma_wait3A_617 = arith.constant 0 : i32
      %dma_wait3A_618 = tpu.memref_slice %arg7[%dma_wait3A_617] : memref<3200xf32, #tpu.memory_space<vmem>> -> memref<128xf32, #tpu.memory_space<vmem>>
      %dma_wait3A_619 = arith.constant 0 : i32
      %dma_wait3A_620 = tpu.memref_slice %arg6[%dma_wait3A_616, %dma_wait3A_619] : memref<800x128xi32, #tpu.memory_space<vmem>> -> memref<1x128xi32, #tpu.memory_space<vmem>>
      %dma_wait3A_621 = tpu.memref_squeeze %dma_wait3A_620 : memref<1x128xi32, #tpu.memory_space<vmem>> -> memref<128xi32, #tpu.memory_space<vmem>>
      %dma_wait3A_622 = arith.constant 0 : i32
      %dma_wait3A_623 = tpu.memref_slice %arg2[%dma_wait3A_622] : memref<1007616xf32, #tpu.memory_space<hbm>> -> memref<1007616xf32, #tpu.memory_space<hbm>>
      tpu.wait_indirect_dma semaphore(%arg11 : memref<!tpu.dma_semaphore, #tpu.memory_space<semaphore_mem>>) src(%dma_wait3A_623 : memref<1007616xf32, #tpu.memory_space<hbm>>) dst(%dma_wait3A_618 : memref<128xf32, #tpu.memory_space<vmem>>)
      %dma_wait3A_624 = arith.constant 0 : i32
      %dma_wait3A_625 = arith.constant 0 : i32
      %dma_wait3A_626 = tpu.memref_slice %arg7[%dma_wait3A_625] : memref<3200xf32, #tpu.memory_space<vmem>> -> memref<128xf32, #tpu.memory_space<vmem>>
      %dma_wait3A_627 = arith.constant 0 : i32
      %dma_wait3A_628 = tpu.memref_slice %arg6[%dma_wait3A_624, %dma_wait3A_627] : memref<800x128xi32, #tpu.memory_space<vmem>> -> memref<1x128xi32, #tpu.memory_space<vmem>>
      %dma_wait3A_629 = tpu.memref_squeeze %dma_wait3A_628 : memref<1x128xi32, #tpu.memory_space<vmem>> -> memref<128xi32, #tpu.memory_space<vmem>>
      %dma_wait3A_630 = arith.constant 0 : i32
      %dma_wait3A_631 = tpu.memref_slice %arg2[%dma_wait3A_630] : memref<1007616xf32, #tpu.memory_space<hbm>> -> memref<1007616xf32, #tpu.memory_space<hbm>>
      tpu.wait_indirect_dma semaphore(%arg11 : memref<!tpu.dma_semaphore, #tpu.memory_space<semaphore_mem>>) src(%dma_wait3A_631 : memref<1007616xf32, #tpu.memory_space<hbm>>) dst(%dma_wait3A_626 : memref<128xf32, #tpu.memory_space<vmem>>)
      %dma_wait3A_632 = arith.constant 0 : i32
      %dma_wait3A_633 = arith.constant 0 : i32
      %dma_wait3A_634 = tpu.memref_slice %arg7[%dma_wait3A_633] : memref<3200xf32, #tpu.memory_space<vmem>> -> memref<128xf32, #tpu.memory_space<vmem>>
      %dma_wait3A_635 = arith.constant 0 : i32
      %dma_wait3A_636 = tpu.memref_slice %arg6[%dma_wait3A_632, %dma_wait3A_635] : memref<800x128xi32, #tpu.memory_space<vmem>> -> memref<1x128xi32, #tpu.memory_space<vmem>>
      %dma_wait3A_637 = tpu.memref_squeeze %dma_wait3A_636 : memref<1x128xi32, #tpu.memory_space<vmem>> -> memref<128xi32, #tpu.memory_space<vmem>>
      %dma_wait3A_638 = arith.constant 0 : i32
      %dma_wait3A_639 = tpu.memref_slice %arg2[%dma_wait3A_638] : memref<1007616xf32, #tpu.memory_space<hbm>> -> memref<1007616xf32, #tpu.memory_space<hbm>>
      tpu.wait_indirect_dma semaphore(%arg11 : memref<!tpu.dma_semaphore, #tpu.memory_space<semaphore_mem>>) src(%dma_wait3A_639 : memref<1007616xf32, #tpu.memory_space<hbm>>) dst(%dma_wait3A_634 : memref<128xf32, #tpu.memory_space<vmem>>)
      %dma_wait3A_640 = arith.constant 0 : i32
      %dma_wait3A_641 = arith.constant 0 : i32
      %dma_wait3A_642 = tpu.memref_slice %arg7[%dma_wait3A_641] : memref<3200xf32, #tpu.memory_space<vmem>> -> memref<128xf32, #tpu.memory_space<vmem>>
      %dma_wait3A_643 = arith.constant 0 : i32
      %dma_wait3A_644 = tpu.memref_slice %arg6[%dma_wait3A_640, %dma_wait3A_643] : memref<800x128xi32, #tpu.memory_space<vmem>> -> memref<1x128xi32, #tpu.memory_space<vmem>>
      %dma_wait3A_645 = tpu.memref_squeeze %dma_wait3A_644 : memref<1x128xi32, #tpu.memory_space<vmem>> -> memref<128xi32, #tpu.memory_space<vmem>>
      %dma_wait3A_646 = arith.constant 0 : i32
      %dma_wait3A_647 = tpu.memref_slice %arg2[%dma_wait3A_646] : memref<1007616xf32, #tpu.memory_space<hbm>> -> memref<1007616xf32, #tpu.memory_space<hbm>>
      tpu.wait_indirect_dma semaphore(%arg11 : memref<!tpu.dma_semaphore, #tpu.memory_space<semaphore_mem>>) src(%dma_wait3A_647 : memref<1007616xf32, #tpu.memory_space<hbm>>) dst(%dma_wait3A_642 : memref<128xf32, #tpu.memory_space<vmem>>)
      %dma_wait3A_648 = arith.constant 0 : i32
      %dma_wait3A_649 = arith.constant 0 : i32
      %dma_wait3A_650 = tpu.memref_slice %arg7[%dma_wait3A_649] : memref<3200xf32, #tpu.memory_space<vmem>> -> memref<128xf32, #tpu.memory_space<vmem>>
      %dma_wait3A_651 = arith.constant 0 : i32
      %dma_wait3A_652 = tpu.memref_slice %arg6[%dma_wait3A_648, %dma_wait3A_651] : memref<800x128xi32, #tpu.memory_space<vmem>> -> memref<1x128xi32, #tpu.memory_space<vmem>>
      %dma_wait3A_653 = tpu.memref_squeeze %dma_wait3A_652 : memref<1x128xi32, #tpu.memory_space<vmem>> -> memref<128xi32, #tpu.memory_space<vmem>>
      %dma_wait3A_654 = arith.constant 0 : i32
      %dma_wait3A_655 = tpu.memref_slice %arg2[%dma_wait3A_654] : memref<1007616xf32, #tpu.memory_space<hbm>> -> memref<1007616xf32, #tpu.memory_space<hbm>>
      tpu.wait_indirect_dma semaphore(%arg11 : memref<!tpu.dma_semaphore, #tpu.memory_space<semaphore_mem>>) src(%dma_wait3A_655 : memref<1007616xf32, #tpu.memory_space<hbm>>) dst(%dma_wait3A_650 : memref<128xf32, #tpu.memory_space<vmem>>)
      %dma_wait3A_656 = arith.constant 0 : i32
      %dma_wait3A_657 = arith.constant 0 : i32
      %dma_wait3A_658 = tpu.memref_slice %arg7[%dma_wait3A_657] : memref<3200xf32, #tpu.memory_space<vmem>> -> memref<128xf32, #tpu.memory_space<vmem>>
      %dma_wait3A_659 = arith.constant 0 : i32
      %dma_wait3A_660 = tpu.memref_slice %arg6[%dma_wait3A_656, %dma_wait3A_659] : memref<800x128xi32, #tpu.memory_space<vmem>> -> memref<1x128xi32, #tpu.memory_space<vmem>>
      %dma_wait3A_661 = tpu.memref_squeeze %dma_wait3A_660 : memref<1x128xi32, #tpu.memory_space<vmem>> -> memref<128xi32, #tpu.memory_space<vmem>>
      %dma_wait3A_662 = arith.constant 0 : i32
      %dma_wait3A_663 = tpu.memref_slice %arg2[%dma_wait3A_662] : memref<1007616xf32, #tpu.memory_space<hbm>> -> memref<1007616xf32, #tpu.memory_space<hbm>>
      tpu.wait_indirect_dma semaphore(%arg11 : memref<!tpu.dma_semaphore, #tpu.memory_space<semaphore_mem>>) src(%dma_wait3A_663 : memref<1007616xf32, #tpu.memory_space<hbm>>) dst(%dma_wait3A_658 : memref<128xf32, #tpu.memory_space<vmem>>)
      %dma_wait3A_664 = arith.constant 0 : i32
      %dma_wait3A_665 = arith.constant 0 : i32
      %dma_wait3A_666 = tpu.memref_slice %arg7[%dma_wait3A_665] : memref<3200xf32, #tpu.memory_space<vmem>> -> memref<128xf32, #tpu.memory_space<vmem>>
      %dma_wait3A_667 = arith.constant 0 : i32
      %dma_wait3A_668 = tpu.memref_slice %arg6[%dma_wait3A_664, %dma_wait3A_667] : memref<800x128xi32, #tpu.memory_space<vmem>> -> memref<1x128xi32, #tpu.memory_space<vmem>>
      %dma_wait3A_669 = tpu.memref_squeeze %dma_wait3A_668 : memref<1x128xi32, #tpu.memory_space<vmem>> -> memref<128xi32, #tpu.memory_space<vmem>>
      %dma_wait3A_670 = arith.constant 0 : i32
      %dma_wait3A_671 = tpu.memref_slice %arg2[%dma_wait3A_670] : memref<1007616xf32, #tpu.memory_space<hbm>> -> memref<1007616xf32, #tpu.memory_space<hbm>>
      tpu.wait_indirect_dma semaphore(%arg11 : memref<!tpu.dma_semaphore, #tpu.memory_space<semaphore_mem>>) src(%dma_wait3A_671 : memref<1007616xf32, #tpu.memory_space<hbm>>) dst(%dma_wait3A_666 : memref<128xf32, #tpu.memory_space<vmem>>)
      %dma_wait3A_672 = arith.constant 0 : i32
      %dma_wait3A_673 = arith.constant 0 : i32
      %dma_wait3A_674 = tpu.memref_slice %arg7[%dma_wait3A_673] : memref<3200xf32, #tpu.memory_space<vmem>> -> memref<128xf32, #tpu.memory_space<vmem>>
      %dma_wait3A_675 = arith.constant 0 : i32
      %dma_wait3A_676 = tpu.memref_slice %arg6[%dma_wait3A_672, %dma_wait3A_675] : memref<800x128xi32, #tpu.memory_space<vmem>> -> memref<1x128xi32, #tpu.memory_space<vmem>>
      %dma_wait3A_677 = tpu.memref_squeeze %dma_wait3A_676 : memref<1x128xi32, #tpu.memory_space<vmem>> -> memref<128xi32, #tpu.memory_space<vmem>>
      %dma_wait3A_678 = arith.constant 0 : i32
      %dma_wait3A_679 = tpu.memref_slice %arg2[%dma_wait3A_678] : memref<1007616xf32, #tpu.memory_space<hbm>> -> memref<1007616xf32, #tpu.memory_space<hbm>>
      tpu.wait_indirect_dma semaphore(%arg11 : memref<!tpu.dma_semaphore, #tpu.memory_space<semaphore_mem>>) src(%dma_wait3A_679 : memref<1007616xf32, #tpu.memory_space<hbm>>) dst(%dma_wait3A_674 : memref<128xf32, #tpu.memory_space<vmem>>)
      %dma_wait3A_680 = arith.constant 0 : i32
      %dma_wait3A_681 = arith.constant 0 : i32
      %dma_wait3A_682 = tpu.memref_slice %arg7[%dma_wait3A_681] : memref<3200xf32, #tpu.memory_space<vmem>> -> memref<128xf32, #tpu.memory_space<vmem>>
      %dma_wait3A_683 = arith.constant 0 : i32
      %dma_wait3A_684 = tpu.memref_slice %arg6[%dma_wait3A_680, %dma_wait3A_683] : memref<800x128xi32, #tpu.memory_space<vmem>> -> memref<1x128xi32, #tpu.memory_space<vmem>>
      %dma_wait3A_685 = tpu.memref_squeeze %dma_wait3A_684 : memref<1x128xi32, #tpu.memory_space<vmem>> -> memref<128xi32, #tpu.memory_space<vmem>>
      %dma_wait3A_686 = arith.constant 0 : i32
      %dma_wait3A_687 = tpu.memref_slice %arg2[%dma_wait3A_686] : memref<1007616xf32, #tpu.memory_space<hbm>> -> memref<1007616xf32, #tpu.memory_space<hbm>>
      tpu.wait_indirect_dma semaphore(%arg11 : memref<!tpu.dma_semaphore, #tpu.memory_space<semaphore_mem>>) src(%dma_wait3A_687 : memref<1007616xf32, #tpu.memory_space<hbm>>) dst(%dma_wait3A_682 : memref<128xf32, #tpu.memory_space<vmem>>)
      %broadcast_in_dim3A = arith.constant 0.000000e+00 : f32
      %broadcast_in_dim3A_688 = vector.broadcast %broadcast_in_dim3A : f32 to vector<16xf32>
      %scan3A_689 = arith.constant 0 : i32
      %scan3A_690 = arith.constant 25 : i32
      %scan3A_691 = arith.addi %scan3A_689, %scan3A_690 : i32
      %scan3A_692 = arith.constant 1 : i32
      %scan3A_693 = scf.for %scan3A_945 = %scan3A_689 to %scan3A_691 step %scan3A_692 iter_args(%scan3A_946 = %broadcast_in_dim3A_688) -> (vector<16xf32>)  : i32 {
        %mul3A_947 = arith.constant 128 : i32
        %mul3A_948 = arith.muli %scan3A_945, %mul3A_947 : i32
        %add3A_949 = arith.constant 0 : i32
        %add3A_950 = arith.addi %mul3A_948, %add3A_949 : i32
        %get3A_951 = arith.index_cast %add3A_950 : i32 to index
        %get3A_952 = tpu.vector_load %arg7[%get3A_951] {strides = array<i32>} : memref<3200xf32, #tpu.memory_space<vmem>>, vector<16xf32>,
        %get3A_953 = vector.shape_cast %get3A_952 : vector<16xf32> to vector<16xf32>
        %add3A_954 = arith.addf %scan3A_946, %get3A_953 : vector<16xf32>
        %add3A_955 = arith.constant 16 : i32
        %add3A_956 = arith.addi %mul3A_948, %add3A_955 : i32
        %get3A_957 = arith.index_cast %add3A_956 : i32 to index
        %get3A_958 = tpu.vector_load %arg7[%get3A_957] {strides = array<i32>} : memref<3200xf32, #tpu.memory_space<vmem>>, vector<16xf32>,
        %get3A_959 = vector.shape_cast %get3A_958 : vector<16xf32> to vector<16xf32>
        %add3A_960 = arith.addf %add3A_954, %get3A_959 : vector<16xf32>
        %add3A_961 = arith.constant 32 : i32
        %add3A_962 = arith.addi %mul3A_948, %add3A_961 : i32
        %get3A_963 = arith.index_cast %add3A_962 : i32 to index
        %get3A_964 = tpu.vector_load %arg7[%get3A_963] {strides = array<i32>} : memref<3200xf32, #tpu.memory_space<vmem>>, vector<16xf32>,
        %get3A_965 = vector.shape_cast %get3A_964 : vector<16xf32> to vector<16xf32>
        %add3A_966 = arith.addf %add3A_960, %get3A_965 : vector<16xf32>
        %add3A_967 = arith.constant 48 : i32
        %add3A_968 = arith.addi %mul3A_948, %add3A_967 : i32
        %get3A_969 = arith.index_cast %add3A_968 : i32 to index
        %get3A_970 = tpu.vector_load %arg7[%get3A_969] {strides = array<i32>} : memref<3200xf32, #tpu.memory_space<vmem>>, vector<16xf32>,
        %get3A_971 = vector.shape_cast %get3A_970 : vector<16xf32> to vector<16xf32>
        %add3A_972 = arith.addf %add3A_966, %get3A_971 : vector<16xf32>
        %add3A_973 = arith.constant 64 : i32
        %add3A_974 = arith.addi %mul3A_948, %add3A_973 : i32
        %get3A_975 = arith.index_cast %add3A_974 : i32 to index
        %get3A_976 = tpu.vector_load %arg7[%get3A_975] {strides = array<i32>} : memref<3200xf32, #tpu.memory_space<vmem>>, vector<16xf32>,
        %get3A_977 = vector.shape_cast %get3A_976 : vector<16xf32> to vector<16xf32>
        %add3A_978 = arith.addf %add3A_972, %get3A_977 : vector<16xf32>
        %add3A_979 = arith.constant 80 : i32
        %add3A_980 = arith.addi %mul3A_948, %add3A_979 : i32
        %get3A_981 = arith.index_cast %add3A_980 : i32 to index
        %get3A_982 = tpu.vector_load %arg7[%get3A_981] {strides = array<i32>} : memref<3200xf32, #tpu.memory_space<vmem>>, vector<16xf32>,
        %get3A_983 = vector.shape_cast %get3A_982 : vector<16xf32> to vector<16xf32>
        %add3A_984 = arith.addf %add3A_978, %get3A_983 : vector<16xf32>
        %add3A_985 = arith.constant 96 : i32
        %add3A_986 = arith.addi %mul3A_948, %add3A_985 : i32
        %get3A_987 = arith.index_cast %add3A_986 : i32 to index
        %get3A_988 = tpu.vector_load %arg7[%get3A_987] {strides = array<i32>} : memref<3200xf32, #tpu.memory_space<vmem>>, vector<16xf32>,
        %get3A_989 = vector.shape_cast %get3A_988 : vector<16xf32> to vector<16xf32>
        %add3A_990 = arith.addf %add3A_984, %get3A_989 : vector<16xf32>
        %add3A_991 = arith.constant 112 : i32
        %add3A_992 = arith.addi %mul3A_948, %add3A_991 : i32
        %get3A_993 = arith.index_cast %add3A_992 : i32 to index
        %get3A_994 = tpu.vector_load %arg7[%get3A_993] {strides = array<i32>} : memref<3200xf32, #tpu.memory_space<vmem>>, vector<16xf32>,
        %get3A_995 = vector.shape_cast %get3A_994 : vector<16xf32> to vector<16xf32>
        %add3A_996 = arith.addf %add3A_990, %get3A_995 : vector<16xf32>
        scf.yield %add3A_996 : vector<16xf32>
      }
      %scan3A_694 = arith.constant 25 : i32
      %mul3A_695 = arith.constant 5.000000e-03 : f32
      %mul3A_696 = vector.broadcast %mul3A_695 : f32 to vector<16xf32>
      %mul3A_697 = arith.mulf %scan3A_693, %mul3A_696 : vector<16xf32>
      %add3A_698 = arith.addf %mul3A_697, %get3A_2 : vector<16xf32>
      %add3A_699 = arith.addf %add3A_698, %add3A_698 : vector<16xf32>
      %exp3A = math.exp %add3A_699 : vector<16xf32>
      %add3A_700 = arith.constant 1.000000e+00 : f32
      %add3A_701 = vector.broadcast %add3A_700 : f32 to vector<16xf32>
      %add3A_702 = arith.addf %exp3A, %add3A_701 : vector<16xf32>
      %div3A = arith.constant 2.000000e+00 : f32
      %div3A_703 = vector.broadcast %div3A : f32 to vector<16xf32>
      %div3A_704 = arith.divf %div3A_703, %add3A_702 : vector<16xf32>
      %sub3A = arith.constant 1.000000e+00 : f32
      %sub3A_705 = vector.broadcast %sub3A : f32 to vector<16xf32>
      %sub3A_706 = arith.subf %sub3A_705, %div3A_704 : vector<16xf32>
      %mul3A_707 = arith.constant 16 : i32
      %mul3A_708 = arith.muli %mul3A_211, %mul3A_707 : i32
      %swap3A = arith.index_cast %mul3A_708 : i32 to index
      %swap3A_709 = tpu.vector_load %arg9[%swap3A] {strides = array<i32>} : memref<512xf32, #tpu.memory_space<vmem>>, vector<16xf32>,
      %swap3A_710 = vector.shape_cast %swap3A_709 : vector<16xf32> to vector<16xf32>
      %swap3A_711 = vector.shape_cast %sub3A_706 : vector<16xf32> to vector<16xf32>
      tpu.vector_store %arg9[%swap3A], %swap3A_711 {strides = array<i32>} : memref<512xf32, #tpu.memory_space<vmem>>, vector<16xf32>,
      %add3A_712 = arith.constant 1 : i32
      %add3A_713 = arith.addi %add3A_213, %add3A_712 : i32
      %lt3A = arith.constant 32 : i32
      %lt3A_714 = arith.cmpi slt, %add3A_713, %lt3A : i32
      %convert_element_type3A = arith.extui %lt3A_714 : i1 to i32
      %cond3A = arith.constant 0 : i32
      %cond3A_715 = arith.cmpi ne, %convert_element_type3A, %cond3A : i32
      scf.if %cond3A_715 {
        %add3A_945 = arith.constant 1 : i32
        %add3A_946 = arith.addi %add3A_213, %add3A_945 : i32
        %mul3A_947 = arith.constant 25 : i32
        %mul3A_948 = arith.muli %add3A_946, %mul3A_947 : i32
        %add3A_949 = arith.constant 0 : i32
        %add3A_950 = arith.addi %mul3A_948, %add3A_949 : i32
        %dma_start3A_951 = arith.constant 0 : i32
        %dma_start3A_952 = tpu.memref_slice %arg7[%dma_start3A_951] : memref<3200xf32, #tpu.memory_space<vmem>> -> memref<128xf32, #tpu.memory_space<vmem>>
        %dma_start3A_953 = arith.constant 0 : i32
        %dma_start3A_954 = tpu.memref_slice %arg6[%add3A_950, %dma_start3A_953] : memref<800x128xi32, #tpu.memory_space<vmem>> -> memref<1x128xi32, #tpu.memory_space<vmem>>
        %dma_start3A_955 = tpu.memref_squeeze %dma_start3A_954 : memref<1x128xi32, #tpu.memory_space<vmem>> -> memref<128xi32, #tpu.memory_space<vmem>>
        %dma_start3A_956 = arith.constant 0 : i32
        %dma_start3A_957 = tpu.memref_slice %arg2[%dma_start3A_956] : memref<1007616xf32, #tpu.memory_space<hbm>> -> memref<1007616xf32, #tpu.memory_space<hbm>>
        tpu.enqueue_indirect_dma source(%dma_start3A_957 : memref<1007616xf32, #tpu.memory_space<hbm>>) target(%dma_start3A_952 : memref<128xf32, #tpu.memory_space<vmem>>) offsets(%dma_start3A_955 : memref<128xi32, #tpu.memory_space<vmem>>) semaphore(%arg11 : memref<!tpu.dma_semaphore, #tpu.memory_space<semaphore_mem>>)
        %mul3A_958 = arith.constant 25 : i32
        %mul3A_959 = arith.muli %add3A_946, %mul3A_958 : i32
        %add3A_960 = arith.constant 1 : i32
        %add3A_961 = arith.addi %mul3A_959, %add3A_960 : i32
        %dma_start3A_962 = arith.constant 128 : i32
        %dma_start3A_963 = tpu.memref_slice %arg7[%dma_start3A_962] : memref<3200xf32, #tpu.memory_space<vmem>> -> memref<128xf32, #tpu.memory_space<vmem>>
        %dma_start3A_964 = arith.constant 0 : i32
        %dma_start3A_965 = tpu.memref_slice %arg6[%add3A_961, %dma_start3A_964] : memref<800x128xi32, #tpu.memory_space<vmem>> -> memref<1x128xi32, #tpu.memory_space<vmem>>
        %dma_start3A_966 = tpu.memref_squeeze %dma_start3A_965 : memref<1x128xi32, #tpu.memory_space<vmem>> -> memref<128xi32, #tpu.memory_space<vmem>>
        %dma_start3A_967 = arith.constant 0 : i32
        %dma_start3A_968 = tpu.memref_slice %arg2[%dma_start3A_967] : memref<1007616xf32, #tpu.memory_space<hbm>> -> memref<1007616xf32, #tpu.memory_space<hbm>>
        tpu.enqueue_indirect_dma source(%dma_start3A_968 : memref<1007616xf32, #tpu.memory_space<hbm>>) target(%dma_start3A_963 : memref<128xf32, #tpu.memory_space<vmem>>) offsets(%dma_start3A_966 : memref<128xi32, #tpu.memory_space<vmem>>) semaphore(%arg11 : memref<!tpu.dma_semaphore, #tpu.memory_space<semaphore_mem>>)
        %mul3A_969 = arith.constant 25 : i32
        %mul3A_970 = arith.muli %add3A_946, %mul3A_969 : i32
        %add3A_971 = arith.constant 2 : i32
        %add3A_972 = arith.addi %mul3A_970, %add3A_971 : i32
        %dma_start3A_973 = arith.constant 256 : i32
        %dma_start3A_974 = tpu.memref_slice %arg7[%dma_start3A_973] : memref<3200xf32, #tpu.memory_space<vmem>> -> memref<128xf32, #tpu.memory_space<vmem>>
        %dma_start3A_975 = arith.constant 0 : i32
        %dma_start3A_976 = tpu.memref_slice %arg6[%add3A_972, %dma_start3A_975] : memref<800x128xi32, #tpu.memory_space<vmem>> -> memref<1x128xi32, #tpu.memory_space<vmem>>
        %dma_start3A_977 = tpu.memref_squeeze %dma_start3A_976 : memref<1x128xi32, #tpu.memory_space<vmem>> -> memref<128xi32, #tpu.memory_space<vmem>>
        %dma_start3A_978 = arith.constant 0 : i32
        %dma_start3A_979 = tpu.memref_slice %arg2[%dma_start3A_978] : memref<1007616xf32, #tpu.memory_space<hbm>> -> memref<1007616xf32, #tpu.memory_space<hbm>>
        tpu.enqueue_indirect_dma source(%dma_start3A_979 : memref<1007616xf32, #tpu.memory_space<hbm>>) target(%dma_start3A_974 : memref<128xf32, #tpu.memory_space<vmem>>) offsets(%dma_start3A_977 : memref<128xi32, #tpu.memory_space<vmem>>) semaphore(%arg11 : memref<!tpu.dma_semaphore, #tpu.memory_space<semaphore_mem>>)
        %mul3A_980 = arith.constant 25 : i32
        %mul3A_981 = arith.muli %add3A_946, %mul3A_980 : i32
        %add3A_982 = arith.constant 3 : i32
        %add3A_983 = arith.addi %mul3A_981, %add3A_982 : i32
        %dma_start3A_984 = arith.constant 384 : i32
        %dma_start3A_985 = tpu.memref_slice %arg7[%dma_start3A_984] : memref<3200xf32, #tpu.memory_space<vmem>> -> memref<128xf32, #tpu.memory_space<vmem>>
        %dma_start3A_986 = arith.constant 0 : i32
        %dma_start3A_987 = tpu.memref_slice %arg6[%add3A_983, %dma_start3A_986] : memref<800x128xi32, #tpu.memory_space<vmem>> -> memref<1x128xi32, #tpu.memory_space<vmem>>
        %dma_start3A_988 = tpu.memref_squeeze %dma_start3A_987 : memref<1x128xi32, #tpu.memory_space<vmem>> -> memref<128xi32, #tpu.memory_space<vmem>>
        %dma_start3A_989 = arith.constant 0 : i32
        %dma_start3A_990 = tpu.memref_slice %arg2[%dma_start3A_989] : memref<1007616xf32, #tpu.memory_space<hbm>> -> memref<1007616xf32, #tpu.memory_space<hbm>>
        tpu.enqueue_indirect_dma source(%dma_start3A_990 : memref<1007616xf32, #tpu.memory_space<hbm>>) target(%dma_start3A_985 : memref<128xf32, #tpu.memory_space<vmem>>) offsets(%dma_start3A_988 : memref<128xi32, #tpu.memory_space<vmem>>) semaphore(%arg11 : memref<!tpu.dma_semaphore, #tpu.memory_space<semaphore_mem>>)
        %mul3A_991 = arith.constant 25 : i32
        %mul3A_992 = arith.muli %add3A_946, %mul3A_991 : i32
        %add3A_993 = arith.constant 4 : i32
        %add3A_994 = arith.addi %mul3A_992, %add3A_993 : i32
        %dma_start3A_995 = arith.constant 512 : i32
        %dma_start3A_996 = tpu.memref_slice %arg7[%dma_start3A_995] : memref<3200xf32, #tpu.memory_space<vmem>> -> memref<128xf32, #tpu.memory_space<vmem>>
        %dma_start3A_997 = arith.constant 0 : i32
        %dma_start3A_998 = tpu.memref_slice %arg6[%add3A_994, %dma_start3A_997] : memref<800x128xi32, #tpu.memory_space<vmem>> -> memref<1x128xi32, #tpu.memory_space<vmem>>
        %dma_start3A_999 = tpu.memref_squeeze %dma_start3A_998 : memref<1x128xi32, #tpu.memory_space<vmem>> -> memref<128xi32, #tpu.memory_space<vmem>>
        %dma_start3A_1000 = arith.constant 0 : i32
        %dma_start3A_1001 = tpu.memref_slice %arg2[%dma_start3A_1000] : memref<1007616xf32, #tpu.memory_space<hbm>> -> memref<1007616xf32, #tpu.memory_space<hbm>>
        tpu.enqueue_indirect_dma source(%dma_start3A_1001 : memref<1007616xf32, #tpu.memory_space<hbm>>) target(%dma_start3A_996 : memref<128xf32, #tpu.memory_space<vmem>>) offsets(%dma_start3A_999 : memref<128xi32, #tpu.memory_space<vmem>>) semaphore(%arg11 : memref<!tpu.dma_semaphore, #tpu.memory_space<semaphore_mem>>)
        %mul3A_1002 = arith.constant 25 : i32
        %mul3A_1003 = arith.muli %add3A_946, %mul3A_1002 : i32
        %add3A_1004 = arith.constant 5 : i32
        %add3A_1005 = arith.addi %mul3A_1003, %add3A_1004 : i32
        %dma_start3A_1006 = arith.constant 640 : i32
        %dma_start3A_1007 = tpu.memref_slice %arg7[%dma_start3A_1006] : memref<3200xf32, #tpu.memory_space<vmem>> -> memref<128xf32, #tpu.memory_space<vmem>>
        %dma_start3A_1008 = arith.constant 0 : i32
        %dma_start3A_1009 = tpu.memref_slice %arg6[%add3A_1005, %dma_start3A_1008] : memref<800x128xi32, #tpu.memory_space<vmem>> -> memref<1x128xi32, #tpu.memory_space<vmem>>
        %dma_start3A_1010 = tpu.memref_squeeze %dma_start3A_1009 : memref<1x128xi32, #tpu.memory_space<vmem>> -> memref<128xi32, #tpu.memory_space<vmem>>
        %dma_start3A_1011 = arith.constant 0 : i32
        %dma_start3A_1012 = tpu.memref_slice %arg2[%dma_start3A_1011] : memref<1007616xf32, #tpu.memory_space<hbm>> -> memref<1007616xf32, #tpu.memory_space<hbm>>
        tpu.enqueue_indirect_dma source(%dma_start3A_1012 : memref<1007616xf32, #tpu.memory_space<hbm>>) target(%dma_start3A_1007 : memref<128xf32, #tpu.memory_space<vmem>>) offsets(%dma_start3A_1010 : memref<128xi32, #tpu.memory_space<vmem>>) semaphore(%arg11 : memref<!tpu.dma_semaphore, #tpu.memory_space<semaphore_mem>>)
        %mul3A_1013 = arith.constant 25 : i32
        %mul3A_1014 = arith.muli %add3A_946, %mul3A_1013 : i32
        %add3A_1015 = arith.constant 6 : i32
        %add3A_1016 = arith.addi %mul3A_1014, %add3A_1015 : i32
        %dma_start3A_1017 = arith.constant 768 : i32
        %dma_start3A_1018 = tpu.memref_slice %arg7[%dma_start3A_1017] : memref<3200xf32, #tpu.memory_space<vmem>> -> memref<128xf32, #tpu.memory_space<vmem>>
        %dma_start3A_1019 = arith.constant 0 : i32
        %dma_start3A_1020 = tpu.memref_slice %arg6[%add3A_1016, %dma_start3A_1019] : memref<800x128xi32, #tpu.memory_space<vmem>> -> memref<1x128xi32, #tpu.memory_space<vmem>>
        %dma_start3A_1021 = tpu.memref_squeeze %dma_start3A_1020 : memref<1x128xi32, #tpu.memory_space<vmem>> -> memref<128xi32, #tpu.memory_space<vmem>>
        %dma_start3A_1022 = arith.constant 0 : i32
        %dma_start3A_1023 = tpu.memref_slice %arg2[%dma_start3A_1022] : memref<1007616xf32, #tpu.memory_space<hbm>> -> memref<1007616xf32, #tpu.memory_space<hbm>>
        tpu.enqueue_indirect_dma source(%dma_start3A_1023 : memref<1007616xf32, #tpu.memory_space<hbm>>) target(%dma_start3A_1018 : memref<128xf32, #tpu.memory_space<vmem>>) offsets(%dma_start3A_1021 : memref<128xi32, #tpu.memory_space<vmem>>) semaphore(%arg11 : memref<!tpu.dma_semaphore, #tpu.memory_space<semaphore_mem>>)
        %mul3A_1024 = arith.constant 25 : i32
        %mul3A_1025 = arith.muli %add3A_946, %mul3A_1024 : i32
        %add3A_1026 = arith.constant 7 : i32
        %add3A_1027 = arith.addi %mul3A_1025, %add3A_1026 : i32
        %dma_start3A_1028 = arith.constant 896 : i32
        %dma_start3A_1029 = tpu.memref_slice %arg7[%dma_start3A_1028] : memref<3200xf32, #tpu.memory_space<vmem>> -> memref<128xf32, #tpu.memory_space<vmem>>
        %dma_start3A_1030 = arith.constant 0 : i32
        %dma_start3A_1031 = tpu.memref_slice %arg6[%add3A_1027, %dma_start3A_1030] : memref<800x128xi32, #tpu.memory_space<vmem>> -> memref<1x128xi32, #tpu.memory_space<vmem>>
        %dma_start3A_1032 = tpu.memref_squeeze %dma_start3A_1031 : memref<1x128xi32, #tpu.memory_space<vmem>> -> memref<128xi32, #tpu.memory_space<vmem>>
        %dma_start3A_1033 = arith.constant 0 : i32
        %dma_start3A_1034 = tpu.memref_slice %arg2[%dma_start3A_1033] : memref<1007616xf32, #tpu.memory_space<hbm>> -> memref<1007616xf32, #tpu.memory_space<hbm>>
        tpu.enqueue_indirect_dma source(%dma_start3A_1034 : memref<1007616xf32, #tpu.memory_space<hbm>>) target(%dma_start3A_1029 : memref<128xf32, #tpu.memory_space<vmem>>) offsets(%dma_start3A_1032 : memref<128xi32, #tpu.memory_space<vmem>>) semaphore(%arg11 : memref<!tpu.dma_semaphore, #tpu.memory_space<semaphore_mem>>)
        %mul3A_1035 = arith.constant 25 : i32
        %mul3A_1036 = arith.muli %add3A_946, %mul3A_1035 : i32
        %add3A_1037 = arith.constant 8 : i32
        %add3A_1038 = arith.addi %mul3A_1036, %add3A_1037 : i32
        %dma_start3A_1039 = arith.constant 1024 : i32
        %dma_start3A_1040 = tpu.memref_slice %arg7[%dma_start3A_1039] : memref<3200xf32, #tpu.memory_space<vmem>> -> memref<128xf32, #tpu.memory_space<vmem>>
        %dma_start3A_1041 = arith.constant 0 : i32
        %dma_start3A_1042 = tpu.memref_slice %arg6[%add3A_1038, %dma_start3A_1041] : memref<800x128xi32, #tpu.memory_space<vmem>> -> memref<1x128xi32, #tpu.memory_space<vmem>>
        %dma_start3A_1043 = tpu.memref_squeeze %dma_start3A_1042 : memref<1x128xi32, #tpu.memory_space<vmem>> -> memref<128xi32, #tpu.memory_space<vmem>>
        %dma_start3A_1044 = arith.constant 0 : i32
        %dma_start3A_1045 = tpu.memref_slice %arg2[%dma_start3A_1044] : memref<1007616xf32, #tpu.memory_space<hbm>> -> memref<1007616xf32, #tpu.memory_space<hbm>>
        tpu.enqueue_indirect_dma source(%dma_start3A_1045 : memref<1007616xf32, #tpu.memory_space<hbm>>) target(%dma_start3A_1040 : memref<128xf32, #tpu.memory_space<vmem>>) offsets(%dma_start3A_1043 : memref<128xi32, #tpu.memory_space<vmem>>) semaphore(%arg11 : memref<!tpu.dma_semaphore, #tpu.memory_space<semaphore_mem>>)
        %mul3A_1046 = arith.constant 25 : i32
        %mul3A_1047 = arith.muli %add3A_946, %mul3A_1046 : i32
        %add3A_1048 = arith.constant 9 : i32
        %add3A_1049 = arith.addi %mul3A_1047, %add3A_1048 : i32
        %dma_start3A_1050 = arith.constant 1152 : i32
        %dma_start3A_1051 = tpu.memref_slice %arg7[%dma_start3A_1050] : memref<3200xf32, #tpu.memory_space<vmem>> -> memref<128xf32, #tpu.memory_space<vmem>>
        %dma_start3A_1052 = arith.constant 0 : i32
        %dma_start3A_1053 = tpu.memref_slice %arg6[%add3A_1049, %dma_start3A_1052] : memref<800x128xi32, #tpu.memory_space<vmem>> -> memref<1x128xi32, #tpu.memory_space<vmem>>
        %dma_start3A_1054 = tpu.memref_squeeze %dma_start3A_1053 : memref<1x128xi32, #tpu.memory_space<vmem>> -> memref<128xi32, #tpu.memory_space<vmem>>
        %dma_start3A_1055 = arith.constant 0 : i32
        %dma_start3A_1056 = tpu.memref_slice %arg2[%dma_start3A_1055] : memref<1007616xf32, #tpu.memory_space<hbm>> -> memref<1007616xf32, #tpu.memory_space<hbm>>
        tpu.enqueue_indirect_dma source(%dma_start3A_1056 : memref<1007616xf32, #tpu.memory_space<hbm>>) target(%dma_start3A_1051 : memref<128xf32, #tpu.memory_space<vmem>>) offsets(%dma_start3A_1054 : memref<128xi32, #tpu.memory_space<vmem>>) semaphore(%arg11 : memref<!tpu.dma_semaphore, #tpu.memory_space<semaphore_mem>>)
        %mul3A_1057 = arith.constant 25 : i32
        %mul3A_1058 = arith.muli %add3A_946, %mul3A_1057 : i32
        %add3A_1059 = arith.constant 10 : i32
        %add3A_1060 = arith.addi %mul3A_1058, %add3A_1059 : i32
        %dma_start3A_1061 = arith.constant 1280 : i32
        %dma_start3A_1062 = tpu.memref_slice %arg7[%dma_start3A_1061] : memref<3200xf32, #tpu.memory_space<vmem>> -> memref<128xf32, #tpu.memory_space<vmem>>
        %dma_start3A_1063 = arith.constant 0 : i32
        %dma_start3A_1064 = tpu.memref_slice %arg6[%add3A_1060, %dma_start3A_1063] : memref<800x128xi32, #tpu.memory_space<vmem>> -> memref<1x128xi32, #tpu.memory_space<vmem>>
        %dma_start3A_1065 = tpu.memref_squeeze %dma_start3A_1064 : memref<1x128xi32, #tpu.memory_space<vmem>> -> memref<128xi32, #tpu.memory_space<vmem>>
        %dma_start3A_1066 = arith.constant 0 : i32
        %dma_start3A_1067 = tpu.memref_slice %arg2[%dma_start3A_1066] : memref<1007616xf32, #tpu.memory_space<hbm>> -> memref<1007616xf32, #tpu.memory_space<hbm>>
        tpu.enqueue_indirect_dma source(%dma_start3A_1067 : memref<1007616xf32, #tpu.memory_space<hbm>>) target(%dma_start3A_1062 : memref<128xf32, #tpu.memory_space<vmem>>) offsets(%dma_start3A_1065 : memref<128xi32, #tpu.memory_space<vmem>>) semaphore(%arg11 : memref<!tpu.dma_semaphore, #tpu.memory_space<semaphore_mem>>)
        %mul3A_1068 = arith.constant 25 : i32
        %mul3A_1069 = arith.muli %add3A_946, %mul3A_1068 : i32
        %add3A_1070 = arith.constant 11 : i32
        %add3A_1071 = arith.addi %mul3A_1069, %add3A_1070 : i32
        %dma_start3A_1072 = arith.constant 1408 : i32
        %dma_start3A_1073 = tpu.memref_slice %arg7[%dma_start3A_1072] : memref<3200xf32, #tpu.memory_space<vmem>> -> memref<128xf32, #tpu.memory_space<vmem>>
        %dma_start3A_1074 = arith.constant 0 : i32
        %dma_start3A_1075 = tpu.memref_slice %arg6[%add3A_1071, %dma_start3A_1074] : memref<800x128xi32, #tpu.memory_space<vmem>> -> memref<1x128xi32, #tpu.memory_space<vmem>>
        %dma_start3A_1076 = tpu.memref_squeeze %dma_start3A_1075 : memref<1x128xi32, #tpu.memory_space<vmem>> -> memref<128xi32, #tpu.memory_space<vmem>>
        %dma_start3A_1077 = arith.constant 0 : i32
        %dma_start3A_1078 = tpu.memref_slice %arg2[%dma_start3A_1077] : memref<1007616xf32, #tpu.memory_space<hbm>> -> memref<1007616xf32, #tpu.memory_space<hbm>>
        tpu.enqueue_indirect_dma source(%dma_start3A_1078 : memref<1007616xf32, #tpu.memory_space<hbm>>) target(%dma_start3A_1073 : memref<128xf32, #tpu.memory_space<vmem>>) offsets(%dma_start3A_1076 : memref<128xi32, #tpu.memory_space<vmem>>) semaphore(%arg11 : memref<!tpu.dma_semaphore, #tpu.memory_space<semaphore_mem>>)
        %mul3A_1079 = arith.constant 25 : i32
        %mul3A_1080 = arith.muli %add3A_946, %mul3A_1079 : i32
        %add3A_1081 = arith.constant 12 : i32
        %add3A_1082 = arith.addi %mul3A_1080, %add3A_1081 : i32
        %dma_start3A_1083 = arith.constant 1536 : i32
        %dma_start3A_1084 = tpu.memref_slice %arg7[%dma_start3A_1083] : memref<3200xf32, #tpu.memory_space<vmem>> -> memref<128xf32, #tpu.memory_space<vmem>>
        %dma_start3A_1085 = arith.constant 0 : i32
        %dma_start3A_1086 = tpu.memref_slice %arg6[%add3A_1082, %dma_start3A_1085] : memref<800x128xi32, #tpu.memory_space<vmem>> -> memref<1x128xi32, #tpu.memory_space<vmem>>
        %dma_start3A_1087 = tpu.memref_squeeze %dma_start3A_1086 : memref<1x128xi32, #tpu.memory_space<vmem>> -> memref<128xi32, #tpu.memory_space<vmem>>
        %dma_start3A_1088 = arith.constant 0 : i32
        %dma_start3A_1089 = tpu.memref_slice %arg2[%dma_start3A_1088] : memref<1007616xf32, #tpu.memory_space<hbm>> -> memref<1007616xf32, #tpu.memory_space<hbm>>
        tpu.enqueue_indirect_dma source(%dma_start3A_1089 : memref<1007616xf32, #tpu.memory_space<hbm>>) target(%dma_start3A_1084 : memref<128xf32, #tpu.memory_space<vmem>>) offsets(%dma_start3A_1087 : memref<128xi32, #tpu.memory_space<vmem>>) semaphore(%arg11 : memref<!tpu.dma_semaphore, #tpu.memory_space<semaphore_mem>>)
        %mul3A_1090 = arith.constant 25 : i32
        %mul3A_1091 = arith.muli %add3A_946, %mul3A_1090 : i32
        %add3A_1092 = arith.constant 13 : i32
        %add3A_1093 = arith.addi %mul3A_1091, %add3A_1092 : i32
        %dma_start3A_1094 = arith.constant 1664 : i32
        %dma_start3A_1095 = tpu.memref_slice %arg7[%dma_start3A_1094] : memref<3200xf32, #tpu.memory_space<vmem>> -> memref<128xf32, #tpu.memory_space<vmem>>
        %dma_start3A_1096 = arith.constant 0 : i32
        %dma_start3A_1097 = tpu.memref_slice %arg6[%add3A_1093, %dma_start3A_1096] : memref<800x128xi32, #tpu.memory_space<vmem>> -> memref<1x128xi32, #tpu.memory_space<vmem>>
        %dma_start3A_1098 = tpu.memref_squeeze %dma_start3A_1097 : memref<1x128xi32, #tpu.memory_space<vmem>> -> memref<128xi32, #tpu.memory_space<vmem>>
        %dma_start3A_1099 = arith.constant 0 : i32
        %dma_start3A_1100 = tpu.memref_slice %arg2[%dma_start3A_1099] : memref<1007616xf32, #tpu.memory_space<hbm>> -> memref<1007616xf32, #tpu.memory_space<hbm>>
        tpu.enqueue_indirect_dma source(%dma_start3A_1100 : memref<1007616xf32, #tpu.memory_space<hbm>>) target(%dma_start3A_1095 : memref<128xf32, #tpu.memory_space<vmem>>) offsets(%dma_start3A_1098 : memref<128xi32, #tpu.memory_space<vmem>>) semaphore(%arg11 : memref<!tpu.dma_semaphore, #tpu.memory_space<semaphore_mem>>)
        %mul3A_1101 = arith.constant 25 : i32
        %mul3A_1102 = arith.muli %add3A_946, %mul3A_1101 : i32
        %add3A_1103 = arith.constant 14 : i32
        %add3A_1104 = arith.addi %mul3A_1102, %add3A_1103 : i32
        %dma_start3A_1105 = arith.constant 1792 : i32
        %dma_start3A_1106 = tpu.memref_slice %arg7[%dma_start3A_1105] : memref<3200xf32, #tpu.memory_space<vmem>> -> memref<128xf32, #tpu.memory_space<vmem>>
        %dma_start3A_1107 = arith.constant 0 : i32
        %dma_start3A_1108 = tpu.memref_slice %arg6[%add3A_1104, %dma_start3A_1107] : memref<800x128xi32, #tpu.memory_space<vmem>> -> memref<1x128xi32, #tpu.memory_space<vmem>>
        %dma_start3A_1109 = tpu.memref_squeeze %dma_start3A_1108 : memref<1x128xi32, #tpu.memory_space<vmem>> -> memref<128xi32, #tpu.memory_space<vmem>>
        %dma_start3A_1110 = arith.constant 0 : i32
        %dma_start3A_1111 = tpu.memref_slice %arg2[%dma_start3A_1110] : memref<1007616xf32, #tpu.memory_space<hbm>> -> memref<1007616xf32, #tpu.memory_space<hbm>>
        tpu.enqueue_indirect_dma source(%dma_start3A_1111 : memref<1007616xf32, #tpu.memory_space<hbm>>) target(%dma_start3A_1106 : memref<128xf32, #tpu.memory_space<vmem>>) offsets(%dma_start3A_1109 : memref<128xi32, #tpu.memory_space<vmem>>) semaphore(%arg11 : memref<!tpu.dma_semaphore, #tpu.memory_space<semaphore_mem>>)
        %mul3A_1112 = arith.constant 25 : i32
        %mul3A_1113 = arith.muli %add3A_946, %mul3A_1112 : i32
        %add3A_1114 = arith.constant 15 : i32
        %add3A_1115 = arith.addi %mul3A_1113, %add3A_1114 : i32
        %dma_start3A_1116 = arith.constant 1920 : i32
        %dma_start3A_1117 = tpu.memref_slice %arg7[%dma_start3A_1116] : memref<3200xf32, #tpu.memory_space<vmem>> -> memref<128xf32, #tpu.memory_space<vmem>>
        %dma_start3A_1118 = arith.constant 0 : i32
        %dma_start3A_1119 = tpu.memref_slice %arg6[%add3A_1115, %dma_start3A_1118] : memref<800x128xi32, #tpu.memory_space<vmem>> -> memref<1x128xi32, #tpu.memory_space<vmem>>
        %dma_start3A_1120 = tpu.memref_squeeze %dma_start3A_1119 : memref<1x128xi32, #tpu.memory_space<vmem>> -> memref<128xi32, #tpu.memory_space<vmem>>
        %dma_start3A_1121 = arith.constant 0 : i32
        %dma_start3A_1122 = tpu.memref_slice %arg2[%dma_start3A_1121] : memref<1007616xf32, #tpu.memory_space<hbm>> -> memref<1007616xf32, #tpu.memory_space<hbm>>
        tpu.enqueue_indirect_dma source(%dma_start3A_1122 : memref<1007616xf32, #tpu.memory_space<hbm>>) target(%dma_start3A_1117 : memref<128xf32, #tpu.memory_space<vmem>>) offsets(%dma_start3A_1120 : memref<128xi32, #tpu.memory_space<vmem>>) semaphore(%arg11 : memref<!tpu.dma_semaphore, #tpu.memory_space<semaphore_mem>>)
        %mul3A_1123 = arith.constant 25 : i32
        %mul3A_1124 = arith.muli %add3A_946, %mul3A_1123 : i32
        %add3A_1125 = arith.constant 16 : i32
        %add3A_1126 = arith.addi %mul3A_1124, %add3A_1125 : i32
        %dma_start3A_1127 = arith.constant 2048 : i32
        %dma_start3A_1128 = tpu.memref_slice %arg7[%dma_start3A_1127] : memref<3200xf32, #tpu.memory_space<vmem>> -> memref<128xf32, #tpu.memory_space<vmem>>
        %dma_start3A_1129 = arith.constant 0 : i32
        %dma_start3A_1130 = tpu.memref_slice %arg6[%add3A_1126, %dma_start3A_1129] : memref<800x128xi32, #tpu.memory_space<vmem>> -> memref<1x128xi32, #tpu.memory_space<vmem>>
        %dma_start3A_1131 = tpu.memref_squeeze %dma_start3A_1130 : memref<1x128xi32, #tpu.memory_space<vmem>> -> memref<128xi32, #tpu.memory_space<vmem>>
        %dma_start3A_1132 = arith.constant 0 : i32
        %dma_start3A_1133 = tpu.memref_slice %arg2[%dma_start3A_1132] : memref<1007616xf32, #tpu.memory_space<hbm>> -> memref<1007616xf32, #tpu.memory_space<hbm>>
        tpu.enqueue_indirect_dma source(%dma_start3A_1133 : memref<1007616xf32, #tpu.memory_space<hbm>>) target(%dma_start3A_1128 : memref<128xf32, #tpu.memory_space<vmem>>) offsets(%dma_start3A_1131 : memref<128xi32, #tpu.memory_space<vmem>>) semaphore(%arg11 : memref<!tpu.dma_semaphore, #tpu.memory_space<semaphore_mem>>)
        %mul3A_1134 = arith.constant 25 : i32
        %mul3A_1135 = arith.muli %add3A_946, %mul3A_1134 : i32
        %add3A_1136 = arith.constant 17 : i32
        %add3A_1137 = arith.addi %mul3A_1135, %add3A_1136 : i32
        %dma_start3A_1138 = arith.constant 2176 : i32
        %dma_start3A_1139 = tpu.memref_slice %arg7[%dma_start3A_1138] : memref<3200xf32, #tpu.memory_space<vmem>> -> memref<128xf32, #tpu.memory_space<vmem>>
        %dma_start3A_1140 = arith.constant 0 : i32
        %dma_start3A_1141 = tpu.memref_slice %arg6[%add3A_1137, %dma_start3A_1140] : memref<800x128xi32, #tpu.memory_space<vmem>> -> memref<1x128xi32, #tpu.memory_space<vmem>>
        %dma_start3A_1142 = tpu.memref_squeeze %dma_start3A_1141 : memref<1x128xi32, #tpu.memory_space<vmem>> -> memref<128xi32, #tpu.memory_space<vmem>>
        %dma_start3A_1143 = arith.constant 0 : i32
        %dma_start3A_1144 = tpu.memref_slice %arg2[%dma_start3A_1143] : memref<1007616xf32, #tpu.memory_space<hbm>> -> memref<1007616xf32, #tpu.memory_space<hbm>>
        tpu.enqueue_indirect_dma source(%dma_start3A_1144 : memref<1007616xf32, #tpu.memory_space<hbm>>) target(%dma_start3A_1139 : memref<128xf32, #tpu.memory_space<vmem>>) offsets(%dma_start3A_1142 : memref<128xi32, #tpu.memory_space<vmem>>) semaphore(%arg11 : memref<!tpu.dma_semaphore, #tpu.memory_space<semaphore_mem>>)
        %mul3A_1145 = arith.constant 25 : i32
        %mul3A_1146 = arith.muli %add3A_946, %mul3A_1145 : i32
        %add3A_1147 = arith.constant 18 : i32
        %add3A_1148 = arith.addi %mul3A_1146, %add3A_1147 : i32
        %dma_start3A_1149 = arith.constant 2304 : i32
        %dma_start3A_1150 = tpu.memref_slice %arg7[%dma_start3A_1149] : memref<3200xf32, #tpu.memory_space<vmem>> -> memref<128xf32, #tpu.memory_space<vmem>>
        %dma_start3A_1151 = arith.constant 0 : i32
        %dma_start3A_1152 = tpu.memref_slice %arg6[%add3A_1148, %dma_start3A_1151] : memref<800x128xi32, #tpu.memory_space<vmem>> -> memref<1x128xi32, #tpu.memory_space<vmem>>
        %dma_start3A_1153 = tpu.memref_squeeze %dma_start3A_1152 : memref<1x128xi32, #tpu.memory_space<vmem>> -> memref<128xi32, #tpu.memory_space<vmem>>
        %dma_start3A_1154 = arith.constant 0 : i32
        %dma_start3A_1155 = tpu.memref_slice %arg2[%dma_start3A_1154] : memref<1007616xf32, #tpu.memory_space<hbm>> -> memref<1007616xf32, #tpu.memory_space<hbm>>
        tpu.enqueue_indirect_dma source(%dma_start3A_1155 : memref<1007616xf32, #tpu.memory_space<hbm>>) target(%dma_start3A_1150 : memref<128xf32, #tpu.memory_space<vmem>>) offsets(%dma_start3A_1153 : memref<128xi32, #tpu.memory_space<vmem>>) semaphore(%arg11 : memref<!tpu.dma_semaphore, #tpu.memory_space<semaphore_mem>>)
        %mul3A_1156 = arith.constant 25 : i32
        %mul3A_1157 = arith.muli %add3A_946, %mul3A_1156 : i32
        %add3A_1158 = arith.constant 19 : i32
        %add3A_1159 = arith.addi %mul3A_1157, %add3A_1158 : i32
        %dma_start3A_1160 = arith.constant 2432 : i32
        %dma_start3A_1161 = tpu.memref_slice %arg7[%dma_start3A_1160] : memref<3200xf32, #tpu.memory_space<vmem>> -> memref<128xf32, #tpu.memory_space<vmem>>
        %dma_start3A_1162 = arith.constant 0 : i32
        %dma_start3A_1163 = tpu.memref_slice %arg6[%add3A_1159, %dma_start3A_1162] : memref<800x128xi32, #tpu.memory_space<vmem>> -> memref<1x128xi32, #tpu.memory_space<vmem>>
        %dma_start3A_1164 = tpu.memref_squeeze %dma_start3A_1163 : memref<1x128xi32, #tpu.memory_space<vmem>> -> memref<128xi32, #tpu.memory_space<vmem>>
        %dma_start3A_1165 = arith.constant 0 : i32
        %dma_start3A_1166 = tpu.memref_slice %arg2[%dma_start3A_1165] : memref<1007616xf32, #tpu.memory_space<hbm>> -> memref<1007616xf32, #tpu.memory_space<hbm>>
        tpu.enqueue_indirect_dma source(%dma_start3A_1166 : memref<1007616xf32, #tpu.memory_space<hbm>>) target(%dma_start3A_1161 : memref<128xf32, #tpu.memory_space<vmem>>) offsets(%dma_start3A_1164 : memref<128xi32, #tpu.memory_space<vmem>>) semaphore(%arg11 : memref<!tpu.dma_semaphore, #tpu.memory_space<semaphore_mem>>)
        %mul3A_1167 = arith.constant 25 : i32
        %mul3A_1168 = arith.muli %add3A_946, %mul3A_1167 : i32
        %add3A_1169 = arith.constant 20 : i32
        %add3A_1170 = arith.addi %mul3A_1168, %add3A_1169 : i32
        %dma_start3A_1171 = arith.constant 2560 : i32
        %dma_start3A_1172 = tpu.memref_slice %arg7[%dma_start3A_1171] : memref<3200xf32, #tpu.memory_space<vmem>> -> memref<128xf32, #tpu.memory_space<vmem>>
        %dma_start3A_1173 = arith.constant 0 : i32
        %dma_start3A_1174 = tpu.memref_slice %arg6[%add3A_1170, %dma_start3A_1173] : memref<800x128xi32, #tpu.memory_space<vmem>> -> memref<1x128xi32, #tpu.memory_space<vmem>>
        %dma_start3A_1175 = tpu.memref_squeeze %dma_start3A_1174 : memref<1x128xi32, #tpu.memory_space<vmem>> -> memref<128xi32, #tpu.memory_space<vmem>>
        %dma_start3A_1176 = arith.constant 0 : i32
        %dma_start3A_1177 = tpu.memref_slice %arg2[%dma_start3A_1176] : memref<1007616xf32, #tpu.memory_space<hbm>> -> memref<1007616xf32, #tpu.memory_space<hbm>>
        tpu.enqueue_indirect_dma source(%dma_start3A_1177 : memref<1007616xf32, #tpu.memory_space<hbm>>) target(%dma_start3A_1172 : memref<128xf32, #tpu.memory_space<vmem>>) offsets(%dma_start3A_1175 : memref<128xi32, #tpu.memory_space<vmem>>) semaphore(%arg11 : memref<!tpu.dma_semaphore, #tpu.memory_space<semaphore_mem>>)
        %mul3A_1178 = arith.constant 25 : i32
        %mul3A_1179 = arith.muli %add3A_946, %mul3A_1178 : i32
        %add3A_1180 = arith.constant 21 : i32
        %add3A_1181 = arith.addi %mul3A_1179, %add3A_1180 : i32
        %dma_start3A_1182 = arith.constant 2688 : i32
        %dma_start3A_1183 = tpu.memref_slice %arg7[%dma_start3A_1182] : memref<3200xf32, #tpu.memory_space<vmem>> -> memref<128xf32, #tpu.memory_space<vmem>>
        %dma_start3A_1184 = arith.constant 0 : i32
        %dma_start3A_1185 = tpu.memref_slice %arg6[%add3A_1181, %dma_start3A_1184] : memref<800x128xi32, #tpu.memory_space<vmem>> -> memref<1x128xi32, #tpu.memory_space<vmem>>
        %dma_start3A_1186 = tpu.memref_squeeze %dma_start3A_1185 : memref<1x128xi32, #tpu.memory_space<vmem>> -> memref<128xi32, #tpu.memory_space<vmem>>
        %dma_start3A_1187 = arith.constant 0 : i32
        %dma_start3A_1188 = tpu.memref_slice %arg2[%dma_start3A_1187] : memref<1007616xf32, #tpu.memory_space<hbm>> -> memref<1007616xf32, #tpu.memory_space<hbm>>
        tpu.enqueue_indirect_dma source(%dma_start3A_1188 : memref<1007616xf32, #tpu.memory_space<hbm>>) target(%dma_start3A_1183 : memref<128xf32, #tpu.memory_space<vmem>>) offsets(%dma_start3A_1186 : memref<128xi32, #tpu.memory_space<vmem>>) semaphore(%arg11 : memref<!tpu.dma_semaphore, #tpu.memory_space<semaphore_mem>>)
        %mul3A_1189 = arith.constant 25 : i32
        %mul3A_1190 = arith.muli %add3A_946, %mul3A_1189 : i32
        %add3A_1191 = arith.constant 22 : i32
        %add3A_1192 = arith.addi %mul3A_1190, %add3A_1191 : i32
        %dma_start3A_1193 = arith.constant 2816 : i32
        %dma_start3A_1194 = tpu.memref_slice %arg7[%dma_start3A_1193] : memref<3200xf32, #tpu.memory_space<vmem>> -> memref<128xf32, #tpu.memory_space<vmem>>
        %dma_start3A_1195 = arith.constant 0 : i32
        %dma_start3A_1196 = tpu.memref_slice %arg6[%add3A_1192, %dma_start3A_1195] : memref<800x128xi32, #tpu.memory_space<vmem>> -> memref<1x128xi32, #tpu.memory_space<vmem>>
        %dma_start3A_1197 = tpu.memref_squeeze %dma_start3A_1196 : memref<1x128xi32, #tpu.memory_space<vmem>> -> memref<128xi32, #tpu.memory_space<vmem>>
        %dma_start3A_1198 = arith.constant 0 : i32
        %dma_start3A_1199 = tpu.memref_slice %arg2[%dma_start3A_1198] : memref<1007616xf32, #tpu.memory_space<hbm>> -> memref<1007616xf32, #tpu.memory_space<hbm>>
        tpu.enqueue_indirect_dma source(%dma_start3A_1199 : memref<1007616xf32, #tpu.memory_space<hbm>>) target(%dma_start3A_1194 : memref<128xf32, #tpu.memory_space<vmem>>) offsets(%dma_start3A_1197 : memref<128xi32, #tpu.memory_space<vmem>>) semaphore(%arg11 : memref<!tpu.dma_semaphore, #tpu.memory_space<semaphore_mem>>)
        %mul3A_1200 = arith.constant 25 : i32
        %mul3A_1201 = arith.muli %add3A_946, %mul3A_1200 : i32
        %add3A_1202 = arith.constant 23 : i32
        %add3A_1203 = arith.addi %mul3A_1201, %add3A_1202 : i32
        %dma_start3A_1204 = arith.constant 2944 : i32
        %dma_start3A_1205 = tpu.memref_slice %arg7[%dma_start3A_1204] : memref<3200xf32, #tpu.memory_space<vmem>> -> memref<128xf32, #tpu.memory_space<vmem>>
        %dma_start3A_1206 = arith.constant 0 : i32
        %dma_start3A_1207 = tpu.memref_slice %arg6[%add3A_1203, %dma_start3A_1206] : memref<800x128xi32, #tpu.memory_space<vmem>> -> memref<1x128xi32, #tpu.memory_space<vmem>>
        %dma_start3A_1208 = tpu.memref_squeeze %dma_start3A_1207 : memref<1x128xi32, #tpu.memory_space<vmem>> -> memref<128xi32, #tpu.memory_space<vmem>>
        %dma_start3A_1209 = arith.constant 0 : i32
        %dma_start3A_1210 = tpu.memref_slice %arg2[%dma_start3A_1209] : memref<1007616xf32, #tpu.memory_space<hbm>> -> memref<1007616xf32, #tpu.memory_space<hbm>>
        tpu.enqueue_indirect_dma source(%dma_start3A_1210 : memref<1007616xf32, #tpu.memory_space<hbm>>) target(%dma_start3A_1205 : memref<128xf32, #tpu.memory_space<vmem>>) offsets(%dma_start3A_1208 : memref<128xi32, #tpu.memory_space<vmem>>) semaphore(%arg11 : memref<!tpu.dma_semaphore, #tpu.memory_space<semaphore_mem>>)
        %mul3A_1211 = arith.constant 25 : i32
        %mul3A_1212 = arith.muli %add3A_946, %mul3A_1211 : i32
        %add3A_1213 = arith.constant 24 : i32
        %add3A_1214 = arith.addi %mul3A_1212, %add3A_1213 : i32
        %dma_start3A_1215 = arith.constant 3072 : i32
        %dma_start3A_1216 = tpu.memref_slice %arg7[%dma_start3A_1215] : memref<3200xf32, #tpu.memory_space<vmem>> -> memref<128xf32, #tpu.memory_space<vmem>>
        %dma_start3A_1217 = arith.constant 0 : i32
        %dma_start3A_1218 = tpu.memref_slice %arg6[%add3A_1214, %dma_start3A_1217] : memref<800x128xi32, #tpu.memory_space<vmem>> -> memref<1x128xi32, #tpu.memory_space<vmem>>
        %dma_start3A_1219 = tpu.memref_squeeze %dma_start3A_1218 : memref<1x128xi32, #tpu.memory_space<vmem>> -> memref<128xi32, #tpu.memory_space<vmem>>
        %dma_start3A_1220 = arith.constant 0 : i32
        %dma_start3A_1221 = tpu.memref_slice %arg2[%dma_start3A_1220] : memref<1007616xf32, #tpu.memory_space<hbm>> -> memref<1007616xf32, #tpu.memory_space<hbm>>
        tpu.enqueue_indirect_dma source(%dma_start3A_1221 : memref<1007616xf32, #tpu.memory_space<hbm>>) target(%dma_start3A_1216 : memref<128xf32, #tpu.memory_space<vmem>>) offsets(%dma_start3A_1219 : memref<128xi32, #tpu.memory_space<vmem>>) semaphore(%arg11 : memref<!tpu.dma_semaphore, #tpu.memory_space<semaphore_mem>>)
      } else {
      }
      %dma_wait3A_716 = arith.constant 0 : i32
      %dma_wait3A_717 = arith.constant 0 : i32
      %dma_wait3A_718 = tpu.memref_slice %arg8[%dma_wait3A_717] : memref<3200xf32, #tpu.memory_space<vmem>> -> memref<128xf32, #tpu.memory_space<vmem>>
      %dma_wait3A_719 = arith.constant 0 : i32
      %dma_wait3A_720 = tpu.memref_slice %arg6[%dma_wait3A_716, %dma_wait3A_719] : memref<800x128xi32, #tpu.memory_space<vmem>> -> memref<1x128xi32, #tpu.memory_space<vmem>>
      %dma_wait3A_721 = tpu.memref_squeeze %dma_wait3A_720 : memref<1x128xi32, #tpu.memory_space<vmem>> -> memref<128xi32, #tpu.memory_space<vmem>>
      %dma_wait3A_722 = arith.constant 0 : i32
      %dma_wait3A_723 = tpu.memref_slice %arg2[%dma_wait3A_722] : memref<1007616xf32, #tpu.memory_space<hbm>> -> memref<1007616xf32, #tpu.memory_space<hbm>>
      tpu.wait_indirect_dma semaphore(%arg12 : memref<!tpu.dma_semaphore, #tpu.memory_space<semaphore_mem>>) src(%dma_wait3A_723 : memref<1007616xf32, #tpu.memory_space<hbm>>) dst(%dma_wait3A_718 : memref<128xf32, #tpu.memory_space<vmem>>)
      %dma_wait3A_724 = arith.constant 0 : i32
      %dma_wait3A_725 = arith.constant 0 : i32
      %dma_wait3A_726 = tpu.memref_slice %arg8[%dma_wait3A_725] : memref<3200xf32, #tpu.memory_space<vmem>> -> memref<128xf32, #tpu.memory_space<vmem>>
      %dma_wait3A_727 = arith.constant 0 : i32
      %dma_wait3A_728 = tpu.memref_slice %arg6[%dma_wait3A_724, %dma_wait3A_727] : memref<800x128xi32, #tpu.memory_space<vmem>> -> memref<1x128xi32, #tpu.memory_space<vmem>>
      %dma_wait3A_729 = tpu.memref_squeeze %dma_wait3A_728 : memref<1x128xi32, #tpu.memory_space<vmem>> -> memref<128xi32, #tpu.memory_space<vmem>>
      %dma_wait3A_730 = arith.constant 0 : i32
      %dma_wait3A_731 = tpu.memref_slice %arg2[%dma_wait3A_730] : memref<1007616xf32, #tpu.memory_space<hbm>> -> memref<1007616xf32, #tpu.memory_space<hbm>>
      tpu.wait_indirect_dma semaphore(%arg12 : memref<!tpu.dma_semaphore, #tpu.memory_space<semaphore_mem>>) src(%dma_wait3A_731 : memref<1007616xf32, #tpu.memory_space<hbm>>) dst(%dma_wait3A_726 : memref<128xf32, #tpu.memory_space<vmem>>)
      %dma_wait3A_732 = arith.constant 0 : i32
      %dma_wait3A_733 = arith.constant 0 : i32
      %dma_wait3A_734 = tpu.memref_slice %arg8[%dma_wait3A_733] : memref<3200xf32, #tpu.memory_space<vmem>> -> memref<128xf32, #tpu.memory_space<vmem>>
      %dma_wait3A_735 = arith.constant 0 : i32
      %dma_wait3A_736 = tpu.memref_slice %arg6[%dma_wait3A_732, %dma_wait3A_735] : memref<800x128xi32, #tpu.memory_space<vmem>> -> memref<1x128xi32, #tpu.memory_space<vmem>>
      %dma_wait3A_737 = tpu.memref_squeeze %dma_wait3A_736 : memref<1x128xi32, #tpu.memory_space<vmem>> -> memref<128xi32, #tpu.memory_space<vmem>>
      %dma_wait3A_738 = arith.constant 0 : i32
      %dma_wait3A_739 = tpu.memref_slice %arg2[%dma_wait3A_738] : memref<1007616xf32, #tpu.memory_space<hbm>> -> memref<1007616xf32, #tpu.memory_space<hbm>>
      tpu.wait_indirect_dma semaphore(%arg12 : memref<!tpu.dma_semaphore, #tpu.memory_space<semaphore_mem>>) src(%dma_wait3A_739 : memref<1007616xf32, #tpu.memory_space<hbm>>) dst(%dma_wait3A_734 : memref<128xf32, #tpu.memory_space<vmem>>)
      %dma_wait3A_740 = arith.constant 0 : i32
      %dma_wait3A_741 = arith.constant 0 : i32
      %dma_wait3A_742 = tpu.memref_slice %arg8[%dma_wait3A_741] : memref<3200xf32, #tpu.memory_space<vmem>> -> memref<128xf32, #tpu.memory_space<vmem>>
      %dma_wait3A_743 = arith.constant 0 : i32
      %dma_wait3A_744 = tpu.memref_slice %arg6[%dma_wait3A_740, %dma_wait3A_743] : memref<800x128xi32, #tpu.memory_space<vmem>> -> memref<1x128xi32, #tpu.memory_space<vmem>>
      %dma_wait3A_745 = tpu.memref_squeeze %dma_wait3A_744 : memref<1x128xi32, #tpu.memory_space<vmem>> -> memref<128xi32, #tpu.memory_space<vmem>>
      %dma_wait3A_746 = arith.constant 0 : i32
      %dma_wait3A_747 = tpu.memref_slice %arg2[%dma_wait3A_746] : memref<1007616xf32, #tpu.memory_space<hbm>> -> memref<1007616xf32, #tpu.memory_space<hbm>>
      tpu.wait_indirect_dma semaphore(%arg12 : memref<!tpu.dma_semaphore, #tpu.memory_space<semaphore_mem>>) src(%dma_wait3A_747 : memref<1007616xf32, #tpu.memory_space<hbm>>) dst(%dma_wait3A_742 : memref<128xf32, #tpu.memory_space<vmem>>)
      %dma_wait3A_748 = arith.constant 0 : i32
      %dma_wait3A_749 = arith.constant 0 : i32
      %dma_wait3A_750 = tpu.memref_slice %arg8[%dma_wait3A_749] : memref<3200xf32, #tpu.memory_space<vmem>> -> memref<128xf32, #tpu.memory_space<vmem>>
      %dma_wait3A_751 = arith.constant 0 : i32
      %dma_wait3A_752 = tpu.memref_slice %arg6[%dma_wait3A_748, %dma_wait3A_751] : memref<800x128xi32, #tpu.memory_space<vmem>> -> memref<1x128xi32, #tpu.memory_space<vmem>>
      %dma_wait3A_753 = tpu.memref_squeeze %dma_wait3A_752 : memref<1x128xi32, #tpu.memory_space<vmem>> -> memref<128xi32, #tpu.memory_space<vmem>>
      %dma_wait3A_754 = arith.constant 0 : i32
      %dma_wait3A_755 = tpu.memref_slice %arg2[%dma_wait3A_754] : memref<1007616xf32, #tpu.memory_space<hbm>> -> memref<1007616xf32, #tpu.memory_space<hbm>>
      tpu.wait_indirect_dma semaphore(%arg12 : memref<!tpu.dma_semaphore, #tpu.memory_space<semaphore_mem>>) src(%dma_wait3A_755 : memref<1007616xf32, #tpu.memory_space<hbm>>) dst(%dma_wait3A_750 : memref<128xf32, #tpu.memory_space<vmem>>)
      %dma_wait3A_756 = arith.constant 0 : i32
      %dma_wait3A_757 = arith.constant 0 : i32
      %dma_wait3A_758 = tpu.memref_slice %arg8[%dma_wait3A_757] : memref<3200xf32, #tpu.memory_space<vmem>> -> memref<128xf32, #tpu.memory_space<vmem>>
      %dma_wait3A_759 = arith.constant 0 : i32
      %dma_wait3A_760 = tpu.memref_slice %arg6[%dma_wait3A_756, %dma_wait3A_759] : memref<800x128xi32, #tpu.memory_space<vmem>> -> memref<1x128xi32, #tpu.memory_space<vmem>>
      %dma_wait3A_761 = tpu.memref_squeeze %dma_wait3A_760 : memref<1x128xi32, #tpu.memory_space<vmem>> -> memref<128xi32, #tpu.memory_space<vmem>>
      %dma_wait3A_762 = arith.constant 0 : i32
      %dma_wait3A_763 = tpu.memref_slice %arg2[%dma_wait3A_762] : memref<1007616xf32, #tpu.memory_space<hbm>> -> memref<1007616xf32, #tpu.memory_space<hbm>>
      tpu.wait_indirect_dma semaphore(%arg12 : memref<!tpu.dma_semaphore, #tpu.memory_space<semaphore_mem>>) src(%dma_wait3A_763 : memref<1007616xf32, #tpu.memory_space<hbm>>) dst(%dma_wait3A_758 : memref<128xf32, #tpu.memory_space<vmem>>)
      %dma_wait3A_764 = arith.constant 0 : i32
      %dma_wait3A_765 = arith.constant 0 : i32
      %dma_wait3A_766 = tpu.memref_slice %arg8[%dma_wait3A_765] : memref<3200xf32, #tpu.memory_space<vmem>> -> memref<128xf32, #tpu.memory_space<vmem>>
      %dma_wait3A_767 = arith.constant 0 : i32
      %dma_wait3A_768 = tpu.memref_slice %arg6[%dma_wait3A_764, %dma_wait3A_767] : memref<800x128xi32, #tpu.memory_space<vmem>> -> memref<1x128xi32, #tpu.memory_space<vmem>>
      %dma_wait3A_769 = tpu.memref_squeeze %dma_wait3A_768 : memref<1x128xi32, #tpu.memory_space<vmem>> -> memref<128xi32, #tpu.memory_space<vmem>>
      %dma_wait3A_770 = arith.constant 0 : i32
      %dma_wait3A_771 = tpu.memref_slice %arg2[%dma_wait3A_770] : memref<1007616xf32, #tpu.memory_space<hbm>> -> memref<1007616xf32, #tpu.memory_space<hbm>>
      tpu.wait_indirect_dma semaphore(%arg12 : memref<!tpu.dma_semaphore, #tpu.memory_space<semaphore_mem>>) src(%dma_wait3A_771 : memref<1007616xf32, #tpu.memory_space<hbm>>) dst(%dma_wait3A_766 : memref<128xf32, #tpu.memory_space<vmem>>)
      %dma_wait3A_772 = arith.constant 0 : i32
      %dma_wait3A_773 = arith.constant 0 : i32
      %dma_wait3A_774 = tpu.memref_slice %arg8[%dma_wait3A_773] : memref<3200xf32, #tpu.memory_space<vmem>> -> memref<128xf32, #tpu.memory_space<vmem>>
      %dma_wait3A_775 = arith.constant 0 : i32
      %dma_wait3A_776 = tpu.memref_slice %arg6[%dma_wait3A_772, %dma_wait3A_775] : memref<800x128xi32, #tpu.memory_space<vmem>> -> memref<1x128xi32, #tpu.memory_space<vmem>>
      %dma_wait3A_777 = tpu.memref_squeeze %dma_wait3A_776 : memref<1x128xi32, #tpu.memory_space<vmem>> -> memref<128xi32, #tpu.memory_space<vmem>>
      %dma_wait3A_778 = arith.constant 0 : i32
      %dma_wait3A_779 = tpu.memref_slice %arg2[%dma_wait3A_778] : memref<1007616xf32, #tpu.memory_space<hbm>> -> memref<1007616xf32, #tpu.memory_space<hbm>>
      tpu.wait_indirect_dma semaphore(%arg12 : memref<!tpu.dma_semaphore, #tpu.memory_space<semaphore_mem>>) src(%dma_wait3A_779 : memref<1007616xf32, #tpu.memory_space<hbm>>) dst(%dma_wait3A_774 : memref<128xf32, #tpu.memory_space<vmem>>)
      %dma_wait3A_780 = arith.constant 0 : i32
      %dma_wait3A_781 = arith.constant 0 : i32
      %dma_wait3A_782 = tpu.memref_slice %arg8[%dma_wait3A_781] : memref<3200xf32, #tpu.memory_space<vmem>> -> memref<128xf32, #tpu.memory_space<vmem>>
      %dma_wait3A_783 = arith.constant 0 : i32
      %dma_wait3A_784 = tpu.memref_slice %arg6[%dma_wait3A_780, %dma_wait3A_783] : memref<800x128xi32, #tpu.memory_space<vmem>> -> memref<1x128xi32, #tpu.memory_space<vmem>>
      %dma_wait3A_785 = tpu.memref_squeeze %dma_wait3A_784 : memref<1x128xi32, #tpu.memory_space<vmem>> -> memref<128xi32, #tpu.memory_space<vmem>>
      %dma_wait3A_786 = arith.constant 0 : i32
      %dma_wait3A_787 = tpu.memref_slice %arg2[%dma_wait3A_786] : memref<1007616xf32, #tpu.memory_space<hbm>> -> memref<1007616xf32, #tpu.memory_space<hbm>>
      tpu.wait_indirect_dma semaphore(%arg12 : memref<!tpu.dma_semaphore, #tpu.memory_space<semaphore_mem>>) src(%dma_wait3A_787 : memref<1007616xf32, #tpu.memory_space<hbm>>) dst(%dma_wait3A_782 : memref<128xf32, #tpu.memory_space<vmem>>)
      %dma_wait3A_788 = arith.constant 0 : i32
      %dma_wait3A_789 = arith.constant 0 : i32
      %dma_wait3A_790 = tpu.memref_slice %arg8[%dma_wait3A_789] : memref<3200xf32, #tpu.memory_space<vmem>> -> memref<128xf32, #tpu.memory_space<vmem>>
      %dma_wait3A_791 = arith.constant 0 : i32
      %dma_wait3A_792 = tpu.memref_slice %arg6[%dma_wait3A_788, %dma_wait3A_791] : memref<800x128xi32, #tpu.memory_space<vmem>> -> memref<1x128xi32, #tpu.memory_space<vmem>>
      %dma_wait3A_793 = tpu.memref_squeeze %dma_wait3A_792 : memref<1x128xi32, #tpu.memory_space<vmem>> -> memref<128xi32, #tpu.memory_space<vmem>>
      %dma_wait3A_794 = arith.constant 0 : i32
      %dma_wait3A_795 = tpu.memref_slice %arg2[%dma_wait3A_794] : memref<1007616xf32, #tpu.memory_space<hbm>> -> memref<1007616xf32, #tpu.memory_space<hbm>>
      tpu.wait_indirect_dma semaphore(%arg12 : memref<!tpu.dma_semaphore, #tpu.memory_space<semaphore_mem>>) src(%dma_wait3A_795 : memref<1007616xf32, #tpu.memory_space<hbm>>) dst(%dma_wait3A_790 : memref<128xf32, #tpu.memory_space<vmem>>)
      %dma_wait3A_796 = arith.constant 0 : i32
      %dma_wait3A_797 = arith.constant 0 : i32
      %dma_wait3A_798 = tpu.memref_slice %arg8[%dma_wait3A_797] : memref<3200xf32, #tpu.memory_space<vmem>> -> memref<128xf32, #tpu.memory_space<vmem>>
      %dma_wait3A_799 = arith.constant 0 : i32
      %dma_wait3A_800 = tpu.memref_slice %arg6[%dma_wait3A_796, %dma_wait3A_799] : memref<800x128xi32, #tpu.memory_space<vmem>> -> memref<1x128xi32, #tpu.memory_space<vmem>>
      %dma_wait3A_801 = tpu.memref_squeeze %dma_wait3A_800 : memref<1x128xi32, #tpu.memory_space<vmem>> -> memref<128xi32, #tpu.memory_space<vmem>>
      %dma_wait3A_802 = arith.constant 0 : i32
      %dma_wait3A_803 = tpu.memref_slice %arg2[%dma_wait3A_802] : memref<1007616xf32, #tpu.memory_space<hbm>> -> memref<1007616xf32, #tpu.memory_space<hbm>>
      tpu.wait_indirect_dma semaphore(%arg12 : memref<!tpu.dma_semaphore, #tpu.memory_space<semaphore_mem>>) src(%dma_wait3A_803 : memref<1007616xf32, #tpu.memory_space<hbm>>) dst(%dma_wait3A_798 : memref<128xf32, #tpu.memory_space<vmem>>)
      %dma_wait3A_804 = arith.constant 0 : i32
      %dma_wait3A_805 = arith.constant 0 : i32
      %dma_wait3A_806 = tpu.memref_slice %arg8[%dma_wait3A_805] : memref<3200xf32, #tpu.memory_space<vmem>> -> memref<128xf32, #tpu.memory_space<vmem>>
      %dma_wait3A_807 = arith.constant 0 : i32
      %dma_wait3A_808 = tpu.memref_slice %arg6[%dma_wait3A_804, %dma_wait3A_807] : memref<800x128xi32, #tpu.memory_space<vmem>> -> memref<1x128xi32, #tpu.memory_space<vmem>>
      %dma_wait3A_809 = tpu.memref_squeeze %dma_wait3A_808 : memref<1x128xi32, #tpu.memory_space<vmem>> -> memref<128xi32, #tpu.memory_space<vmem>>
      %dma_wait3A_810 = arith.constant 0 : i32
      %dma_wait3A_811 = tpu.memref_slice %arg2[%dma_wait3A_810] : memref<1007616xf32, #tpu.memory_space<hbm>> -> memref<1007616xf32, #tpu.memory_space<hbm>>
      tpu.wait_indirect_dma semaphore(%arg12 : memref<!tpu.dma_semaphore, #tpu.memory_space<semaphore_mem>>) src(%dma_wait3A_811 : memref<1007616xf32, #tpu.memory_space<hbm>>) dst(%dma_wait3A_806 : memref<128xf32, #tpu.memory_space<vmem>>)
      %dma_wait3A_812 = arith.constant 0 : i32
      %dma_wait3A_813 = arith.constant 0 : i32
      %dma_wait3A_814 = tpu.memref_slice %arg8[%dma_wait3A_813] : memref<3200xf32, #tpu.memory_space<vmem>> -> memref<128xf32, #tpu.memory_space<vmem>>
      %dma_wait3A_815 = arith.constant 0 : i32
      %dma_wait3A_816 = tpu.memref_slice %arg6[%dma_wait3A_812, %dma_wait3A_815] : memref<800x128xi32, #tpu.memory_space<vmem>> -> memref<1x128xi32, #tpu.memory_space<vmem>>
      %dma_wait3A_817 = tpu.memref_squeeze %dma_wait3A_816 : memref<1x128xi32, #tpu.memory_space<vmem>> -> memref<128xi32, #tpu.memory_space<vmem>>
      %dma_wait3A_818 = arith.constant 0 : i32
      %dma_wait3A_819 = tpu.memref_slice %arg2[%dma_wait3A_818] : memref<1007616xf32, #tpu.memory_space<hbm>> -> memref<1007616xf32, #tpu.memory_space<hbm>>
      tpu.wait_indirect_dma semaphore(%arg12 : memref<!tpu.dma_semaphore, #tpu.memory_space<semaphore_mem>>) src(%dma_wait3A_819 : memref<1007616xf32, #tpu.memory_space<hbm>>) dst(%dma_wait3A_814 : memref<128xf32, #tpu.memory_space<vmem>>)
      %dma_wait3A_820 = arith.constant 0 : i32
      %dma_wait3A_821 = arith.constant 0 : i32
      %dma_wait3A_822 = tpu.memref_slice %arg8[%dma_wait3A_821] : memref<3200xf32, #tpu.memory_space<vmem>> -> memref<128xf32, #tpu.memory_space<vmem>>
      %dma_wait3A_823 = arith.constant 0 : i32
      %dma_wait3A_824 = tpu.memref_slice %arg6[%dma_wait3A_820, %dma_wait3A_823] : memref<800x128xi32, #tpu.memory_space<vmem>> -> memref<1x128xi32, #tpu.memory_space<vmem>>
      %dma_wait3A_825 = tpu.memref_squeeze %dma_wait3A_824 : memref<1x128xi32, #tpu.memory_space<vmem>> -> memref<128xi32, #tpu.memory_space<vmem>>
      %dma_wait3A_826 = arith.constant 0 : i32
      %dma_wait3A_827 = tpu.memref_slice %arg2[%dma_wait3A_826] : memref<1007616xf32, #tpu.memory_space<hbm>> -> memref<1007616xf32, #tpu.memory_space<hbm>>
      tpu.wait_indirect_dma semaphore(%arg12 : memref<!tpu.dma_semaphore, #tpu.memory_space<semaphore_mem>>) src(%dma_wait3A_827 : memref<1007616xf32, #tpu.memory_space<hbm>>) dst(%dma_wait3A_822 : memref<128xf32, #tpu.memory_space<vmem>>)
      %dma_wait3A_828 = arith.constant 0 : i32
      %dma_wait3A_829 = arith.constant 0 : i32
      %dma_wait3A_830 = tpu.memref_slice %arg8[%dma_wait3A_829] : memref<3200xf32, #tpu.memory_space<vmem>> -> memref<128xf32, #tpu.memory_space<vmem>>
      %dma_wait3A_831 = arith.constant 0 : i32
      %dma_wait3A_832 = tpu.memref_slice %arg6[%dma_wait3A_828, %dma_wait3A_831] : memref<800x128xi32, #tpu.memory_space<vmem>> -> memref<1x128xi32, #tpu.memory_space<vmem>>
      %dma_wait3A_833 = tpu.memref_squeeze %dma_wait3A_832 : memref<1x128xi32, #tpu.memory_space<vmem>> -> memref<128xi32, #tpu.memory_space<vmem>>
      %dma_wait3A_834 = arith.constant 0 : i32
      %dma_wait3A_835 = tpu.memref_slice %arg2[%dma_wait3A_834] : memref<1007616xf32, #tpu.memory_space<hbm>> -> memref<1007616xf32, #tpu.memory_space<hbm>>
      tpu.wait_indirect_dma semaphore(%arg12 : memref<!tpu.dma_semaphore, #tpu.memory_space<semaphore_mem>>) src(%dma_wait3A_835 : memref<1007616xf32, #tpu.memory_space<hbm>>) dst(%dma_wait3A_830 : memref<128xf32, #tpu.memory_space<vmem>>)
      %dma_wait3A_836 = arith.constant 0 : i32
      %dma_wait3A_837 = arith.constant 0 : i32
      %dma_wait3A_838 = tpu.memref_slice %arg8[%dma_wait3A_837] : memref<3200xf32, #tpu.memory_space<vmem>> -> memref<128xf32, #tpu.memory_space<vmem>>
      %dma_wait3A_839 = arith.constant 0 : i32
      %dma_wait3A_840 = tpu.memref_slice %arg6[%dma_wait3A_836, %dma_wait3A_839] : memref<800x128xi32, #tpu.memory_space<vmem>> -> memref<1x128xi32, #tpu.memory_space<vmem>>
      %dma_wait3A_841 = tpu.memref_squeeze %dma_wait3A_840 : memref<1x128xi32, #tpu.memory_space<vmem>> -> memref<128xi32, #tpu.memory_space<vmem>>
      %dma_wait3A_842 = arith.constant 0 : i32
      %dma_wait3A_843 = tpu.memref_slice %arg2[%dma_wait3A_842] : memref<1007616xf32, #tpu.memory_space<hbm>> -> memref<1007616xf32, #tpu.memory_space<hbm>>
      tpu.wait_indirect_dma semaphore(%arg12 : memref<!tpu.dma_semaphore, #tpu.memory_space<semaphore_mem>>) src(%dma_wait3A_843 : memref<1007616xf32, #tpu.memory_space<hbm>>) dst(%dma_wait3A_838 : memref<128xf32, #tpu.memory_space<vmem>>)
      %dma_wait3A_844 = arith.constant 0 : i32
      %dma_wait3A_845 = arith.constant 0 : i32
      %dma_wait3A_846 = tpu.memref_slice %arg8[%dma_wait3A_845] : memref<3200xf32, #tpu.memory_space<vmem>> -> memref<128xf32, #tpu.memory_space<vmem>>
      %dma_wait3A_847 = arith.constant 0 : i32
      %dma_wait3A_848 = tpu.memref_slice %arg6[%dma_wait3A_844, %dma_wait3A_847] : memref<800x128xi32, #tpu.memory_space<vmem>> -> memref<1x128xi32, #tpu.memory_space<vmem>>
      %dma_wait3A_849 = tpu.memref_squeeze %dma_wait3A_848 : memref<1x128xi32, #tpu.memory_space<vmem>> -> memref<128xi32, #tpu.memory_space<vmem>>
      %dma_wait3A_850 = arith.constant 0 : i32
      %dma_wait3A_851 = tpu.memref_slice %arg2[%dma_wait3A_850] : memref<1007616xf32, #tpu.memory_space<hbm>> -> memref<1007616xf32, #tpu.memory_space<hbm>>
      tpu.wait_indirect_dma semaphore(%arg12 : memref<!tpu.dma_semaphore, #tpu.memory_space<semaphore_mem>>) src(%dma_wait3A_851 : memref<1007616xf32, #tpu.memory_space<hbm>>) dst(%dma_wait3A_846 : memref<128xf32, #tpu.memory_space<vmem>>)
      %dma_wait3A_852 = arith.constant 0 : i32
      %dma_wait3A_853 = arith.constant 0 : i32
      %dma_wait3A_854 = tpu.memref_slice %arg8[%dma_wait3A_853] : memref<3200xf32, #tpu.memory_space<vmem>> -> memref<128xf32, #tpu.memory_space<vmem>>
      %dma_wait3A_855 = arith.constant 0 : i32
      %dma_wait3A_856 = tpu.memref_slice %arg6[%dma_wait3A_852, %dma_wait3A_855] : memref<800x128xi32, #tpu.memory_space<vmem>> -> memref<1x128xi32, #tpu.memory_space<vmem>>
      %dma_wait3A_857 = tpu.memref_squeeze %dma_wait3A_856 : memref<1x128xi32, #tpu.memory_space<vmem>> -> memref<128xi32, #tpu.memory_space<vmem>>
      %dma_wait3A_858 = arith.constant 0 : i32
      %dma_wait3A_859 = tpu.memref_slice %arg2[%dma_wait3A_858] : memref<1007616xf32, #tpu.memory_space<hbm>> -> memref<1007616xf32, #tpu.memory_space<hbm>>
      tpu.wait_indirect_dma semaphore(%arg12 : memref<!tpu.dma_semaphore, #tpu.memory_space<semaphore_mem>>) src(%dma_wait3A_859 : memref<1007616xf32, #tpu.memory_space<hbm>>) dst(%dma_wait3A_854 : memref<128xf32, #tpu.memory_space<vmem>>)
      %dma_wait3A_860 = arith.constant 0 : i32
      %dma_wait3A_861 = arith.constant 0 : i32
      %dma_wait3A_862 = tpu.memref_slice %arg8[%dma_wait3A_861] : memref<3200xf32, #tpu.memory_space<vmem>> -> memref<128xf32, #tpu.memory_space<vmem>>
      %dma_wait3A_863 = arith.constant 0 : i32
      %dma_wait3A_864 = tpu.memref_slice %arg6[%dma_wait3A_860, %dma_wait3A_863] : memref<800x128xi32, #tpu.memory_space<vmem>> -> memref<1x128xi32, #tpu.memory_space<vmem>>
      %dma_wait3A_865 = tpu.memref_squeeze %dma_wait3A_864 : memref<1x128xi32, #tpu.memory_space<vmem>> -> memref<128xi32, #tpu.memory_space<vmem>>
      %dma_wait3A_866 = arith.constant 0 : i32
      %dma_wait3A_867 = tpu.memref_slice %arg2[%dma_wait3A_866] : memref<1007616xf32, #tpu.memory_space<hbm>> -> memref<1007616xf32, #tpu.memory_space<hbm>>
      tpu.wait_indirect_dma semaphore(%arg12 : memref<!tpu.dma_semaphore, #tpu.memory_space<semaphore_mem>>) src(%dma_wait3A_867 : memref<1007616xf32, #tpu.memory_space<hbm>>) dst(%dma_wait3A_862 : memref<128xf32, #tpu.memory_space<vmem>>)
      %dma_wait3A_868 = arith.constant 0 : i32
      %dma_wait3A_869 = arith.constant 0 : i32
      %dma_wait3A_870 = tpu.memref_slice %arg8[%dma_wait3A_869] : memref<3200xf32, #tpu.memory_space<vmem>> -> memref<128xf32, #tpu.memory_space<vmem>>
      %dma_wait3A_871 = arith.constant 0 : i32
      %dma_wait3A_872 = tpu.memref_slice %arg6[%dma_wait3A_868, %dma_wait3A_871] : memref<800x128xi32, #tpu.memory_space<vmem>> -> memref<1x128xi32, #tpu.memory_space<vmem>>
      %dma_wait3A_873 = tpu.memref_squeeze %dma_wait3A_872 : memref<1x128xi32, #tpu.memory_space<vmem>> -> memref<128xi32, #tpu.memory_space<vmem>>
      %dma_wait3A_874 = arith.constant 0 : i32
      %dma_wait3A_875 = tpu.memref_slice %arg2[%dma_wait3A_874] : memref<1007616xf32, #tpu.memory_space<hbm>> -> memref<1007616xf32, #tpu.memory_space<hbm>>
      tpu.wait_indirect_dma semaphore(%arg12 : memref<!tpu.dma_semaphore, #tpu.memory_space<semaphore_mem>>) src(%dma_wait3A_875 : memref<1007616xf32, #tpu.memory_space<hbm>>) dst(%dma_wait3A_870 : memref<128xf32, #tpu.memory_space<vmem>>)
      %dma_wait3A_876 = arith.constant 0 : i32
      %dma_wait3A_877 = arith.constant 0 : i32
      %dma_wait3A_878 = tpu.memref_slice %arg8[%dma_wait3A_877] : memref<3200xf32, #tpu.memory_space<vmem>> -> memref<128xf32, #tpu.memory_space<vmem>>
      %dma_wait3A_879 = arith.constant 0 : i32
      %dma_wait3A_880 = tpu.memref_slice %arg6[%dma_wait3A_876, %dma_wait3A_879] : memref<800x128xi32, #tpu.memory_space<vmem>> -> memref<1x128xi32, #tpu.memory_space<vmem>>
      %dma_wait3A_881 = tpu.memref_squeeze %dma_wait3A_880 : memref<1x128xi32, #tpu.memory_space<vmem>> -> memref<128xi32, #tpu.memory_space<vmem>>
      %dma_wait3A_882 = arith.constant 0 : i32
      %dma_wait3A_883 = tpu.memref_slice %arg2[%dma_wait3A_882] : memref<1007616xf32, #tpu.memory_space<hbm>> -> memref<1007616xf32, #tpu.memory_space<hbm>>
      tpu.wait_indirect_dma semaphore(%arg12 : memref<!tpu.dma_semaphore, #tpu.memory_space<semaphore_mem>>) src(%dma_wait3A_883 : memref<1007616xf32, #tpu.memory_space<hbm>>) dst(%dma_wait3A_878 : memref<128xf32, #tpu.memory_space<vmem>>)
      %dma_wait3A_884 = arith.constant 0 : i32
      %dma_wait3A_885 = arith.constant 0 : i32
      %dma_wait3A_886 = tpu.memref_slice %arg8[%dma_wait3A_885] : memref<3200xf32, #tpu.memory_space<vmem>> -> memref<128xf32, #tpu.memory_space<vmem>>
      %dma_wait3A_887 = arith.constant 0 : i32
      %dma_wait3A_888 = tpu.memref_slice %arg6[%dma_wait3A_884, %dma_wait3A_887] : memref<800x128xi32, #tpu.memory_space<vmem>> -> memref<1x128xi32, #tpu.memory_space<vmem>>
      %dma_wait3A_889 = tpu.memref_squeeze %dma_wait3A_888 : memref<1x128xi32, #tpu.memory_space<vmem>> -> memref<128xi32, #tpu.memory_space<vmem>>
      %dma_wait3A_890 = arith.constant 0 : i32
      %dma_wait3A_891 = tpu.memref_slice %arg2[%dma_wait3A_890] : memref<1007616xf32, #tpu.memory_space<hbm>> -> memref<1007616xf32, #tpu.memory_space<hbm>>
      tpu.wait_indirect_dma semaphore(%arg12 : memref<!tpu.dma_semaphore, #tpu.memory_space<semaphore_mem>>) src(%dma_wait3A_891 : memref<1007616xf32, #tpu.memory_space<hbm>>) dst(%dma_wait3A_886 : memref<128xf32, #tpu.memory_space<vmem>>)
      %dma_wait3A_892 = arith.constant 0 : i32
      %dma_wait3A_893 = arith.constant 0 : i32
      %dma_wait3A_894 = tpu.memref_slice %arg8[%dma_wait3A_893] : memref<3200xf32, #tpu.memory_space<vmem>> -> memref<128xf32, #tpu.memory_space<vmem>>
      %dma_wait3A_895 = arith.constant 0 : i32
      %dma_wait3A_896 = tpu.memref_slice %arg6[%dma_wait3A_892, %dma_wait3A_895] : memref<800x128xi32, #tpu.memory_space<vmem>> -> memref<1x128xi32, #tpu.memory_space<vmem>>
      %dma_wait3A_897 = tpu.memref_squeeze %dma_wait3A_896 : memref<1x128xi32, #tpu.memory_space<vmem>> -> memref<128xi32, #tpu.memory_space<vmem>>
      %dma_wait3A_898 = arith.constant 0 : i32
      %dma_wait3A_899 = tpu.memref_slice %arg2[%dma_wait3A_898] : memref<1007616xf32, #tpu.memory_space<hbm>> -> memref<1007616xf32, #tpu.memory_space<hbm>>
      tpu.wait_indirect_dma semaphore(%arg12 : memref<!tpu.dma_semaphore, #tpu.memory_space<semaphore_mem>>) src(%dma_wait3A_899 : memref<1007616xf32, #tpu.memory_space<hbm>>) dst(%dma_wait3A_894 : memref<128xf32, #tpu.memory_space<vmem>>)
      %dma_wait3A_900 = arith.constant 0 : i32
      %dma_wait3A_901 = arith.constant 0 : i32
      %dma_wait3A_902 = tpu.memref_slice %arg8[%dma_wait3A_901] : memref<3200xf32, #tpu.memory_space<vmem>> -> memref<128xf32, #tpu.memory_space<vmem>>
      %dma_wait3A_903 = arith.constant 0 : i32
      %dma_wait3A_904 = tpu.memref_slice %arg6[%dma_wait3A_900, %dma_wait3A_903] : memref<800x128xi32, #tpu.memory_space<vmem>> -> memref<1x128xi32, #tpu.memory_space<vmem>>
      %dma_wait3A_905 = tpu.memref_squeeze %dma_wait3A_904 : memref<1x128xi32, #tpu.memory_space<vmem>> -> memref<128xi32, #tpu.memory_space<vmem>>
      %dma_wait3A_906 = arith.constant 0 : i32
      %dma_wait3A_907 = tpu.memref_slice %arg2[%dma_wait3A_906] : memref<1007616xf32, #tpu.memory_space<hbm>> -> memref<1007616xf32, #tpu.memory_space<hbm>>
      tpu.wait_indirect_dma semaphore(%arg12 : memref<!tpu.dma_semaphore, #tpu.memory_space<semaphore_mem>>) src(%dma_wait3A_907 : memref<1007616xf32, #tpu.memory_space<hbm>>) dst(%dma_wait3A_902 : memref<128xf32, #tpu.memory_space<vmem>>)
      %dma_wait3A_908 = arith.constant 0 : i32
      %dma_wait3A_909 = arith.constant 0 : i32
      %dma_wait3A_910 = tpu.memref_slice %arg8[%dma_wait3A_909] : memref<3200xf32, #tpu.memory_space<vmem>> -> memref<128xf32, #tpu.memory_space<vmem>>
      %dma_wait3A_911 = arith.constant 0 : i32
      %dma_wait3A_912 = tpu.memref_slice %arg6[%dma_wait3A_908, %dma_wait3A_911] : memref<800x128xi32, #tpu.memory_space<vmem>> -> memref<1x128xi32, #tpu.memory_space<vmem>>
      %dma_wait3A_913 = tpu.memref_squeeze %dma_wait3A_912 : memref<1x128xi32, #tpu.memory_space<vmem>> -> memref<128xi32, #tpu.memory_space<vmem>>
      %dma_wait3A_914 = arith.constant 0 : i32
      %dma_wait3A_915 = tpu.memref_slice %arg2[%dma_wait3A_914] : memref<1007616xf32, #tpu.memory_space<hbm>> -> memref<1007616xf32, #tpu.memory_space<hbm>>
      tpu.wait_indirect_dma semaphore(%arg12 : memref<!tpu.dma_semaphore, #tpu.memory_space<semaphore_mem>>) src(%dma_wait3A_915 : memref<1007616xf32, #tpu.memory_space<hbm>>) dst(%dma_wait3A_910 : memref<128xf32, #tpu.memory_space<vmem>>)
      %broadcast_in_dim3A_916 = arith.constant 0.000000e+00 : f32
      %broadcast_in_dim3A_917 = vector.broadcast %broadcast_in_dim3A_916 : f32 to vector<16xf32>
      %scan3A_918 = arith.constant 0 : i32
      %scan3A_919 = arith.constant 25 : i32
      %scan3A_920 = arith.addi %scan3A_918, %scan3A_919 : i32
      %scan3A_921 = arith.constant 1 : i32
      %scan3A_922 = scf.for %scan3A_945 = %scan3A_918 to %scan3A_920 step %scan3A_921 iter_args(%scan3A_946 = %broadcast_in_dim3A_917) -> (vector<16xf32>)  : i32 {
        %mul3A_947 = arith.constant 128 : i32
        %mul3A_948 = arith.muli %scan3A_945, %mul3A_947 : i32
        %add3A_949 = arith.constant 0 : i32
        %add3A_950 = arith.addi %mul3A_948, %add3A_949 : i32
        %get3A_951 = arith.index_cast %add3A_950 : i32 to index
        %get3A_952 = tpu.vector_load %arg8[%get3A_951] {strides = array<i32>} : memref<3200xf32, #tpu.memory_space<vmem>>, vector<16xf32>,
        %get3A_953 = vector.shape_cast %get3A_952 : vector<16xf32> to vector<16xf32>
        %add3A_954 = arith.addf %scan3A_946, %get3A_953 : vector<16xf32>
        %add3A_955 = arith.constant 16 : i32
        %add3A_956 = arith.addi %mul3A_948, %add3A_955 : i32
        %get3A_957 = arith.index_cast %add3A_956 : i32 to index
        %get3A_958 = tpu.vector_load %arg8[%get3A_957] {strides = array<i32>} : memref<3200xf32, #tpu.memory_space<vmem>>, vector<16xf32>,
        %get3A_959 = vector.shape_cast %get3A_958 : vector<16xf32> to vector<16xf32>
        %add3A_960 = arith.addf %add3A_954, %get3A_959 : vector<16xf32>
        %add3A_961 = arith.constant 32 : i32
        %add3A_962 = arith.addi %mul3A_948, %add3A_961 : i32
        %get3A_963 = arith.index_cast %add3A_962 : i32 to index
        %get3A_964 = tpu.vector_load %arg8[%get3A_963] {strides = array<i32>} : memref<3200xf32, #tpu.memory_space<vmem>>, vector<16xf32>,
        %get3A_965 = vector.shape_cast %get3A_964 : vector<16xf32> to vector<16xf32>
        %add3A_966 = arith.addf %add3A_960, %get3A_965 : vector<16xf32>
        %add3A_967 = arith.constant 48 : i32
        %add3A_968 = arith.addi %mul3A_948, %add3A_967 : i32
        %get3A_969 = arith.index_cast %add3A_968 : i32 to index
        %get3A_970 = tpu.vector_load %arg8[%get3A_969] {strides = array<i32>} : memref<3200xf32, #tpu.memory_space<vmem>>, vector<16xf32>,
        %get3A_971 = vector.shape_cast %get3A_970 : vector<16xf32> to vector<16xf32>
        %add3A_972 = arith.addf %add3A_966, %get3A_971 : vector<16xf32>
        %add3A_973 = arith.constant 64 : i32
        %add3A_974 = arith.addi %mul3A_948, %add3A_973 : i32
        %get3A_975 = arith.index_cast %add3A_974 : i32 to index
        %get3A_976 = tpu.vector_load %arg8[%get3A_975] {strides = array<i32>} : memref<3200xf32, #tpu.memory_space<vmem>>, vector<16xf32>,
        %get3A_977 = vector.shape_cast %get3A_976 : vector<16xf32> to vector<16xf32>
        %add3A_978 = arith.addf %add3A_972, %get3A_977 : vector<16xf32>
        %add3A_979 = arith.constant 80 : i32
        %add3A_980 = arith.addi %mul3A_948, %add3A_979 : i32
        %get3A_981 = arith.index_cast %add3A_980 : i32 to index
        %get3A_982 = tpu.vector_load %arg8[%get3A_981] {strides = array<i32>} : memref<3200xf32, #tpu.memory_space<vmem>>, vector<16xf32>,
        %get3A_983 = vector.shape_cast %get3A_982 : vector<16xf32> to vector<16xf32>
        %add3A_984 = arith.addf %add3A_978, %get3A_983 : vector<16xf32>
        %add3A_985 = arith.constant 96 : i32
        %add3A_986 = arith.addi %mul3A_948, %add3A_985 : i32
        %get3A_987 = arith.index_cast %add3A_986 : i32 to index
        %get3A_988 = tpu.vector_load %arg8[%get3A_987] {strides = array<i32>} : memref<3200xf32, #tpu.memory_space<vmem>>, vector<16xf32>,
        %get3A_989 = vector.shape_cast %get3A_988 : vector<16xf32> to vector<16xf32>
        %add3A_990 = arith.addf %add3A_984, %get3A_989 : vector<16xf32>
        %add3A_991 = arith.constant 112 : i32
        %add3A_992 = arith.addi %mul3A_948, %add3A_991 : i32
        %get3A_993 = arith.index_cast %add3A_992 : i32 to index
        %get3A_994 = tpu.vector_load %arg8[%get3A_993] {strides = array<i32>} : memref<3200xf32, #tpu.memory_space<vmem>>, vector<16xf32>,
        %get3A_995 = vector.shape_cast %get3A_994 : vector<16xf32> to vector<16xf32>
        %add3A_996 = arith.addf %add3A_990, %get3A_995 : vector<16xf32>
        scf.yield %add3A_996 : vector<16xf32>
      }
      %scan3A_923 = arith.constant 25 : i32
      %mul3A_924 = arith.constant 5.000000e-03 : f32
      %mul3A_925 = vector.broadcast %mul3A_924 : f32 to vector<16xf32>
      %mul3A_926 = arith.mulf %scan3A_922, %mul3A_925 : vector<16xf32>
      %add3A_927 = arith.addf %mul3A_926, %get3A_2 : vector<16xf32>
      %add3A_928 = arith.addf %add3A_927, %add3A_927 : vector<16xf32>
      %exp3A_929 = math.exp %add3A_928 : vector<16xf32>
      %add3A_930 = arith.constant 1.000000e+00 : f32
      %add3A_931 = vector.broadcast %add3A_930 : f32 to vector<16xf32>
      %add3A_932 = arith.addf %exp3A_929, %add3A_931 : vector<16xf32>
      %div3A_933 = arith.constant 2.000000e+00 : f32
      %div3A_934 = vector.broadcast %div3A_933 : f32 to vector<16xf32>
      %div3A_935 = arith.divf %div3A_934, %add3A_932 : vector<16xf32>
      %sub3A_936 = arith.constant 1.000000e+00 : f32
      %sub3A_937 = vector.broadcast %sub3A_936 : f32 to vector<16xf32>
      %sub3A_938 = arith.subf %sub3A_937, %div3A_935 : vector<16xf32>
      %mul3A_939 = arith.constant 16 : i32
      %mul3A_940 = arith.muli %add3A_213, %mul3A_939 : i32
      %swap3A_941 = arith.index_cast %mul3A_940 : i32 to index
      %swap3A_942 = tpu.vector_load %arg9[%swap3A_941] {strides = array<i32>} : memref<512xf32, #tpu.memory_space<vmem>>, vector<16xf32>,
      %swap3A_943 = vector.shape_cast %swap3A_942 : vector<16xf32> to vector<16xf32>
      %swap3A_944 = vector.shape_cast %sub3A_938 : vector<16xf32> to vector<16xf32>
      tpu.vector_store %arg9[%swap3A_941], %swap3A_944 {strides = array<i32>} : memref<512xf32, #tpu.memory_space<vmem>>, vector<16xf32>,
    }
    %scan3A_206 = arith.constant 16 : i32
    %mul3A_207 = arith.constant 512 : i32
    %mul3A_208 = arith.muli %add3A, %mul3A_207 : i32
    "tpu.region"() ({
      %run_scoped3A = tpu.sem_alloc : memref<!tpu.dma_semaphore, #tpu.memory_space<semaphore_mem>>
      %dma_start3A_209 = tpu.memref_slice %arg5[%mul3A_208] : memref<16384xf32, #tpu.memory_space<hbm>> -> memref<512xf32, #tpu.memory_space<hbm>>
      %dma_start3A_210 = tpu.memref_slice %arg5[%mul3A_208] : memref<16384xf32, #tpu.memory_space<hbm>> -> memref<512xf32, #tpu.memory_space<hbm>>
      tpu.enqueue_dma source(%arg9 : memref<512xf32, #tpu.memory_space<vmem>>) target(%dma_start3A_210 : memref<512xf32, #tpu.memory_space<hbm>>) target_semaphore(%run_scoped3A : memref<!tpu.dma_semaphore, #tpu.memory_space<semaphore_mem>>)
      %dma_wait3A = tpu.memref_slice %arg5[%mul3A_208] : memref<16384xf32, #tpu.memory_space<hbm>> -> memref<512xf32, #tpu.memory_space<hbm>>
      %dma_wait3A_211 = tpu.memref_slice %arg5[%mul3A_208] : memref<16384xf32, #tpu.memory_space<hbm>> -> memref<512xf32, #tpu.memory_space<hbm>>
      tpu.wait_dma2 semaphore(%run_scoped3A : memref<!tpu.dma_semaphore, #tpu.memory_space<semaphore_mem>>) src(%arg9 : memref<512xf32, #tpu.memory_space<vmem>>) dst(%dma_wait3A_211 : memref<512xf32, #tpu.memory_space<hbm>>)
      tpu.yield
    }) : () -> ()
    return
  }
}

module attributes {stable_mosaic.version = 14 : i64} {
  func.func @body(%arg0: i32, %arg1: memref<1000000x64xf32, #tpu.memory_space<any>>, %arg2: memref<8x64xf32, #tpu.memory_space<vmem>>, %arg3: memref<256x128xf32, #tpu.memory_space<vmem>>, %arg4: memref<8192x64xf32, #tpu.memory_space<vmem>>, %arg5: memref<8192x64xf32, #tpu.memory_space<vmem>>, %arg6: memref<8192x64xf32, #tpu.memory_space<vmem>>, %arg7: memref<8192x64xf32, #tpu.memory_space<vmem>>, %arg8: memref<!tpu.dma_semaphore, #tpu.memory_space<semaphore_mem>>, %arg9: memref<!tpu.dma_semaphore, #tpu.memory_space<semaphore_mem>>, %arg10: memref<!tpu.dma_semaphore, #tpu.memory_space<semaphore_mem>>, %arg11: memref<!tpu.dma_semaphore, #tpu.memory_space<semaphore_mem>>) attributes {dimension_semantics = [#tpu.dimension_semantics<arbitrary>], iteration_bounds = array<i64: 30>, scalar_prefetch = 0 : i64, scratch_operands = 8 : i64, tpu.core_type = #tpu.core_type<tc>, window_params = [{}, {pipeline_mode = #tpu.pipeline_mode<synchronous>, transform_indices = @transform_1, window_bounds = array<i64: 8, 64>}, {transform_indices = @transform_2, window_bounds = array<i64: 256, 128>}]} {
    %eq3A = arith.constant 0 : i32
    %eq3A_0 = arith.cmpi eq, %arg0, %eq3A : i32
    %convert_element_type3A = arith.extui %eq3A_0 : i1 to i32
    %cond3A = arith.constant 0 : i32
    %cond3A_1 = arith.cmpi ne, %convert_element_type3A, %cond3A : i32
    scf.if %cond3A_1 {
      %dma_start3A = arith.constant 0 : i32
      %dma_start3A_110 = arith.constant 0 : i32
      %dma_start3A_111 = tpu.memref_slice %arg1[%dma_start3A, %dma_start3A_110] : memref<1000000x64xf32, #tpu.memory_space<any>> -> memref<8192x64xf32, #tpu.memory_space<any>>
      tpu.enqueue_dma source(%dma_start3A_111 : memref<8192x64xf32, #tpu.memory_space<any>>) target(%arg4 : memref<8192x64xf32, #tpu.memory_space<vmem>>) target_semaphore(%arg8 : memref<!tpu.dma_semaphore, #tpu.memory_space<semaphore_mem>>)
      %dma_start3A_112 = arith.constant 8192 : i32
      %dma_start3A_113 = arith.constant 0 : i32
      %dma_start3A_114 = tpu.memref_slice %arg1[%dma_start3A_112, %dma_start3A_113] : memref<1000000x64xf32, #tpu.memory_space<any>> -> memref<8192x64xf32, #tpu.memory_space<any>>
      tpu.enqueue_dma source(%dma_start3A_114 : memref<8192x64xf32, #tpu.memory_space<any>>) target(%arg5 : memref<8192x64xf32, #tpu.memory_space<vmem>>) target_semaphore(%arg9 : memref<!tpu.dma_semaphore, #tpu.memory_space<semaphore_mem>>)
      %dma_start3A_115 = arith.constant 16384 : i32
      %dma_start3A_116 = arith.constant 0 : i32
      %dma_start3A_117 = tpu.memref_slice %arg1[%dma_start3A_115, %dma_start3A_116] : memref<1000000x64xf32, #tpu.memory_space<any>> -> memref<8192x64xf32, #tpu.memory_space<any>>
      tpu.enqueue_dma source(%dma_start3A_117 : memref<8192x64xf32, #tpu.memory_space<any>>) target(%arg6 : memref<8192x64xf32, #tpu.memory_space<vmem>>) target_semaphore(%arg10 : memref<!tpu.dma_semaphore, #tpu.memory_space<semaphore_mem>>)
      %dma_start3A_118 = arith.constant 24576 : i32
      %dma_start3A_119 = arith.constant 0 : i32
      %dma_start3A_120 = tpu.memref_slice %arg1[%dma_start3A_118, %dma_start3A_119] : memref<1000000x64xf32, #tpu.memory_space<any>> -> memref<8192x64xf32, #tpu.memory_space<any>>
      tpu.enqueue_dma source(%dma_start3A_120 : memref<8192x64xf32, #tpu.memory_space<any>>) target(%arg7 : memref<8192x64xf32, #tpu.memory_space<vmem>>) target_semaphore(%arg11 : memref<!tpu.dma_semaphore, #tpu.memory_space<semaphore_mem>>)
    } else {
    }
    %mul3A = arith.constant 4 : i32
    %mul3A_2 = arith.muli %arg0, %mul3A : i32
    %add3A = arith.constant 0 : i32
    %add3A_3 = arith.addi %mul3A_2, %add3A : i32
    %mul3A_4 = arith.constant 8192 : i32
    %mul3A_5 = arith.muli %add3A_3, %mul3A_4 : i32
    %dma_wait3A = arith.constant 0 : i32
    %dma_wait3A_6 = tpu.memref_slice %arg1[%mul3A_5, %dma_wait3A] : memref<1000000x64xf32, #tpu.memory_space<any>> -> memref<8192x64xf32, #tpu.memory_space<any>>
    tpu.wait_dma2 semaphore(%arg8 : memref<!tpu.dma_semaphore, #tpu.memory_space<semaphore_mem>>) src(%dma_wait3A_6 : memref<8192x64xf32, #tpu.memory_space<any>>) dst(%arg4 : memref<8192x64xf32, #tpu.memory_space<vmem>>)
    %get3A = arith.constant 0 : index
    %get3A_7 = arith.constant 0 : index
    %get3A_8 = vector.load %arg4[%get3A, %get3A_7] : memref<8192x64xf32, #tpu.memory_space<vmem>>, vector<8192x64xf32>
    %get3A_9 = arith.constant 0 : index
    %get3A_10 = arith.constant 0 : index
    %get3A_11 = vector.load %arg2[%get3A_9, %get3A_10] : memref<8x64xf32, #tpu.memory_space<vmem>>, vector<1x64xf32>
    %mul3A_12 = vector.broadcast %get3A_11 : vector<1x64xf32> to vector<8192x64xf32>
    %mul3A_13 = arith.mulf %get3A_8, %mul3A_12 : vector<8192x64xf32>
    %reduce_sum3A = arith.constant dense<0.000000e+00> : vector<8192xf32>
    %reduce_sum3A_14 = vector.multi_reduction <add>, %mul3A_13, %reduce_sum3A [1] : vector<8192x64xf32> to vector<8192xf32>
    %reshape3A = vector.shape_cast %reduce_sum3A_14 : vector<8192xf32> to vector<64x128xf32>
    %swap3A = arith.constant 0 : index
    %swap3A_15 = arith.constant 0 : index
    %swap3A_16 = vector.load %arg3[%swap3A, %swap3A_15] : memref<256x128xf32, #tpu.memory_space<vmem>>, vector<64x128xf32>
    tpu.vector_store %arg3[%swap3A, %swap3A_15], %reshape3A {strides = array<i32>} : memref<256x128xf32, #tpu.memory_space<vmem>>, vector<64x128xf32>,
    %add3A_17 = arith.constant 1 : i32
    %add3A_18 = arith.addi %arg0, %add3A_17 : i32
    %lt3A = arith.constant 30 : i32
    %lt3A_19 = arith.cmpi slt, %add3A_18, %lt3A : i32
    %convert_element_type3A_20 = arith.extui %lt3A_19 : i1 to i32
    %cond3A_21 = arith.constant 0 : i32
    %cond3A_22 = arith.cmpi ne, %convert_element_type3A_20, %cond3A_21 : i32
    scf.if %cond3A_22 {
      %add3A_110 = arith.constant 1 : i32
      %add3A_111 = arith.addi %arg0, %add3A_110 : i32
      %mul3A_112 = arith.constant 4 : i32
      %mul3A_113 = arith.muli %add3A_111, %mul3A_112 : i32
      %add3A_114 = arith.constant 0 : i32
      %add3A_115 = arith.addi %mul3A_113, %add3A_114 : i32
      %mul3A_116 = arith.constant 8192 : i32
      %mul3A_117 = arith.muli %add3A_115, %mul3A_116 : i32
      %dma_start3A = arith.constant 0 : i32
      %dma_start3A_118 = tpu.memref_slice %arg1[%mul3A_117, %dma_start3A] : memref<1000000x64xf32, #tpu.memory_space<any>> -> memref<8192x64xf32, #tpu.memory_space<any>>
      tpu.enqueue_dma source(%dma_start3A_118 : memref<8192x64xf32, #tpu.memory_space<any>>) target(%arg4 : memref<8192x64xf32, #tpu.memory_space<vmem>>) target_semaphore(%arg8 : memref<!tpu.dma_semaphore, #tpu.memory_space<semaphore_mem>>)
    } else {
    }
    %mul3A_23 = arith.constant 4 : i32
    %mul3A_24 = arith.muli %arg0, %mul3A_23 : i32
    %add3A_25 = arith.constant 1 : i32
    %add3A_26 = arith.addi %mul3A_24, %add3A_25 : i32
    %mul3A_27 = arith.constant 8192 : i32
    %mul3A_28 = arith.muli %add3A_26, %mul3A_27 : i32
    %dma_wait3A_29 = arith.constant 0 : i32
    %dma_wait3A_30 = tpu.memref_slice %arg1[%mul3A_28, %dma_wait3A_29] : memref<1000000x64xf32, #tpu.memory_space<any>> -> memref<8192x64xf32, #tpu.memory_space<any>>
    tpu.wait_dma2 semaphore(%arg9 : memref<!tpu.dma_semaphore, #tpu.memory_space<semaphore_mem>>) src(%dma_wait3A_30 : memref<8192x64xf32, #tpu.memory_space<any>>) dst(%arg5 : memref<8192x64xf32, #tpu.memory_space<vmem>>)
    %get3A_31 = arith.constant 0 : index
    %get3A_32 = arith.constant 0 : index
    %get3A_33 = vector.load %arg5[%get3A_31, %get3A_32] : memref<8192x64xf32, #tpu.memory_space<vmem>>, vector<8192x64xf32>
    %get3A_34 = arith.constant 0 : index
    %get3A_35 = arith.constant 0 : index
    %get3A_36 = vector.load %arg2[%get3A_34, %get3A_35] : memref<8x64xf32, #tpu.memory_space<vmem>>, vector<1x64xf32>
    %mul3A_37 = vector.broadcast %get3A_36 : vector<1x64xf32> to vector<8192x64xf32>
    %mul3A_38 = arith.mulf %get3A_33, %mul3A_37 : vector<8192x64xf32>
    %reduce_sum3A_39 = arith.constant dense<0.000000e+00> : vector<8192xf32>
    %reduce_sum3A_40 = vector.multi_reduction <add>, %mul3A_38, %reduce_sum3A_39 [1] : vector<8192x64xf32> to vector<8192xf32>
    %reshape3A_41 = vector.shape_cast %reduce_sum3A_40 : vector<8192xf32> to vector<64x128xf32>
    %swap3A_42 = arith.constant 64 : index
    %swap3A_43 = arith.constant 0 : index
    %swap3A_44 = vector.load %arg3[%swap3A_42, %swap3A_43] : memref<256x128xf32, #tpu.memory_space<vmem>>, vector<64x128xf32>
    tpu.vector_store %arg3[%swap3A_42, %swap3A_43], %reshape3A_41 {strides = array<i32>} : memref<256x128xf32, #tpu.memory_space<vmem>>, vector<64x128xf32>,
    %add3A_45 = arith.constant 1 : i32
    %add3A_46 = arith.addi %arg0, %add3A_45 : i32
    %lt3A_47 = arith.constant 30 : i32
    %lt3A_48 = arith.cmpi slt, %add3A_46, %lt3A_47 : i32
    %convert_element_type3A_49 = arith.extui %lt3A_48 : i1 to i32
    %cond3A_50 = arith.constant 0 : i32
    %cond3A_51 = arith.cmpi ne, %convert_element_type3A_49, %cond3A_50 : i32
    scf.if %cond3A_51 {
      %add3A_110 = arith.constant 1 : i32
      %add3A_111 = arith.addi %arg0, %add3A_110 : i32
      %mul3A_112 = arith.constant 4 : i32
      %mul3A_113 = arith.muli %add3A_111, %mul3A_112 : i32
      %add3A_114 = arith.constant 1 : i32
      %add3A_115 = arith.addi %mul3A_113, %add3A_114 : i32
      %mul3A_116 = arith.constant 8192 : i32
      %mul3A_117 = arith.muli %add3A_115, %mul3A_116 : i32
      %dma_start3A = arith.constant 0 : i32
      %dma_start3A_118 = tpu.memref_slice %arg1[%mul3A_117, %dma_start3A] : memref<1000000x64xf32, #tpu.memory_space<any>> -> memref<8192x64xf32, #tpu.memory_space<any>>
      tpu.enqueue_dma source(%dma_start3A_118 : memref<8192x64xf32, #tpu.memory_space<any>>) target(%arg5 : memref<8192x64xf32, #tpu.memory_space<vmem>>) target_semaphore(%arg9 : memref<!tpu.dma_semaphore, #tpu.memory_space<semaphore_mem>>)
    } else {
    }
    %mul3A_52 = arith.constant 4 : i32
    %mul3A_53 = arith.muli %arg0, %mul3A_52 : i32
    %add3A_54 = arith.constant 2 : i32
    %add3A_55 = arith.addi %mul3A_53, %add3A_54 : i32
    %mul3A_56 = arith.constant 8192 : i32
    %mul3A_57 = arith.muli %add3A_55, %mul3A_56 : i32
    %dma_wait3A_58 = arith.constant 0 : i32
    %dma_wait3A_59 = tpu.memref_slice %arg1[%mul3A_57, %dma_wait3A_58] : memref<1000000x64xf32, #tpu.memory_space<any>> -> memref<8192x64xf32, #tpu.memory_space<any>>
    tpu.wait_dma2 semaphore(%arg10 : memref<!tpu.dma_semaphore, #tpu.memory_space<semaphore_mem>>) src(%dma_wait3A_59 : memref<8192x64xf32, #tpu.memory_space<any>>) dst(%arg6 : memref<8192x64xf32, #tpu.memory_space<vmem>>)
    %get3A_60 = arith.constant 0 : index
    %get3A_61 = arith.constant 0 : index
    %get3A_62 = vector.load %arg6[%get3A_60, %get3A_61] : memref<8192x64xf32, #tpu.memory_space<vmem>>, vector<8192x64xf32>
    %get3A_63 = arith.constant 0 : index
    %get3A_64 = arith.constant 0 : index
    %get3A_65 = vector.load %arg2[%get3A_63, %get3A_64] : memref<8x64xf32, #tpu.memory_space<vmem>>, vector<1x64xf32>
    %mul3A_66 = vector.broadcast %get3A_65 : vector<1x64xf32> to vector<8192x64xf32>
    %mul3A_67 = arith.mulf %get3A_62, %mul3A_66 : vector<8192x64xf32>
    %reduce_sum3A_68 = arith.constant dense<0.000000e+00> : vector<8192xf32>
    %reduce_sum3A_69 = vector.multi_reduction <add>, %mul3A_67, %reduce_sum3A_68 [1] : vector<8192x64xf32> to vector<8192xf32>
    %reshape3A_70 = vector.shape_cast %reduce_sum3A_69 : vector<8192xf32> to vector<64x128xf32>
    %swap3A_71 = arith.constant 128 : index
    %swap3A_72 = arith.constant 0 : index
    %swap3A_73 = vector.load %arg3[%swap3A_71, %swap3A_72] : memref<256x128xf32, #tpu.memory_space<vmem>>, vector<64x128xf32>
    tpu.vector_store %arg3[%swap3A_71, %swap3A_72], %reshape3A_70 {strides = array<i32>} : memref<256x128xf32, #tpu.memory_space<vmem>>, vector<64x128xf32>,
    %add3A_74 = arith.constant 1 : i32
    %add3A_75 = arith.addi %arg0, %add3A_74 : i32
    %lt3A_76 = arith.constant 30 : i32
    %lt3A_77 = arith.cmpi slt, %add3A_75, %lt3A_76 : i32
    %convert_element_type3A_78 = arith.extui %lt3A_77 : i1 to i32
    %cond3A_79 = arith.constant 0 : i32
    %cond3A_80 = arith.cmpi ne, %convert_element_type3A_78, %cond3A_79 : i32
    scf.if %cond3A_80 {
      %add3A_110 = arith.constant 1 : i32
      %add3A_111 = arith.addi %arg0, %add3A_110 : i32
      %mul3A_112 = arith.constant 4 : i32
      %mul3A_113 = arith.muli %add3A_111, %mul3A_112 : i32
      %add3A_114 = arith.constant 2 : i32
      %add3A_115 = arith.addi %mul3A_113, %add3A_114 : i32
      %mul3A_116 = arith.constant 8192 : i32
      %mul3A_117 = arith.muli %add3A_115, %mul3A_116 : i32
      %dma_start3A = arith.constant 0 : i32
      %dma_start3A_118 = tpu.memref_slice %arg1[%mul3A_117, %dma_start3A] : memref<1000000x64xf32, #tpu.memory_space<any>> -> memref<8192x64xf32, #tpu.memory_space<any>>
      tpu.enqueue_dma source(%dma_start3A_118 : memref<8192x64xf32, #tpu.memory_space<any>>) target(%arg6 : memref<8192x64xf32, #tpu.memory_space<vmem>>) target_semaphore(%arg10 : memref<!tpu.dma_semaphore, #tpu.memory_space<semaphore_mem>>)
    } else {
    }
    %mul3A_81 = arith.constant 4 : i32
    %mul3A_82 = arith.muli %arg0, %mul3A_81 : i32
    %add3A_83 = arith.constant 3 : i32
    %add3A_84 = arith.addi %mul3A_82, %add3A_83 : i32
    %mul3A_85 = arith.constant 8192 : i32
    %mul3A_86 = arith.muli %add3A_84, %mul3A_85 : i32
    %dma_wait3A_87 = arith.constant 0 : i32
    %dma_wait3A_88 = tpu.memref_slice %arg1[%mul3A_86, %dma_wait3A_87] : memref<1000000x64xf32, #tpu.memory_space<any>> -> memref<8192x64xf32, #tpu.memory_space<any>>
    tpu.wait_dma2 semaphore(%arg11 : memref<!tpu.dma_semaphore, #tpu.memory_space<semaphore_mem>>) src(%dma_wait3A_88 : memref<8192x64xf32, #tpu.memory_space<any>>) dst(%arg7 : memref<8192x64xf32, #tpu.memory_space<vmem>>)
    %get3A_89 = arith.constant 0 : index
    %get3A_90 = arith.constant 0 : index
    %get3A_91 = vector.load %arg7[%get3A_89, %get3A_90] : memref<8192x64xf32, #tpu.memory_space<vmem>>, vector<8192x64xf32>
    %get3A_92 = arith.constant 0 : index
    %get3A_93 = arith.constant 0 : index
    %get3A_94 = vector.load %arg2[%get3A_92, %get3A_93] : memref<8x64xf32, #tpu.memory_space<vmem>>, vector<1x64xf32>
    %mul3A_95 = vector.broadcast %get3A_94 : vector<1x64xf32> to vector<8192x64xf32>
    %mul3A_96 = arith.mulf %get3A_91, %mul3A_95 : vector<8192x64xf32>
    %reduce_sum3A_97 = arith.constant dense<0.000000e+00> : vector<8192xf32>
    %reduce_sum3A_98 = vector.multi_reduction <add>, %mul3A_96, %reduce_sum3A_97 [1] : vector<8192x64xf32> to vector<8192xf32>
    %reshape3A_99 = vector.shape_cast %reduce_sum3A_98 : vector<8192xf32> to vector<64x128xf32>
    %swap3A_100 = arith.constant 192 : index
    %swap3A_101 = arith.constant 0 : index
    %swap3A_102 = vector.load %arg3[%swap3A_100, %swap3A_101] : memref<256x128xf32, #tpu.memory_space<vmem>>, vector<64x128xf32>
    tpu.vector_store %arg3[%swap3A_100, %swap3A_101], %reshape3A_99 {strides = array<i32>} : memref<256x128xf32, #tpu.memory_space<vmem>>, vector<64x128xf32>,
    %add3A_103 = arith.constant 1 : i32
    %add3A_104 = arith.addi %arg0, %add3A_103 : i32
    %lt3A_105 = arith.constant 30 : i32
    %lt3A_106 = arith.cmpi slt, %add3A_104, %lt3A_105 : i32
    %convert_element_type3A_107 = arith.extui %lt3A_106 : i1 to i32
    %cond3A_108 = arith.constant 0 : i32
    %cond3A_109 = arith.cmpi ne, %convert_element_type3A_107, %cond3A_108 : i32
    scf.if %cond3A_109 {
      %add3A_110 = arith.constant 1 : i32
      %add3A_111 = arith.addi %arg0, %add3A_110 : i32
      %mul3A_112 = arith.constant 4 : i32
      %mul3A_113 = arith.muli %add3A_111, %mul3A_112 : i32
      %add3A_114 = arith.constant 3 : i32
      %add3A_115 = arith.addi %mul3A_113, %add3A_114 : i32
      %mul3A_116 = arith.constant 8192 : i32
      %mul3A_117 = arith.muli %add3A_115, %mul3A_116 : i32
      %dma_start3A = arith.constant 0 : i32
      %dma_start3A_118 = tpu.memref_slice %arg1[%mul3A_117, %dma_start3A] : memref<1000000x64xf32, #tpu.memory_space<any>> -> memref<8192x64xf32, #tpu.memory_space<any>>
      tpu.enqueue_dma source(%dma_start3A_118 : memref<8192x64xf32, #tpu.memory_space<any>>) target(%arg7 : memref<8192x64xf32, #tpu.memory_space<vmem>>) target_semaphore(%arg11 : memref<!tpu.dma_semaphore, #tpu.memory_space<semaphore_mem>>)
    } else {
    }
    return
  }
  func.func @transform_1(%arg0: i32) -> (i32, i32) {
    %c0_i32 = arith.constant 0 : i32
    %c0_i32_0 = arith.constant 0 : i32
    %c0_i32_1 = arith.constant 0 : i32
    return %c0_i32, %c0_i32_0 : i32, i32
  }
  func.func @transform_2(%arg0: i32) -> (i32, i32) {
    %c0_i32 = arith.constant 0 : i32
    %c0_i32_0 = arith.constant 0 : i32
    return %arg0, %c0_i32 : i32, i32
  }
}

module attributes {stable_mosaic.version = 14 : i64} {
  func.func @tail_body(%arg0: i32, %arg1: memref<8192x64xf32, #tpu.memory_space<vmem>>, %arg2: memref<8x64xf32, #tpu.memory_space<vmem>>, %arg3: memref<64x128xf32, #tpu.memory_space<vmem>>) attributes {dimension_semantics = [#tpu.dimension_semantics<arbitrary>], iteration_bounds = array<i64: 3>, scalar_prefetch = 0 : i64, scratch_operands = 0 : i64, tpu.core_type = #tpu.core_type<tc>, window_params = [{transform_indices = @transform_0, window_bounds = array<i64: 8192, 64>}, {pipeline_mode = #tpu.pipeline_mode<synchronous>, transform_indices = @transform_1, window_bounds = array<i64: 8, 64>}, {transform_indices = @transform_2, window_bounds = array<i64: 64, 128>}]} {
    %get3A = arith.constant 0 : index
    %get3A_0 = arith.constant 0 : index
    %get3A_1 = vector.load %arg1[%get3A, %get3A_0] : memref<8192x64xf32, #tpu.memory_space<vmem>>, vector<8192x64xf32>
    %get3A_2 = arith.constant 0 : index
    %get3A_3 = arith.constant 0 : index
    %get3A_4 = vector.load %arg2[%get3A_2, %get3A_3] : memref<8x64xf32, #tpu.memory_space<vmem>>, vector<1x64xf32>
    %mul3A = vector.broadcast %get3A_4 : vector<1x64xf32> to vector<8192x64xf32>
    %mul3A_5 = arith.mulf %get3A_1, %mul3A : vector<8192x64xf32>
    %reduce_sum3A = arith.constant dense<0.000000e+00> : vector<8192xf32>
    %reduce_sum3A_6 = vector.multi_reduction <add>, %mul3A_5, %reduce_sum3A [1] : vector<8192x64xf32> to vector<8192xf32>
    %reshape3A = vector.shape_cast %reduce_sum3A_6 : vector<8192xf32> to vector<64x128xf32>
    %swap3A = arith.constant 0 : index
    %swap3A_7 = arith.constant 0 : index
    %swap3A_8 = vector.load %arg3[%swap3A, %swap3A_7] : memref<64x128xf32, #tpu.memory_space<vmem>>, vector<64x128xf32>
    tpu.vector_store %arg3[%swap3A, %swap3A_7], %reshape3A {strides = array<i32>} : memref<64x128xf32, #tpu.memory_space<vmem>>, vector<64x128xf32>,
    return
  }
  func.func @transform_0(%arg0: i32) -> (i32, i32) {
    %c0_i32 = arith.constant 0 : i32
    %c0_i32_0 = arith.constant 0 : i32
    return %arg0, %c0_i32 : i32, i32
  }
  func.func @transform_1(%arg0: i32) -> (i32, i32) {
    %c0_i32 = arith.constant 0 : i32
    %c0_i32_0 = arith.constant 0 : i32
    %c0_i32_1 = arith.constant 0 : i32
    return %c0_i32, %c0_i32_0 : i32, i32
  }
  func.func @transform_2(%arg0: i32) -> (i32, i32) {
    %c0_i32 = arith.constant 0 : i32
    %c0_i32_0 = arith.constant 0 : i32
    return %arg0, %c0_i32 : i32, i32
  }
}

</mosaic_0001>

<sc_bundles>
// kernel: kernel.5.cloned.1.call-start
scs
__scs_entry_jumppad:
0x0: {  	(pc) =	sbr.rel $0x88, $3  }
0x1: {  	(tag) =	ssettag $0x0;
	lr =	simm.s32 $0x1  }
0x2: {  	[smem:$0x3F9D] =	sst lr;
	_ =	strace $0xD0000000  }
0x3: {  	_ = 	snop  }
0x4: {  	_ = 	snop  }
0x5: {  	_ = 	snop  }
0x6: {  	_ = 	snop  }
0x7: {  	_ = 	snop  }
__scs_overlays_trampoline_lowered:
0x8: {  	[smem:$0x3FAC] =	sst s0  }
0x9: {  	[smem:$0x3FAD] =	sst s1  }
0xa: {  	[smem:$0x3FAE] =	sst s2  }
0xb: {  	[smem:$0x3FAF] =	sst s3  }
0xc: {  	[smem:$0x3FB0] =	sst s4  }
0xd: {  	[smem:$0x3FB1] =	sst s5  }
0xe: {  	[smem:$0x3FB2] =	sst s6  }
0xf: {  	[smem:$0x3FB3] =	sst s7  }
0x10: {  	[smem:$0x3FB4] =	sst s8  }
0x11: {  	[smem:$0x3FB5] =	sst s9;
	s0 =	simm.s32 @!p0 $0x0  }
0x12: {  	s1 =	sld [smem:$0x3F9B];
	s0 =	simm.s32 @p0 $0x1  }
0x13: {  	[smem:$0x3FB6] =	sst s0;
	s0 =	simm.s32 @!p1 $0x0  }
0x14: {  	s2 =	sld [smem:$0x3F9A];
	s0 =	simm.s32 @p1 $0x1  }
0x15: {  	[smem:$0x3FB7] =	sst s0;
	s0 =	simm.s32 @!p2 $0x0  }
0x16: {  	s3 =	sld [smem:$0x3FDB];
	s0 =	simm.s32 @p2 $0x1  }
0x17: {  	s4 =	simm.s32 $0x1BF5;
	[smem:$0x3FB9] =	sst s0  }
0x18: {  	s0 =	sld [smem:$0x3F9C];
	_ =	swait.ge [sflag:s4], $0x0  }
0x19: {  	s7 =	sld [smem:$0x3F9D]  }
0x1a: {  	s8 =	sadd.s32 $0xFFFFE003, lr  }
0x1b: {  	s9 =	sadd.s32 $0xFFFFFEF7, lr;
	s5 =	simm.s32 $0xFFFFFFFF;
	p2 =	slt.u32 s8, $0xFFFFF086  }
0x1c: {  	p1 =	slt.u32 s9, $0xF7A;
	s5 =	simm.s32 @!p2 $0x0  }
0x1d: {  	s5 =	simm.s32 @p1 $0x1;
	p0 =	seq.s32 s7, s2  }
0x1e: {  	s7 =	smul.u32 @!p0 $0xF7A, s2;
	p2 =	seq.s32 @!p0 s5, $0x0  }
0x1f: {  	s9 =	smul.u32 $0xF7A, s1;
	s8 =	simm.s32 @!p0 $0x1BF5;
	p2 =	por !p2, p0  }
0x20: {  	[sflag:s8] =	ssyncset.s32 @!p0 $0xFFFFF086;
	s6 =	sadd.s32 @!p0 s3, s7;
	s7 =	simm.s32 @!p0 $0x108  }
0x21: {  	s3 =	sadd.s32 s3, s9;
	s6 =	sadd.s32 @!p0 $0x88, s6;
	s7 =	simm.s32 @p2 $0x1082  }
0x22: {  	[simem:s7], [sflag:s8] =	dma.local @!p0 [hbm:s6], $0xF7A  }
0x23: {  	s9 =	sor.u32 $0xD0000000, s2;
	s6 =	simm.s32 $0x108;
	_ =	swait.ge @!p0 [sflag:s8], $0x0  }
0x24: {  	s3 =	sadd.s32 $0x88, s3;
	s6 =	simm.s32 @!p1 $0x1082;
	[sflag:s4] =	ssyncset.s32 $0xFFFFF086  }
0x25: {  	[simem:s6], [sflag:s4] =	dma.local [hbm:s3], $0xF7A  }
0x26: {  	[smem:$0x3F9D] =	sst s1;
	(tag) =	ssettag s2;
	_ =	strace s9  }
0x27: {  	s1 =	sld [smem:$0x3FAD]  }
0x28: {  	s2 =	sld [smem:$0x3FAE]  }
0x29: {  	s4 =	sld [smem:$0x3FB0]  }
0x2a: {  	p0 =	seq.s32 s5, $0x0;
	s5 =	sld [smem:$0x3FB1]  }
0x2b: {  	s6 =	sld [smem:$0x3FB2]  }
0x2c: {  	s7 =	sld [smem:$0x3FB3]  }
0x2d: {  	s3 =	simm.s32 $0x108;
	s8 =	sld [smem:$0x3FB4]  }
0x2e: {  	s3 =	simm.s32 @!p0 $0x1082;
	s9 =	sld [smem:$0x3FB5]  }
0x2f: {  	lr =	sadd.s32 s0, s3;
	s0 =	sld [smem:$0x3FAC]  }
0x30: {  	s3 =	sld [smem:$0x3FAF]  }
0x31: {  	[smem:$0x3FB8] =	sst s10  }
0x32: {  	s10 =	sld [smem:$0x3FB6];
	_ =	sdelay $0x3  }
0x33: {  	p0 =	seq.s32 s10, $0x1;
	s10 =	sld [smem:$0x3FB8];
	_ =	sdelay $0x3  }
0x34: {  	[smem:$0x3FB8] =	sst s10  }
0x35: {  	s10 =	sld [smem:$0x3FB7];
	_ =	sdelay $0x3  }
0x36: {  	p1 =	seq.s32 s10, $0x1;
	s10 =	sld [smem:$0x3FB8];
	_ =	sdelay $0x3  }
0x37: {  	[smem:$0x3FB8] =	sst s10  }
0x38: {  	s10 =	sld [smem:$0x3FB9]  }
0x39: {  	_ = 	snop;
	(pc) =	sbr.ind lr, $3  }
0x3a: {  	_ = 	snop  }
0x3b: {  	_ = 	snop  }
0x3c: {  	p2 =	seq.s32 s10, $0x1;
	s10 =	sld [smem:$0x3FB8]  }
0x3d: {  	_ =	shalt  }
0x3e: {  	_ =	shalt  }
0x3f: {  	_ =	shalt  }
0x40: {  	_ =	shalt  }
0x41: {  	_ =	shalt  }
0x42: {  	_ =	shalt  }
0x43: {  	_ =	shalt  }
0x44: {  	_ =	shalt  }
0x45: {  	_ =	shalt  }
0x46: {  	_ =	shalt  }
0x47: {  	_ =	shalt  }
0x48: {  	_ =	shalt  }
0x49: {  	_ =	shalt  }
0x4a: {  	_ =	shalt  }
0x4b: {  	_ =	shalt  }
0x4c: {  	_ =	shalt  }
0x4d: {  	_ =	shalt  }
0x4e: {  	_ =	shalt  }
0x4f: {  	_ =	shalt  }
0x50: {  	_ =	shalt  }
0x51: {  	_ =	shalt  }
0x52: {  	_ =	shalt  }
0x53: {  	_ =	shalt  }
0x54: {  	_ =	shalt  }
0x55: {  	_ =	shalt  }
0x56: {  	_ =	shalt  }
0x57: {  	_ =	shalt  }
0x58: {  	_ =	shalt  }
0x59: {  	_ =	shalt  }
0x5a: {  	_ =	shalt  }
0x5b: {  	_ =	shalt  }
0x5c: {  	_ =	shalt  }
0x5d: {  	_ =	shalt  }
0x5e: {  	_ =	shalt  }
0x5f: {  	_ =	shalt  }
0x60: {  	_ =	shalt  }
0x61: {  	_ =	shalt  }
0x62: {  	_ =	shalt  }
0x63: {  	_ =	shalt  }
0x64: {  	_ =	shalt  }
0x65: {  	_ =	shalt  }
0x66: {  	_ =	shalt  }
0x67: {  	_ =	shalt  }
0x68: {  	_ =	shalt  }
0x69: {  	_ =	shalt  }
0x6a: {  	_ =	shalt  }
0x6b: {  	_ =	shalt  }
0x6c: {  	_ =	shalt  }
0x6d: {  	_ =	shalt  }
0x6e: {  	_ =	shalt  }
0x6f: {  	_ =	shalt  }
0x70: {  	_ =	shalt  }
0x71: {  	_ =	shalt  }
0x72: {  	_ =	shalt  }
0x73: {  	_ =	shalt  }
0x74: {  	_ =	shalt  }
0x75: {  	_ =	shalt  }
0x76: {  	_ =	shalt  }
0x77: {  	_ =	shalt  }
0x78: {  	_ =	shalt  }
0x79: {  	_ =	shalt  }
0x7a: {  	_ =	shalt  }
0x7b: {  	_ =	shalt  }
0x7c: {  	_ =	shalt  }
0x7d: {  	_ =	shalt  }
0x7e: {  	_ =	shalt  }
0x7f: {  	_ =	shalt  }
0x80: {  	_ =	shalt  }
0x81: {  	_ =	shalt  }
0x82: {  	_ =	shalt  }
0x83: {  	_ =	shalt  }
0x84: {  	_ =	shalt  }
0x85: {  	_ =	shalt  }
0x86: {  	_ =	shalt  }
0x87: {  	_ =	shalt  }
.Lfunc_end0:
.L_simem_size_0:
called_computation_lowered:
.L_overlay_start_0:
0x88: {  	s2 =	sld [smem:$0x3FD9]  }
0x89: {  	s3 =	sld [smem:$0x3FFE];
	_ =	sdelay $0x1  }
0x8a: {  	s1 =	srdreg.scid  }
0x8b: {  	s0 =	sand.u32 $0x1, s1  }
0x8c: {  	s17 =	sshll.u32 s0, $0xA;
	s2 =	sadd.s32 s3, s2  }
0x8d: {  	s2 =	sadd.s32 s2, s17  }
0x8e: {  	[smem:$0x3FC4] =	sst s2  }
0x8f: {  	_ = 	snop  }
0x90: {  	s2 =	sld [smem:$0x3FD0];
	(tm) =	ssettm $0x1  }
0x91: {  	s18 =	sld [smem:$0x3FFB];
	_ =	sdelay $0x3  }
0x92: {  	_ =	strace s18  }
0x93: {  	s3 =	sld [smem:$0x3FFC];
	_ =	sdelay $0x3  }
0x94: {  	_ =	strace s3  }
0x95: {  	s3 =	sld [smem:$0x3FFD];
	_ =	sdelay $0x3  }
0x96: {  	_ =	strace s3  }
0x97: {  	_ =	strace $0x8FFFFFFF  }
0x98: {  	s19 =	sld [smem:$0x3FDB];
	_ =	sdelay $0x1  }
0x99: {  	s4 =	simm.s32 $_scs_section_size  }
0x9a: {  	s5 =	simm.s32 $_size__tile_overlayer_lowered;
	s6 =	simm.s32 $_tile_overlayer_lowered  }
0x9b: {  	s22 =	simm.s32 $0x1BFF;
	s21 =	sshll.u32 s6, $0x1;
	s3 =	sadd.s32 s4, s19  }
0x9c: {  	s7 =	simm.s32 $0x0;
	s20 =	sshll.u32 s5, $0x1;
	s5 =	sadd.s32 s21, s3  }
0x9d: {  	[timem:s7], [sflag:s22] =	dma.local [hbm:s5], s20  }
0x9e: {  	_ =	swait.ge [sflag:s22], s20  }
0x9f: {  	s4 =	ssub.s32 $0x0, s20;
	[sflag:s22] =	ssyncset.done $0x0  }
0xa0: {  	[sflag:s22] =	ssyncadd.s32 s4;
	_ =	sdelay $0x1  }
0xa1: {  	s23 =	simm.s32 $0x1B8B  }
0xa2: {  	_ =	swait.ge [sflag:s23], $0x1  }
0xa3: {  	[sflag:s23] =	ssyncset.done $0x0  }
0xa4: {  	s25 =	simm.s32 $0x1B8E;
	s24 =	sld [smem:$0x3FFE];
	[sflag:s23] =	ssyncadd.s32 $0xFFFFFFFF  }
0xa5: {  	s26 =	simm.s32 $execute0_lowered;
	[smem:$0x3FD2] =	sst s25  }
0xa6: {  	s5 =	sshll.u32 s26, $0x1;
	_ =	strace $0x80000046;
	[dreg:$0x1] =	wrdreg $0xFFFFFFFF  }
0xa7: {  	s28 =	simm.s32 $_size_execute0_lowered;
	s3 =	sadd.s32 s3, s5;
	[dreg:$0x0] =	wrdreg $0x0  }
0xa8: {  	s5 =	sshll.u32 s28, $0x1;
	[dreg:$0x2] =	wrdreg s3  }
0xa9: {  	[dreg:$0x3] =	wrdreg s5  }
0xaa: {  	[dreg:$0x4] =	wrdreg $0xC0  }
0xab: {  	_ =	task [dreg:s7], $0x5FFFF  }
0xac: {  	[dreg:$0x1] =	wrdreg $0xFFFFFFFF  }
0xad: {  	[dreg:$0x0] =	wrdreg $0x60  }
0xae: {  	[dreg:$0x2] =	wrdreg s24  }
0xaf: {  	[dreg:$0x3] =	wrdreg s2  }
0xb0: {  	[dreg:$0x4] =	wrdreg $0x9  }
0xb1: {  	_ =	task.clear_ibuf [dreg:s7], $0x5FFFF;
	_ =	strace $0x90000046  }
0xb2: {  	s29 =	simm.s32 $0x9;
	_ =	strace $0x80000048  }
0xb3: {  	_ =	swait.ge [sflag:s29], $0x1  }
0xb4: {  	[sflag:s29] =	ssyncadd.s32 $0xFFFFFFFF  }
0xb5: {  	_ =	strace $0x90000048  }
0xb6: {  	_ =	sfence  }
0xb7: {  	s30 =	sld [smem:$0x0];
	_ =	sdelay $0x2  }
0xb8: {  	s31 =	sshll.u32 s1, $0xD;
	s1 =	sshrl.u32 s1, $0x2  }
0xb9: {  	s3 =	sand.u32 $0x4000, s31;
	s1 =	sadd.s32 s1, s30  }
0xba: {  	s0 =	sor.u32 s3, s0;
	s1 =	sshll.u32 s1, $0x11  }
0xbb: {  	s0 =	sor.u32 s1, s0  }
0xbc: {  	s0 =	sadd.s32 $0x8F2B, s0  }
0xbd: {  	[sflag:s0] =	ssyncadd.remote.s32 $0x1  }
0xbe: {  	_ =	sfence.sel $0xFFFF  }
0xbf: {  	[dreg:$0x0] =	wrdreg $0xFFFFFFFF;
	(pc) =	sbr.abs _section_cstart, $3  }
0xc0: {  	[dreg:$0x1] =	wrdreg $0xFFFFFFFF  }
0xc1: {  	_ =	task.clear_ibuf [dreg:s7], $0x2FFFF;
	_ =	strace $0x9FFFFFFF  }
0xc2: {  	(tm) =	ssettm $0x7FFFFFFF  }
0xc3: {  	_ =	shalt  }
tec
execute0_lowered:
.L_overlay_start_1:
0x0: {  	(tag) =	ssettag $0x1  }
0x1: {  	s0 =	rddreg [dreg:$0x0];
	s1 =	srdreg.scid  }
0x2: {  	s3 =	stileid.u32;
	s2 =	rddreg [dreg:$0x1]  }
0x3: {  	s6 =	simm.s32 $0x0;
	s7 =	simm.s32 $0x3;
	s10 =	simm.s32 $0x80  }
0x4: {  	s9 =	simm.s32 $0x19E00;
	s11 =	simm.s32 $0x19E80;
	s12 =	simm.s32 $0x19F00  }
0x5: {  	s14 =	simm.s32 $0x19F80;
	s16 =	simm.s32 $0x1A000;
	s18 =	simm.s32 $0x1A080  }
0x6: {  	s20 =	simm.s32 $0x1A100;
	s22 =	simm.s32 $0x1A180;
	s29 =	simm.s32 $0x1A300  }
0x7: {  	s31 =	simm.s32 $0x1A380;
	s13 =	simm.s32 $0x1A480;
	s17 =	simm.s32 $0x1A500  }
0x8: {  	s21 =	simm.s32 $0x1A580;
	s30 =	simm.s32 $0x1A680;
	s8 =	simm.s32 $0x1A700  }
0x9: {  	s19 =	simm.s32 $0x1A780;
	s28 =	simm.s32 $0x1A800;
	s15 =	simm.s32 $0x1A880  }
0xa: {  	s1 =	sand.u32 $0x1, s1;
	s3 =	sshll.u32 s3, $0x1;
	[smem:$0x7FF] =	sst s6  }
0xb: {  	s23 =	simm.s32 $0x2;
	s4 =	sor.u32 s1, s3;
	_ =	strace $0x80000047  }
0xc: {  	s1 =	ssub.s32 $0x2, s1;
	s5 =	smul.u32 $0x3200, s4;
	s4 =	sshll.u32 s4, $0x6  }
0xd: {  	s3 =	sadd.s32 $0x600, s0;
	s24 =	sshrl.u32 s1, $0x1;
	s26 =	sadd.s32 s2, s4  }
0xe: {  	s5 =	sadd.s32 s5, s0;
	s0 =	sadd.s32 $0x1F200, s0;
	[dreg:$0x5] =	wrdreg s26  }
0xf: {  	s2 =	simm.s32 $0x0;
	s26 =	simm.s32 $0x1A280;
	[dreg:$0x3] =	wrdreg s0  }
0x10: {  	s0 =	ssub.s32 s1, s24;
	s25 =	sadd.s32 $0x190600, s5;
	s24 =	simm.s32 $0x1A200  }
0x11: {  	s1 =	simm.s32 $0x1;
	[dreg:$0x4] =	wrdreg s25;
	s0 =	smax.u32 s0, $0x1  }
0x12: {  	s25 =	simm.s32 $0x1A600;
	[dreg:$0x6] =	wrdreg s0;
	s0 =	simm.s32 $0x1A400  }
.LBB2_1:
0x13: {  	[dreg:$0x7] =	wrdreg s2  }
0x14: {  	s4 =	rddreg [dreg:$0x3];
	s5 =	simm.s32 $0x1AB00  }
0x15: {  	[tilespmem:s5], [sflag:$0x3] =	stream.linear.gather [hbm4b:s4+s6], $0x80, $0x38;
	[tilespmem:$0x1AB80] =	vst v63  }
0x16: {  	_ =	swait.ge [sflag:s7], $0x80  }
0x17: {  	[sflag:s7] =	ssyncset.done $0x0  }
0x18: {  	s5 =	rddreg [dreg:$0x4];
	[sflag:s7] =	ssyncadd.s32 $0xFFFFFF80  }
0x19: {  	[tilespmem:s6], [sflag:$0x3] =	stream.linear.gather [hbm4b:s5+s6], $0x19000, $0x38;
	[tilespmem:$0x1AB80] =	vst v63  }
0x1a: {  	_ =	swait.ge [sflag:s7], $0x19000  }
0x1b: {  	[sflag:s7] =	ssyncset.done $0x0  }
0x1c: {  	s2 =	simm.s32 $0x19000;
	[sflag:s7] =	ssyncadd.s32 $0xFFFE7000  }
0x1d: {  	v0 =	vld [tilespmem:$0x1AB00];
	[tilespmem:s2], [sflag:$0x1] =	stream.indirect.gather [hbm4b:s3+s10], $0x1, s6, s10, $0xb8  }
0x1e: {  	s5 =	simm.s32 $0x19080  }
0x1f: {  	[tilespmem:s5], [sflag:$0x1] =	stream.indirect.gather [hbm4b:s3+s10], $0x1, s10, s10, $0xb8;
	[tilespmem:$0x1AB80] =	vst v63  }
0x20: {  	s7 =	simm.s32 $0x19100;
	s6 =	simm.s32 $0x100  }
0x21: {  	[tilespmem:s7], [sflag:$0x1] =	stream.indirect.gather [hbm4b:s3+s10], $0x1, s6, s10, $0xb8;
	[tilespmem:$0x1AB80] =	vst v63  }
0x22: {  	s4 =	simm.s32 $0x180;
	s5 =	simm.s32 $0x19180  }
0x23: {  	[tilespmem:s5], [sflag:$0x1] =	stream.indirect.gather [hbm4b:s3+s10], $0x1, s4, s10, $0xb8;
	[tilespmem:$0x1AB80] =	vst v63  }
0x24: {  	s6 =	simm.s32 $0x200;
	s7 =	simm.s32 $0x19200  }
0x25: {  	[tilespmem:s7], [sflag:$0x1] =	stream.indirect.gather [hbm4b:s3+s10], $0x1, s6, s10, $0xb8;
	[tilespmem:$0x1AB80] =	vst v63  }
0x26: {  	s4 =	simm.s32 $0x280;
	s5 =	simm.s32 $0x19280  }
0x27: {  	[tilespmem:s5], [sflag:$0x1] =	stream.indirect.gather [hbm4b:s3+s10], $0x1, s4, s10, $0xb8;
	[tilespmem:$0x1AB80] =	vst v63  }
0x28: {  	s6 =	simm.s32 $0x300;
	s7 =	simm.s32 $0x19300  }
0x29: {  	[tilespmem:s7], [sflag:$0x1] =	stream.indirect.gather [hbm4b:s3+s10], $0x1, s6, s10, $0xb8;
	[tilespmem:$0x1AB80] =	vst v63  }
0x2a: {  	s4 =	simm.s32 $0x380;
	s5 =	simm.s32 $0x19380  }
0x2b: {  	[tilespmem:s5], [sflag:$0x1] =	stream.indirect.gather [hbm4b:s3+s10], $0x1, s4, s10, $0xb8;
	[tilespmem:$0x1AB80] =	vst v63  }
0x2c: {  	s6 =	simm.s32 $0x400;
	s7 =	simm.s32 $0x19400  }
0x2d: {  	[tilespmem:s7], [sflag:$0x1] =	stream.indirect.gather [hbm4b:s3+s10], $0x1, s6, s10, $0xb8;
	[tilespmem:$0x1AB80] =	vst v63  }
0x2e: {  	s4 =	simm.s32 $0x480;
	s5 =	simm.s32 $0x19480  }
0x2f: {  	[tilespmem:s5], [sflag:$0x1] =	stream.indirect.gather [hbm4b:s3+s10], $0x1, s4, s10, $0xb8;
	[tilespmem:$0x1AB80] =	vst v63  }
0x30: {  	s6 =	simm.s32 $0x500;
	s7 =	simm.s32 $0x19500  }
0x31: {  	[tilespmem:s7], [sflag:$0x1] =	stream.indirect.gather [hbm4b:s3+s10], $0x1, s6, s10, $0xb8;
	[tilespmem:$0x1AB80] =	vst v63  }
0x32: {  	s4 =	simm.s32 $0x580;
	s5 =	simm.s32 $0x19580  }
0x33: {  	[tilespmem:s5], [sflag:$0x1] =	stream.indirect.gather [hbm4b:s3+s10], $0x1, s4, s10, $0xb8;
	[tilespmem:$0x1AB80] =	vst v63  }
0x34: {  	s6 =	simm.s32 $0x600;
	s7 =	simm.s32 $0x19600  }
0x35: {  	[tilespmem:s7], [sflag:$0x1] =	stream.indirect.gather [hbm4b:s3+s10], $0x1, s6, s10, $0xb8;
	[tilespmem:$0x1AB80] =	vst v63  }
0x36: {  	s4 =	simm.s32 $0x680;
	s5 =	simm.s32 $0x19680  }
0x37: {  	[tilespmem:s5], [sflag:$0x1] =	stream.indirect.gather [hbm4b:s3+s10], $0x1, s4, s10, $0xb8;
	[tilespmem:$0x1AB80] =	vst v63  }
0x38: {  	s6 =	simm.s32 $0x700;
	s7 =	simm.s32 $0x19700  }
0x39: {  	[tilespmem:s7], [sflag:$0x1] =	stream.indirect.gather [hbm4b:s3+s10], $0x1, s6, s10, $0xb8;
	[tilespmem:$0x1AB80] =	vst v63  }
0x3a: {  	s4 =	simm.s32 $0x780;
	s5 =	simm.s32 $0x19780  }
0x3b: {  	[tilespmem:s5], [sflag:$0x1] =	stream.indirect.gather [hbm4b:s3+s10], $0x1, s4, s10, $0xb8;
	[tilespmem:$0x1AB80] =	vst v63  }
0x3c: {  	s6 =	simm.s32 $0x800;
	s7 =	simm.s32 $0x19800  }
0x3d: {  	[tilespmem:s7], [sflag:$0x1] =	stream.indirect.gather [hbm4b:s3+s10], $0x1, s6, s10, $0xb8;
	[tilespmem:$0x1AB80] =	vst v63  }
0x3e: {  	s4 =	simm.s32 $0x880;
	s5 =	simm.s32 $0x19880  }
0x3f: {  	[tilespmem:s5], [sflag:$0x1] =	stream.indirect.gather [hbm4b:s3+s10], $0x1, s4, s10, $0xb8;
	[tilespmem:$0x1AB80] =	vst v63  }
0x40: {  	s6 =	simm.s32 $0x900;
	s7 =	simm.s32 $0x19900  }
0x41: {  	[tilespmem:s7], [sflag:$0x1] =	stream.indirect.gather [hbm4b:s3+s10], $0x1, s6, s10, $0xb8;
	[tilespmem:$0x1AB80] =	vst v63  }
0x42: {  	s4 =	simm.s32 $0x980;
	s5 =	simm.s32 $0x19980  }
0x43: {  	[tilespmem:s5], [sflag:$0x1] =	stream.indirect.gather [hbm4b:s3+s10], $0x1, s4, s10, $0xb8;
	[tilespmem:$0x1AB80] =	vst v63  }
0x44: {  	s6 =	simm.s32 $0xA00;
	s7 =	simm.s32 $0x19A00  }
0x45: {  	[tilespmem:s7], [sflag:$0x1] =	stream.indirect.gather [hbm4b:s3+s10], $0x1, s6, s10, $0xb8;
	[tilespmem:$0x1AB80] =	vst v63  }
0x46: {  	s4 =	simm.s32 $0xA80;
	s5 =	simm.s32 $0x19A80  }
0x47: {  	[tilespmem:s5], [sflag:$0x1] =	stream.indirect.gather [hbm4b:s3+s10], $0x1, s4, s10, $0xb8;
	[tilespmem:$0x1AB80] =	vst v63  }
0x48: {  	s6 =	simm.s32 $0xB00;
	s7 =	simm.s32 $0x19B00  }
0x49: {  	[tilespmem:s7], [sflag:$0x1] =	stream.indirect.gather [hbm4b:s3+s10], $0x1, s6, s10, $0xb8;
	[tilespmem:$0x1AB80] =	vst v63  }
0x4a: {  	s4 =	simm.s32 $0xB80;
	s5 =	simm.s32 $0x19B80  }
0x4b: {  	[tilespmem:s5], [sflag:$0x1] =	stream.indirect.gather [hbm4b:s3+s10], $0x1, s4, s10, $0xb8;
	[tilespmem:$0x1AB80] =	vst v63  }
0x4c: {  	s6 =	simm.s32 $0xC00;
	s7 =	simm.s32 $0x19C00;
	s4 =	simm.s32 $0x0  }
0x4d: {  	[tilespmem:s7], [sflag:$0x1] =	stream.indirect.gather [hbm4b:s3+s10], $0x1, s6, s10, $0xb8;
	[tilespmem:$0x1AB80] =	vst v63  }
.LBB2_2:
0x4e: {  	s5 =	sshllo.u32 s4, $0x1  }
0x4f: {  	s6 =	smul.u32 $0x3200, s5;
	_ =	sdelay $0x1  }
0x50: {  	s2 =	simm.s32 $0x19C80;
	s6 =	sshra.s32 s6, $0x2  }
0x51: {  	[tilespmem:s2], [sflag:$0x2] =	stream.indirect.gather [hbm4b:s3+s10], $0x1, s6, s10, $0xb8;
	[tilespmem:$0x1AB80] =	vst v63  }
0x52: {  	s7 =	sadd.s32 $0x80, s6;
	s2 =	simm.s32 $0x19D00  }
0x53: {  	[tilespmem:s2], [sflag:$0x2] =	stream.indirect.gather [hbm4b:s3+s10], $0x1, s7, s10, $0xb8;
	[tilespmem:$0x1AB80] =	vst v63  }
0x54: {  	s7 =	sadd.s32 $0x100, s6;
	s2 =	simm.s32 $0x19D80  }
0x55: {  	[tilespmem:s2], [sflag:$0x2] =	stream.indirect.gather [hbm4b:s3+s10], $0x1, s7, s10, $0xb8;
	[tilespmem:$0x1AB80] =	vst v63  }
0x56: {  	s2 =	sadd.s32 $0x180, s6  }
0x57: {  	[tilespmem:s9], [sflag:$0x2] =	stream.indirect.gather [hbm4b:s3+s10], $0x1, s2, s10, $0xb8;
	[tilespmem:$0x1AB80] =	vst v63  }
0x58: {  	s2 =	sadd.s32 $0x200, s6  }
0x59: {  	[tilespmem:s11], [sflag:$0x2] =	stream.indirect.gather [hbm4b:s3+s10], $0x1, s2, s10, $0xb8;
	[tilespmem:$0x1AB80] =	vst v63  }
0x5a: {  	s2 =	sadd.s32 $0x280, s6  }
0x5b: {  	[tilespmem:s12], [sflag:$0x2] =	stream.indirect.gather [hbm4b:s3+s10], $0x1, s2, s10, $0xb8;
	[tilespmem:$0x1AB80] =	vst v63  }
0x5c: {  	s2 =	sadd.s32 $0x300, s6  }
0x5d: {  	[tilespmem:s14], [sflag:$0x2] =	stream.indirect.gather [hbm4b:s3+s10], $0x1, s2, s10, $0xb8;
	[tilespmem:$0x1AB80] =	vst v63  }
0x5e: {  	s2 =	sadd.s32 $0x380, s6  }
0x5f: {  	[tilespmem:s16], [sflag:$0x2] =	stream.indirect.gather [hbm4b:s3+s10], $0x1, s2, s10, $0xb8;
	[tilespmem:$0x1AB80] =	vst v63  }
0x60: {  	s2 =	sadd.s32 $0x400, s6  }
0x61: {  	[tilespmem:s18], [sflag:$0x2] =	stream.indirect.gather [hbm4b:s3+s10], $0x1, s2, s10, $0xb8;
	[tilespmem:$0x1AB80] =	vst v63  }
0x62: {  	s2 =	sadd.s32 $0x480, s6  }
0x63: {  	[tilespmem:s20], [sflag:$0x2] =	stream.indirect.gather [hbm4b:s3+s10], $0x1, s2, s10, $0xb8;
	[tilespmem:$0x1AB80] =	vst v63  }
0x64: {  	s2 =	sadd.s32 $0x500, s6  }
0x65: {  	[tilespmem:s22], [sflag:$0x2] =	stream.indirect.gather [hbm4b:s3+s10], $0x1, s2, s10, $0xb8;
	[tilespmem:$0x1AB80] =	vst v63  }
0x66: {  	s2 =	sadd.s32 $0x580, s6  }
0x67: {  	[tilespmem:s24], [sflag:$0x2] =	stream.indirect.gather [hbm4b:s3+s10], $0x1, s2, s10, $0xb8;
	[tilespmem:$0x1AB80] =	vst v63  }
0x68: {  	s2 =	sadd.s32 $0x600, s6  }
0x69: {  	[tilespmem:s26], [sflag:$0x2] =	stream.indirect.gather [hbm4b:s3+s10], $0x1, s2, s10, $0xb8;
	[tilespmem:$0x1AB80] =	vst v63  }
0x6a: {  	s2 =	sadd.s32 $0x680, s6  }
0x6b: {  	[tilespmem:s29], [sflag:$0x2] =	stream.indirect.gather [hbm4b:s3+s10], $0x1, s2, s10, $0xb8;
	[tilespmem:$0x1AB80] =	vst v63  }
0x6c: {  	s2 =	sadd.s32 $0x700, s6  }
0x6d: {  	[tilespmem:s31], [sflag:$0x2] =	stream.indirect.gather [hbm4b:s3+s10], $0x1, s2, s10, $0xb8;
	[tilespmem:$0x1AB80] =	vst v63  }
0x6e: {  	s2 =	sadd.s32 $0x780, s6  }
0x6f: {  	[tilespmem:s0], [sflag:$0x2] =	stream.indirect.gather [hbm4b:s3+s10], $0x1, s2, s10, $0xb8;
	[tilespmem:$0x1AB80] =	vst v63  }
0x70: {  	s2 =	sadd.s32 $0x800, s6  }
0x71: {  	[tilespmem:s13], [sflag:$0x2] =	stream.indirect.gather [hbm4b:s3+s10], $0x1, s2, s10, $0xb8;
	[tilespmem:$0x1AB80] =	vst v63  }
0x72: {  	s2 =	sadd.s32 $0x880, s6  }
0x73: {  	[tilespmem:s17], [sflag:$0x2] =	stream.indirect.gather [hbm4b:s3+s10], $0x1, s2, s10, $0xb8;
	[tilespmem:$0x1AB80] =	vst v63  }
0x74: {  	s2 =	sadd.s32 $0x900, s6  }
0x75: {  	[tilespmem:s21], [sflag:$0x2] =	stream.indirect.gather [hbm4b:s3+s10], $0x1, s2, s10, $0xb8;
	[tilespmem:$0x1AB80] =	vst v63  }
0x76: {  	s2 =	sadd.s32 $0x980, s6  }
0x77: {  	[tilespmem:s25], [sflag:$0x2] =	stream.indirect.gather [hbm4b:s3+s10], $0x1, s2, s10, $0xb8;
	[tilespmem:$0x1AB80] =	vst v63  }
0x78: {  	s2 =	sadd.s32 $0xA00, s6  }
0x79: {  	[tilespmem:s30], [sflag:$0x2] =	stream.indirect.gather [hbm4b:s3+s10], $0x1, s2, s10, $0xb8;
	[tilespmem:$0x1AB80] =	vst v63  }
0x7a: {  	s2 =	sadd.s32 $0xA80, s6  }
0x7b: {  	[tilespmem:s8], [sflag:$0x2] =	stream.indirect.gather [hbm4b:s3+s10], $0x1, s2, s10, $0xb8;
	[tilespmem:$0x1AB80] =	vst v63  }
0x7c: {  	s2 =	sadd.s32 $0xB00, s6  }
0x7d: {  	[tilespmem:s19], [sflag:$0x2] =	stream.indirect.gather [hbm4b:s3+s10], $0x1, s2, s10, $0xb8;
	[tilespmem:$0x1AB80] =	vst v63  }
0x7e: {  	s2 =	sadd.s32 $0xB80, s6  }
0x7f: {  	[tilespmem:s28], [sflag:$0x2] =	stream.indirect.gather [hbm4b:s3+s10], $0x1, s2, s10, $0xb8;
	[tilespmem:$0x1AB80] =	vst v63  }
0x80: {  	s6 =	sadd.s32 $0xC00, s6  }
0x81: {  	[tilespmem:s15], [sflag:$0x2] =	stream.indirect.gather [hbm4b:s3+s10], $0x1, s6, s10, $0xb8;
	[tilespmem:$0x1AB80] =	vst v63  }
0x82: {  	_ =	swait.ge [sflag:s1], $0x80  }
0x83: {  	[sflag:s1] =	ssyncset.done $0x0  }
0x84: {  	[sflag:s1] =	ssyncadd.s32 $0xFFFFFF80  }
0x85: {  	_ =	swait.ge [sflag:s1], $0x80  }
0x86: {  	[sflag:s1] =	ssyncset.done $0x0  }
0x87: {  	[sflag:s1] =	ssyncadd.s32 $0xFFFFFF80  }
0x88: {  	_ =	swait.ge [sflag:s1], $0x80  }
0x89: {  	[sflag:s1] =	ssyncset.done $0x0  }
0x8a: {  	[sflag:s1] =	ssyncadd.s32 $0xFFFFFF80  }
0x8b: {  	_ =	swait.ge [sflag:s1], $0x80  }
0x8c: {  	[sflag:s1] =	ssyncset.done $0x0  }
0x8d: {  	[sflag:s1] =	ssyncadd.s32 $0xFFFFFF80  }
0x8e: {  	_ =	swait.ge [sflag:s1], $0x80  }
0x8f: {  	[sflag:s1] =	ssyncset.done $0x0  }
0x90: {  	[sflag:s1] =	ssyncadd.s32 $0xFFFFFF80  }
0x91: {  	_ =	swait.ge [sflag:s1], $0x80  }
0x92: {  	[sflag:s1] =	ssyncset.done $0x0  }
0x93: {  	[sflag:s1] =	ssyncadd.s32 $0xFFFFFF80  }
0x94: {  	_ =	swait.ge [sflag:s1], $0x80  }
0x95: {  	[sflag:s1] =	ssyncset.done $0x0  }
0x96: {  	[sflag:s1] =	ssyncadd.s32 $0xFFFFFF80  }
0x97: {  	_ =	swait.ge [sflag:s1], $0x80  }
0x98: {  	[sflag:s1] =	ssyncset.done $0x0  }
0x99: {  	[sflag:s1] =	ssyncadd.s32 $0xFFFFFF80  }
0x9a: {  	_ =	swait.ge [sflag:s1], $0x80  }
0x9b: {  	[sflag:s1] =	ssyncset.done $0x0  }
0x9c: {  	[sflag:s1] =	ssyncadd.s32 $0xFFFFFF80  }
0x9d: {  	_ =	swait.ge [sflag:s1], $0x80  }
0x9e: {  	[sflag:s1] =	ssyncset.done $0x0  }
0x9f: {  	[sflag:s1] =	ssyncadd.s32 $0xFFFFFF80  }
0xa0: {  	_ =	swait.ge [sflag:s1], $0x80  }
0xa1: {  	[sflag:s1] =	ssyncset.done $0x0  }
0xa2: {  	[sflag:s1] =	ssyncadd.s32 $0xFFFFFF80  }
0xa3: {  	_ =	swait.ge [sflag:s1], $0x80  }
0xa4: {  	[sflag:s1] =	ssyncset.done $0x0  }
0xa5: {  	[sflag:s1] =	ssyncadd.s32 $0xFFFFFF80  }
0xa6: {  	_ =	swait.ge [sflag:s1], $0x80  }
0xa7: {  	[sflag:s1] =	ssyncset.done $0x0  }
0xa8: {  	[sflag:s1] =	ssyncadd.s32 $0xFFFFFF80  }
0xa9: {  	_ =	swait.ge [sflag:s1], $0x80  }
0xaa: {  	[sflag:s1] =	ssyncset.done $0x0  }
0xab: {  	[sflag:s1] =	ssyncadd.s32 $0xFFFFFF80  }
0xac: {  	_ =	swait.ge [sflag:s1], $0x80  }
0xad: {  	[sflag:s1] =	ssyncset.done $0x0  }
0xae: {  	[sflag:s1] =	ssyncadd.s32 $0xFFFFFF80  }
0xaf: {  	_ =	swait.ge [sflag:s1], $0x80  }
0xb0: {  	[sflag:s1] =	ssyncset.done $0x0  }
0xb1: {  	[sflag:s1] =	ssyncadd.s32 $0xFFFFFF80  }
0xb2: {  	_ =	swait.ge [sflag:s1], $0x80  }
0xb3: {  	[sflag:s1] =	ssyncset.done $0x0  }
0xb4: {  	[sflag:s1] =	ssyncadd.s32 $0xFFFFFF80  }
0xb5: {  	_ =	swait.ge [sflag:s1], $0x80  }
0xb6: {  	[sflag:s1] =	ssyncset.done $0x0  }
0xb7: {  	[sflag:s1] =	ssyncadd.s32 $0xFFFFFF80  }
0xb8: {  	_ =	swait.ge [sflag:s1], $0x80  }
0xb9: {  	[sflag:s1] =	ssyncset.done $0x0  }
0xba: {  	[sflag:s1] =	ssyncadd.s32 $0xFFFFFF80  }
0xbb: {  	_ =	swait.ge [sflag:s1], $0x80  }
0xbc: {  	[sflag:s1] =	ssyncset.done $0x0  }
0xbd: {  	[sflag:s1] =	ssyncadd.s32 $0xFFFFFF80  }
0xbe: {  	_ =	swait.ge [sflag:s1], $0x80  }
0xbf: {  	[sflag:s1] =	ssyncset.done $0x0  }
0xc0: {  	[sflag:s1] =	ssyncadd.s32 $0xFFFFFF80  }
0xc1: {  	_ =	swait.ge [sflag:s1], $0x80  }
0xc2: {  	[sflag:s1] =	ssyncset.done $0x0  }
0xc3: {  	[sflag:s1] =	ssyncadd.s32 $0xFFFFFF80  }
0xc4: {  	_ =	swait.ge [sflag:s1], $0x80  }
0xc5: {  	[sflag:s1] =	ssyncset.done $0x0  }
0xc6: {  	[sflag:s1] =	ssyncadd.s32 $0xFFFFFF80  }
0xc7: {  	_ =	swait.ge [sflag:s1], $0x80  }
0xc8: {  	[sflag:s1] =	ssyncset.done $0x0  }
0xc9: {  	[sflag:s1] =	ssyncadd.s32 $0xFFFFFF80  }
0xca: {  	_ =	swait.ge [sflag:s1], $0x80  }
0xcb: {  	[sflag:s1] =	ssyncset.done $0x0  }
0xcc: {  	s7 =	simm.s32 $0x0;
	[sflag:s1] =	ssyncadd.s32 $0xFFFFFF80  }
0xcd: {  	v1 =	vld [tilespmem:s7+$0x19000];
	_ =	sdelay $0x1  }
0xce: {  	v2 =	vld [tilespmem:s7+$0x19010];
	_ =	sdelay $0x1  }
0xcf: {  	v3 =	vimm.f32 $0.0e+00;
	v4 =	vld [tilespmem:s7+$0x19020]  }
0xd0: {  	v1 =	vadd.f32 v1, v3  }
0xd1: {  	v3 =	vld [tilespmem:s7+$0x19030]  }
0xd2: {  	v1 =	vadd.f32 v2, v1  }
0xd3: {  	v2 =	vld [tilespmem:s7+$0x19040]  }
0xd4: {  	v1 =	vadd.f32 v4, v1;
	_ =	sdelay $0x1  }
0xd5: {  	v4 =	vld [tilespmem:s7+$0x19050];
	v1 =	vadd.f32 v3, v1;
	_ =	sdelay $0x1  }
0xd6: {  	v3 =	vadd.f32 v2, v1;
	v2 =	vld [tilespmem:s7+$0x19060];
	_ =	sdelay $0x1  }
0xd7: {  	v1 =	vld [tilespmem:s7+$0x19070]  }
0xd8: {  	s6 =	simm.s32 $0x80;
	s7 =	simm.s32 $0x400;
	v3 =	vadd.f32 v4, v3  }
.LBB2_3:
0xd9: {  	p0 =	sne.s32 s7, $0x3000;
	v4 =	vld [tilespmem:s6+$0x19000]  }
0xda: {  	v2 =	vadd.f32 v2, v3  }
0xdb: {  	v3 =	vld [tilespmem:s6+$0x19010]  }
0xdc: {  	v1 =	vadd.f32 v1, v2  }
0xdd: {  	v2 =	vld [tilespmem:s6+$0x19020]  }
0xde: {  	v1 =	vadd.f32 v4, v1  }
0xdf: {  	v4 =	vld [tilespmem:s6+$0x19030]  }
0xe0: {  	v1 =	vadd.f32 v3, v1  }
0xe1: {  	v3 =	vld [tilespmem:s6+$0x19040]  }
0xe2: {  	v1 =	vadd.f32 v2, v1  }
0xe3: {  	v5 =	vld [tilespmem:s6+$0x19050]  }
.Ltmp0:
0xe4: {  	v1 =	vadd.f32 v4, v1;
	(pc) =	sbr.rel @p0 .LBB2_3-.Ltmp0, $4  }
0xe5: {  	v2 =	vld [tilespmem:s6+$0x19060]  }
0xe6: {  	v3 =	vadd.f32 v3, v1  }
0xe7: {  	v1 =	vld [tilespmem:s6+$0x19070]  }
0xe8: {  	s6 =	sshra.s32 s7, $0x2;
	s7 =	sadd.s32 $0x200, s7;
	v3 =	vadd.f32 v5, v3  }
0xe9: {  	v4 =	vld [tilespmem:s6+$0x19000]  }
0xea: {  	v2 =	vadd.f32 v2, v3  }
0xeb: {  	v3 =	vld [tilespmem:s6+$0x19010]  }
0xec: {  	v1 =	vadd.f32 v1, v2  }
0xed: {  	v2 =	vld [tilespmem:s6+$0x19020]  }
0xee: {  	v1 =	vadd.f32 v4, v1  }
0xef: {  	v62 =	vld [tilespmem:s6+$0x19030]  }
0xf0: {  	v1 =	vadd.f32 v3, v1  }
0xf1: {  	v3 =	vld [tilespmem:s6+$0x19040]  }
0xf2: {  	v1 =	vadd.f32 v2, v1  }
0xf3: {  	v2 =	vld [tilespmem:s6+$0x19050]  }
0xf4: {  	v1 =	vadd.f32 v62, v1  }
0xf5: {  	v63 =	vld [tilespmem:s6+$0x19060]  }
0xf6: {  	v1 =	vadd.f32 v3, v1  }
0xf7: {  	v3 =	vld [tilespmem:s6+$0x19070]  }
0xf8: {  	v1 =	vadd.f32 v2, v1;
	_ =	sdelay $0x1  }
0xf9: {  	v1 =	vadd.f32 v63, v1;
	_ =	sdelay $0x1  }
0xfa: {  	v1 =	vadd.f32 v3, v1;
	_ =	sdelay $0x1  }
0xfb: {  	v1 =	vmul.f32 $4.999999890e-03, v1;
	_ =	sdelay $0x1  }
0xfc: {  	v1 =	vadd.f32 v1, v0;
	_ =	sdelay $0x1  }
0xfd: {  	v1 =	vadd.f32 v1, v1;
	_ =	sdelay $0x1  }
0xfe: {  	v1 =	vmul.f32 $1.442695020e+00, v1;
	_ =	sdelay $0x1  }
0xff: {  	(erf) = vpow2.f32 v1;
	_ =	sdelay $0x8  }
0x100: {  	v1 =	vpop (erf)  }
0x101: {  	v1 =	vadd.f32 $1.000000000e+00, v1;
	_ =	sdelay $0x1  }
0x102: {  	(erf) = vrcp.f32 v1;
	_ =	sdelay $0x8  }
0x103: {  	p0 =	seq.s32 s4, $0xF;
	v1 =	vpop (erf)  }
.Ltmp1:
0x104: {  	v1 =	vadd.f32 v1, v1;
	(pc) =	sbr.rel @p0 .LBB2_6-.Ltmp1, $4  }
0x105: {  	_ = 	snop  }
0x106: {  	s7 =	sshll.u32 s4, $0x5;
	v1 =	vsub.f32 $1.000000000e+00, v1  }
0x107: {  	s6 =	sand.u32 $0x3FFFFFE0, s7  }
0x108: {  	[tilespmem:s6+$0x1A900] =	vst v1  }
0x109: {  	s6 =	smul.u32 $0x6400, s4;
	_ =	sdelay $0x1  }
0x10a: {  	s6 =	sshra.s32 s6, $0x2  }
0x10b: {  	s2 =	simm.s32 $0x19000;
	s7 =	sadd.s32 $0x1900, s6  }
0x10c: {  	[tilespmem:s2], [sflag:$0x1] =	stream.indirect.gather [hbm4b:s3+s10], $0x1, s7, s10, $0xb8;
	[tilespmem:$0x1AB80] =	vst v63  }
0x10d: {  	s7 =	sadd.s32 $0x1980, s6;
	s2 =	simm.s32 $0x19080  }
0x10e: {  	[tilespmem:s2], [sflag:$0x1] =	stream.indirect.gather [hbm4b:s3+s10], $0x1, s7, s10, $0xb8;
	[tilespmem:$0x1AB80] =	vst v63  }
0x10f: {  	s7 =	sadd.s32 $0x1A00, s6;
	s2 =	simm.s32 $0x19100  }
0x110: {  	[tilespmem:s2], [sflag:$0x1] =	stream.indirect.gather [hbm4b:s3+s10], $0x1, s7, s10, $0xb8;
	[tilespmem:$0x1AB80] =	vst v63  }
0x111: {  	s7 =	sadd.s32 $0x1A80, s6;
	s2 =	simm.s32 $0x19180  }
0x112: {  	[tilespmem:s2], [sflag:$0x1] =	stream.indirect.gather [hbm4b:s3+s10], $0x1, s7, s10, $0xb8;
	[tilespmem:$0x1AB80] =	vst v63  }
0x113: {  	s7 =	sadd.s32 $0x1B00, s6;
	s2 =	simm.s32 $0x19200  }
0x114: {  	[tilespmem:s2], [sflag:$0x1] =	stream.indirect.gather [hbm4b:s3+s10], $0x1, s7, s10, $0xb8;
	[tilespmem:$0x1AB80] =	vst v63  }
0x115: {  	s7 =	sadd.s32 $0x1B80, s6;
	s2 =	simm.s32 $0x19280  }
0x116: {  	[tilespmem:s2], [sflag:$0x1] =	stream.indirect.gather [hbm4b:s3+s10], $0x1, s7, s10, $0xb8;
	[tilespmem:$0x1AB80] =	vst v63  }
0x117: {  	s7 =	sadd.s32 $0x1C00, s6;
	s2 =	simm.s32 $0x19300  }
0x118: {  	[tilespmem:s2], [sflag:$0x1] =	stream.indirect.gather [hbm4b:s3+s10], $0x1, s7, s10, $0xb8;
	[tilespmem:$0x1AB80] =	vst v63  }
0x119: {  	s7 =	sadd.s32 $0x1C80, s6;
	s2 =	simm.s32 $0x19380  }
0x11a: {  	[tilespmem:s2], [sflag:$0x1] =	stream.indirect.gather [hbm4b:s3+s10], $0x1, s7, s10, $0xb8;
	[tilespmem:$0x1AB80] =	vst v63  }
0x11b: {  	s7 =	sadd.s32 $0x1D00, s6;
	s2 =	simm.s32 $0x19400  }
0x11c: {  	[tilespmem:s2], [sflag:$0x1] =	stream.indirect.gather [hbm4b:s3+s10], $0x1, s7, s10, $0xb8;
	[tilespmem:$0x1AB80] =	vst v63  }
0x11d: {  	s7 =	sadd.s32 $0x1D80, s6;
	s2 =	simm.s32 $0x19480  }
0x11e: {  	[tilespmem:s2], [sflag:$0x1] =	stream.indirect.gather [hbm4b:s3+s10], $0x1, s7, s10, $0xb8;
	[tilespmem:$0x1AB80] =	vst v63  }
0x11f: {  	s7 =	sadd.s32 $0x1E00, s6;
	s2 =	simm.s32 $0x19500  }
0x120: {  	[tilespmem:s2], [sflag:$0x1] =	stream.indirect.gather [hbm4b:s3+s10], $0x1, s7, s10, $0xb8;
	[tilespmem:$0x1AB80] =	vst v63  }
0x121: {  	s7 =	sadd.s32 $0x1E80, s6;
	s2 =	simm.s32 $0x19580  }
0x122: {  	[tilespmem:s2], [sflag:$0x1] =	stream.indirect.gather [hbm4b:s3+s10], $0x1, s7, s10, $0xb8;
	[tilespmem:$0x1AB80] =	vst v63  }
0x123: {  	s7 =	sadd.s32 $0x1F00, s6;
	s2 =	simm.s32 $0x19600  }
0x124: {  	[tilespmem:s2], [sflag:$0x1] =	stream.indirect.gather [hbm4b:s3+s10], $0x1, s7, s10, $0xb8;
	[tilespmem:$0x1AB80] =	vst v63  }
0x125: {  	s7 =	sadd.s32 $0x1F80, s6;
	s2 =	simm.s32 $0x19680  }
0x126: {  	[tilespmem:s2], [sflag:$0x1] =	stream.indirect.gather [hbm4b:s3+s10], $0x1, s7, s10, $0xb8;
	[tilespmem:$0x1AB80] =	vst v63  }
0x127: {  	s7 =	sadd.s32 $0x2000, s6;
	s2 =	simm.s32 $0x19700  }
0x128: {  	[tilespmem:s2], [sflag:$0x1] =	stream.indirect.gather [hbm4b:s3+s10], $0x1, s7, s10, $0xb8;
	[tilespmem:$0x1AB80] =	vst v63  }
0x129: {  	s7 =	sadd.s32 $0x2080, s6;
	s2 =	simm.s32 $0x19780  }
0x12a: {  	[tilespmem:s2], [sflag:$0x1] =	stream.indirect.gather [hbm4b:s3+s10], $0x1, s7, s10, $0xb8;
	[tilespmem:$0x1AB80] =	vst v63  }
0x12b: {  	s7 =	sadd.s32 $0x2100, s6;
	s2 =	simm.s32 $0x19800  }
0x12c: {  	[tilespmem:s2], [sflag:$0x1] =	stream.indirect.gather [hbm4b:s3+s10], $0x1, s7, s10, $0xb8;
	[tilespmem:$0x1AB80] =	vst v63  }
0x12d: {  	s7 =	sadd.s32 $0x2180, s6;
	s2 =	simm.s32 $0x19880  }
0x12e: {  	[tilespmem:s2], [sflag:$0x1] =	stream.indirect.gather [hbm4b:s3+s10], $0x1, s7, s10, $0xb8;
	[tilespmem:$0x1AB80] =	vst v63  }
0x12f: {  	s7 =	sadd.s32 $0x2200, s6;
	s2 =	simm.s32 $0x19900  }
0x130: {  	[tilespmem:s2], [sflag:$0x1] =	stream.indirect.gather [hbm4b:s3+s10], $0x1, s7, s10, $0xb8;
	[tilespmem:$0x1AB80] =	vst v63  }
0x131: {  	s7 =	sadd.s32 $0x2280, s6;
	s2 =	simm.s32 $0x19980  }
0x132: {  	[tilespmem:s2], [sflag:$0x1] =	stream.indirect.gather [hbm4b:s3+s10], $0x1, s7, s10, $0xb8;
	[tilespmem:$0x1AB80] =	vst v63  }
0x133: {  	s7 =	sadd.s32 $0x2300, s6;
	s2 =	simm.s32 $0x19A00  }
0x134: {  	[tilespmem:s2], [sflag:$0x1] =	stream.indirect.gather [hbm4b:s3+s10], $0x1, s7, s10, $0xb8;
	[tilespmem:$0x1AB80] =	vst v63  }
0x135: {  	s7 =	sadd.s32 $0x2380, s6;
	s2 =	simm.s32 $0x19A80  }
0x136: {  	[tilespmem:s2], [sflag:$0x1] =	stream.indirect.gather [hbm4b:s3+s10], $0x1, s7, s10, $0xb8;
	[tilespmem:$0x1AB80] =	vst v63  }
0x137: {  	s7 =	sadd.s32 $0x2400, s6;
	s2 =	simm.s32 $0x19B00  }
0x138: {  	[tilespmem:s2], [sflag:$0x1] =	stream.indirect.gather [hbm4b:s3+s10], $0x1, s7, s10, $0xb8;
	[tilespmem:$0x1AB80] =	vst v63  }
0x139: {  	s7 =	sadd.s32 $0x2480, s6;
	s2 =	simm.s32 $0x19B80  }
0x13a: {  	[tilespmem:s2], [sflag:$0x1] =	stream.indirect.gather [hbm4b:s3+s10], $0x1, s7, s10, $0xb8;
	[tilespmem:$0x1AB80] =	vst v63  }
0x13b: {  	s6 =	sadd.s32 $0x2500, s6;
	s7 =	simm.s32 $0x19C00  }
0x13c: {  	[tilespmem:s7], [sflag:$0x1] =	stream.indirect.gather [hbm4b:s3+s10], $0x1, s6, s10, $0xb8;
	[tilespmem:$0x1AB80] =	vst v63  }
.LBB2_6:
0x13d: {  	_ =	swait.ge [sflag:s23], $0x80  }
0x13e: {  	[sflag:s23] =	ssyncset.done $0x0  }
0x13f: {  	[sflag:s23] =	ssyncadd.s32 $0xFFFFFF80  }
0x140: {  	_ =	swait.ge [sflag:s23], $0x80  }
0x141: {  	[sflag:s23] =	ssyncset.done $0x0  }
0x142: {  	[sflag:s23] =	ssyncadd.s32 $0xFFFFFF80  }
0x143: {  	_ =	swait.ge [sflag:s23], $0x80  }
0x144: {  	[sflag:s23] =	ssyncset.done $0x0  }
0x145: {  	[sflag:s23] =	ssyncadd.s32 $0xFFFFFF80  }
0x146: {  	_ =	swait.ge [sflag:s23], $0x80  }
0x147: {  	[sflag:s23] =	ssyncset.done $0x0  }
0x148: {  	[sflag:s23] =	ssyncadd.s32 $0xFFFFFF80  }
0x149: {  	_ =	swait.ge [sflag:s23], $0x80  }
0x14a: {  	[sflag:s23] =	ssyncset.done $0x0  }
0x14b: {  	[sflag:s23] =	ssyncadd.s32 $0xFFFFFF80  }
0x14c: {  	_ =	swait.ge [sflag:s23], $0x80  }
0x14d: {  	[sflag:s23] =	ssyncset.done $0x0  }
0x14e: {  	[sflag:s23] =	ssyncadd.s32 $0xFFFFFF80  }
0x14f: {  	_ =	swait.ge [sflag:s23], $0x80  }
0x150: {  	[sflag:s23] =	ssyncset.done $0x0  }
0x151: {  	[sflag:s23] =	ssyncadd.s32 $0xFFFFFF80  }
0x152: {  	_ =	swait.ge [sflag:s23], $0x80  }
0x153: {  	[sflag:s23] =	ssyncset.done $0x0  }
0x154: {  	[sflag:s23] =	ssyncadd.s32 $0xFFFFFF80  }
0x155: {  	_ =	swait.ge [sflag:s23], $0x80  }
0x156: {  	[sflag:s23] =	ssyncset.done $0x0  }
0x157: {  	[sflag:s23] =	ssyncadd.s32 $0xFFFFFF80  }
0x158: {  	_ =	swait.ge [sflag:s23], $0x80  }
0x159: {  	[sflag:s23] =	ssyncset.done $0x0  }
0x15a: {  	[sflag:s23] =	ssyncadd.s32 $0xFFFFFF80  }
0x15b: {  	_ =	swait.ge [sflag:s23], $0x80  }
0x15c: {  	[sflag:s23] =	ssyncset.done $0x0  }
0x15d: {  	[sflag:s23] =	ssyncadd.s32 $0xFFFFFF80  }
0x15e: {  	_ =	swait.ge [sflag:s23], $0x80  }
0x15f: {  	[sflag:s23] =	ssyncset.done $0x0  }
0x160: {  	[sflag:s23] =	ssyncadd.s32 $0xFFFFFF80  }
0x161: {  	_ =	swait.ge [sflag:s23], $0x80  }
0x162: {  	[sflag:s23] =	ssyncset.done $0x0  }
0x163: {  	[sflag:s23] =	ssyncadd.s32 $0xFFFFFF80  }
0x164: {  	_ =	swait.ge [sflag:s23], $0x80  }
0x165: {  	[sflag:s23] =	ssyncset.done $0x0  }
0x166: {  	[sflag:s23] =	ssyncadd.s32 $0xFFFFFF80  }
0x167: {  	_ =	swait.ge [sflag:s23], $0x80  }
0x168: {  	[sflag:s23] =	ssyncset.done $0x0  }
0x169: {  	[sflag:s23] =	ssyncadd.s32 $0xFFFFFF80  }
0x16a: {  	_ =	swait.ge [sflag:s23], $0x80  }
0x16b: {  	[sflag:s23] =	ssyncset.done $0x0  }
0x16c: {  	[sflag:s23] =	ssyncadd.s32 $0xFFFFFF80  }
0x16d: {  	_ =	swait.ge [sflag:s23], $0x80  }
0x16e: {  	[sflag:s23] =	ssyncset.done $0x0  }
0x16f: {  	[sflag:s23] =	ssyncadd.s32 $0xFFFFFF80  }
0x170: {  	_ =	swait.ge [sflag:s23], $0x80  }
0x171: {  	[sflag:s23] =	ssyncset.done $0x0  }
0x172: {  	[sflag:s23] =	ssyncadd.s32 $0xFFFFFF80  }
0x173: {  	_ =	swait.ge [sflag:s23], $0x80  }
0x174: {  	[sflag:s23] =	ssyncset.done $0x0  }
0x175: {  	[sflag:s23] =	ssyncadd.s32 $0xFFFFFF80  }
0x176: {  	_ =	swait.ge [sflag:s23], $0x80  }
0x177: {  	[sflag:s23] =	ssyncset.done $0x0  }
0x178: {  	[sflag:s23] =	ssyncadd.s32 $0xFFFFFF80  }
0x179: {  	_ =	swait.ge [sflag:s23], $0x80  }
0x17a: {  	[sflag:s23] =	ssyncset.done $0x0  }
0x17b: {  	[sflag:s23] =	ssyncadd.s32 $0xFFFFFF80  }
0x17c: {  	_ =	swait.ge [sflag:s23], $0x80  }
0x17d: {  	[sflag:s23] =	ssyncset.done $0x0  }
0x17e: {  	[sflag:s23] =	ssyncadd.s32 $0xFFFFFF80  }
0x17f: {  	_ =	swait.ge [sflag:s23], $0x80  }
0x180: {  	[sflag:s23] =	ssyncset.done $0x0  }
0x181: {  	[sflag:s23] =	ssyncadd.s32 $0xFFFFFF80  }
0x182: {  	_ =	swait.ge [sflag:s23], $0x80  }
0x183: {  	[sflag:s23] =	ssyncset.done $0x0  }
0x184: {  	[sflag:s23] =	ssyncadd.s32 $0xFFFFFF80  }
0x185: {  	_ =	swait.ge [sflag:s23], $0x80  }
0x186: {  	[sflag:s23] =	ssyncset.done $0x0  }
0x187: {  	s6 =	simm.s32 $0x0;
	[sflag:s23] =	ssyncadd.s32 $0xFFFFFF80  }
0x188: {  	v1 =	vld [tilespmem:s6+$0x19C80];
	_ =	sdelay $0x1  }
0x189: {  	v2 =	vld [tilespmem:s6+$0x19C90];
	_ =	sdelay $0x1  }
0x18a: {  	v3 =	vimm.f32 $0.0e+00;
	v4 =	vld [tilespmem:s6+$0x19CA0]  }
0x18b: {  	v1 =	vadd.f32 v1, v3  }
0x18c: {  	v3 =	vld [tilespmem:s6+$0x19CB0]  }
0x18d: {  	v1 =	vadd.f32 v2, v1  }
0x18e: {  	v2 =	vld [tilespmem:s6+$0x19CC0]  }
0x18f: {  	v1 =	vadd.f32 v4, v1;
	_ =	sdelay $0x1  }
0x190: {  	v4 =	vld [tilespmem:s6+$0x19CD0];
	v1 =	vadd.f32 v3, v1;
	_ =	sdelay $0x1  }
0x191: {  	v3 =	vadd.f32 v2, v1;
	v2 =	vld [tilespmem:s6+$0x19CE0];
	_ =	sdelay $0x1  }
0x192: {  	v1 =	vld [tilespmem:s6+$0x19CF0]  }
0x193: {  	s7 =	simm.s32 $0x400;
	s6 =	simm.s32 $0x80;
	v3 =	vadd.f32 v4, v3  }
.LBB2_7:
0x194: {  	p0 =	sne.s32 s7, $0x3000;
	v4 =	vld [tilespmem:s6+$0x19C80]  }
0x195: {  	v2 =	vadd.f32 v2, v3  }
0x196: {  	v3 =	vld [tilespmem:s6+$0x19C90]  }
0x197: {  	v1 =	vadd.f32 v1, v2  }
0x198: {  	v2 =	vld [tilespmem:s6+$0x19CA0]  }
0x199: {  	v1 =	vadd.f32 v4, v1  }
0x19a: {  	v4 =	vld [tilespmem:s6+$0x19CB0]  }
0x19b: {  	v1 =	vadd.f32 v3, v1  }
0x19c: {  	v3 =	vld [tilespmem:s6+$0x19CC0]  }
0x19d: {  	v1 =	vadd.f32 v2, v1  }
0x19e: {  	v5 =	vld [tilespmem:s6+$0x19CD0]  }
.Ltmp2:
0x19f: {  	v1 =	vadd.f32 v4, v1;
	(pc) =	sbr.rel @p0 .LBB2_7-.Ltmp2, $4  }
0x1a0: {  	v2 =	vld [tilespmem:s6+$0x19CE0]  }
0x1a1: {  	v3 =	vadd.f32 v3, v1  }
0x1a2: {  	v1 =	vld [tilespmem:s6+$0x19CF0]  }
0x1a3: {  	s6 =	sshra.s32 s7, $0x2;
	s7 =	sadd.s32 $0x200, s7;
	v3 =	vadd.f32 v5, v3  }
0x1a4: {  	v4 =	vld [tilespmem:s6+$0x19C80]  }
0x1a5: {  	v2 =	vadd.f32 v2, v3  }
0x1a6: {  	v3 =	vld [tilespmem:s6+$0x19C90]  }
0x1a7: {  	v1 =	vadd.f32 v1, v2  }
0x1a8: {  	v2 =	vld [tilespmem:s6+$0x19CA0]  }
0x1a9: {  	v1 =	vadd.f32 v4, v1  }
0x1aa: {  	v62 =	vld [tilespmem:s6+$0x19CB0]  }
0x1ab: {  	v1 =	vadd.f32 v3, v1  }
0x1ac: {  	v3 =	vld [tilespmem:s6+$0x19CC0]  }
0x1ad: {  	v1 =	vadd.f32 v2, v1  }
0x1ae: {  	v2 =	vld [tilespmem:s6+$0x19CD0]  }
0x1af: {  	v1 =	vadd.f32 v62, v1  }
0x1b0: {  	v63 =	vld [tilespmem:s6+$0x19CE0]  }
0x1b1: {  	v1 =	vadd.f32 v3, v1  }
0x1b2: {  	v3 =	vld [tilespmem:s6+$0x19CF0]  }
0x1b3: {  	v1 =	vadd.f32 v2, v1;
	_ =	sdelay $0x1  }
0x1b4: {  	v1 =	vadd.f32 v63, v1;
	_ =	sdelay $0x1  }
0x1b5: {  	v1 =	vadd.f32 v3, v1;
	_ =	sdelay $0x1  }
0x1b6: {  	v1 =	vmul.f32 $4.999999890e-03, v1;
	_ =	sdelay $0x1  }
0x1b7: {  	v1 =	vadd.f32 v1, v0;
	_ =	sdelay $0x1  }
0x1b8: {  	v1 =	vadd.f32 v1, v1;
	_ =	sdelay $0x1  }
0x1b9: {  	v1 =	vmul.f32 $1.442695020e+00, v1;
	_ =	sdelay $0x1  }
0x1ba: {  	(erf) = vpow2.f32 v1;
	_ =	sdelay $0x8  }
0x1bb: {  	v1 =	vpop (erf)  }
0x1bc: {  	v1 =	vadd.f32 $1.000000000e+00, v1;
	_ =	sdelay $0x1  }
0x1bd: {  	(erf) = vrcp.f32 v1;
	_ =	sdelay $0x7  }
0x1be: {  	s4 =	sadd.s32 $0x1, s4  }
0x1bf: {  	p0 =	sne.s32 s4, $0x10;
	v1 =	vpop (erf)  }
.Ltmp3:
0x1c0: {  	v1 =	vadd.f32 v1, v1;
	(pc) =	sbr.rel @p0 .LBB2_2-.Ltmp3, $4  }
0x1c1: {  	_ = 	snop  }
0x1c2: {  	s5 =	sshll.u32 s5, $0x4;
	v1 =	vsub.f32 $1.000000000e+00, v1  }
0x1c3: {  	s5 =	sand.u32 $0x3FFFFFF0, s5  }
0x1c4: {  	[tilespmem:s5+$0x1A900] =	vst v1  }
0x1c5: {  	s6 =	simm.s32 $0x0  }
0x1c6: {  	s4 =	rddreg [dreg:$0x5];
	s2 =	simm.s32 $0x1A900;
	s7 =	simm.s32 $0x3  }
0x1c7: {  	[hbm4b:s4+s6] =	stream.linear.scatter [tilespmem:s2], [sflag:$0x3], $0x200, $0x38;
	[tilespmem:$0x1AB80] =	vst v63  }
0x1c8: {  	_ =	swait.ge [sflag:s7], $0x200  }
0x1c9: {  	s4 =	rddreg [dreg:$0x7]  }
0x1ca: {  	s5 =	rddreg [dreg:$0x6];
	s2 =	sadd.s32 $0x1, s4  }
0x1cb: {  	p0 =	sne.s32 s2, s5  }
.Ltmp4:
0x1cc: {  	_ = 	snop;
	(pc) =	sbr.rel @p0 .LBB2_1-.Ltmp4, $3  }
0x1cd: {  	_ =	sdelay $0x1  }
0x1ce: {  	[sflag:s7] =	ssyncset.done $0x0  }
0x1cf: {  	[sflag:s7] =	ssyncadd.s32 $0xFFFFFE00  }
0x1d0: {  	_ =	sfence.sel $0x180000  }
0x1d1: {  	[bflag:$0x0] =	sbarrier.arrive $0xFFFF  }
0x1d2: {  	_ =	strace $0x90000047  }
0x1d3: {  	s0 =	stileid.u32;
	[bflag:$0x2] =	sbarrier.arrive $0xFFFF  }
0x1d4: {  	p0 =	sne.s32 s0, $0x0;
	s0 =	rddreg [dreg:$0x2]  }
0x1d5: {  	s0 =	sadd.s32 @!p0 $0x100000, s0  }
0x1d6: {  	[sflag:s0] =	ssyncadd.tile.s32 @!p0 $0x1;
	_ =	shalt  }
.Lfunc_end2:
_tile_overlayer_lowered:
.L_overlay_start_2:
0x1d7: {  	(tag) =	ssettag $0x2  }
0x1d8: {  	s0 =	rddreg [dreg:$0x0];
	s2 =	stileid.u32  }
0x1d9: {  	s1 =	rddreg [dreg:$0x1];
	p0 =	sne.s32 s2, $0x0  }
0x1da: {  	s3 =	rddreg [dreg:$0x2];
	[bflag:$0x3] =	sbarrier.arrive $0xFFFF;
	s2 =	simm.s32 @!p0 $0x1C03  }
0x1db: {  	[timem:s3], [sflag:s2] =	dma.local @!p0 [hbm:s0], s1  }
0x1dc: {  	s0 =	simm.s32 @!p0 $0x3  }
0x1dd: {  	_ =	swait.ge @!p0 [sflag:s0], s1  }
0x1de: {  	s1 =	ssub.s32 @!p0 $0x0, s1;
	[sflag:s0] =	ssyncset.done @!p0 $0x0  }
0x1df: {  	[sflag:s0] =	ssyncadd.s32 @!p0 s1  }
0x1e0: {  	[bflag:$0x3] =	sbarrier.arrive $0xFFFF  }
0x1e1: {  	_ =	shalt  }

</sc_bundles>
